<compile_context>
chip_gen: v7x
topology: tpu7x:2x2x1
jax: 0.10.2.dev20260603
libtpu: 0.0.44.dev20260713+nightly
codegen_flags: <defaults>
</compile_context>

<pallas_src>
import functools

import jax
import jax.numpy as jnp
from jax import lax
from jax.experimental import pallas as pl
from jax.experimental.pallas import tpu as pltpu
from jax.experimental.pallas import tpu_sc as plsc

N = 10000
MAX_NBRS = 32
D = 128
DEPTH = 3

NC = 2
NS = 16
NW = NC * NS
PER_W = 320
NP = NW * PER_W
IDX_CHUNK = 64
NODES_PER_CHUNK = IDX_CHUNK // MAX_NBRS
N_CHUNKS = PER_W // NODES_PER_CHUNK
PBUF_ROWS = 64


def _sc_gather_body(h_hbm, pidx_hbm, nidx_hbm, didx_hbm, hp_hbm, hs_hbm,
                    pidx_v, nidx_v, didx_v, nbufs, pbufs, zbuf, hs_sh,
                    sem_p, sem_pw, sem_g, sem_s):
    sid = lax.axis_index("s")
    wid = sid * NC + lax.axis_index("c")
    base = wid * PER_W

    pltpu.sync_copy(pidx_hbm.at[pl.ds(base, PER_W)], pidx_v)
    pltpu.sync_copy(nidx_hbm.at[pl.ds(base * MAX_NBRS, PER_W * MAX_NBRS)],
                    nidx_v)
    pltpu.sync_copy(didx_hbm.at[sid], didx_v)

    zero = jnp.zeros((16,), jnp.float32)

    def zrow(r, carry):
        for col in range(D // 16):
            zbuf[r, pl.ds(col * 16, 16)] = zero
        return carry

    lax.fori_loop(0, PBUF_ROWS, zrow, 0)
    for k in range(PER_W // PBUF_ROWS):
        pltpu.sync_copy(zbuf,
                        hs_sh.at[pl.ds(sid * PER_W + k * PBUF_ROWS,
                                       PBUF_ROWS)])

    def nbr_gather(c, b):
        return pltpu.make_async_copy(
            h_hbm.at[nidx_v.at[pl.ds(c * IDX_CHUNK, IDX_CHUNK)]],
            nbufs[b], sem_g[b])

    def start_scatter_add(c, b):
        pltpu.async_copy(
            nbufs[b],
            hs_sh.at[didx_v.at[pl.ds(c * IDX_CHUNK, IDX_CHUNK)]],
            sem_s[b], add=True)

    def wait_scatter_add(c, b):
        pltpu.make_async_copy(
            nbufs[b],
            hs_sh.at[didx_v.at[pl.ds(c * IDX_CHUNK, IDX_CHUNK)]],
            sem_s[b]).wait()

    nbr_gather(0, 0).start()
    nbr_gather(1, 1).start()
    nbr_gather(2, 2).start()
    nbr_gather(3, 3).start()

    def pwrite(k):
        return pltpu.make_async_copy(
            pbufs[k % 2], hp_hbm.at[pl.ds(base + k * PBUF_ROWS, PBUF_ROWS)],
            sem_pw)

    n_pchunks = PER_W // PBUF_ROWS
    for k in range(n_pchunks):
        if k >= 2:
            pwrite(k - 2).wait()
        pltpu.async_copy(h_hbm.at[pidx_v.at[pl.ds(k * PBUF_ROWS, PBUF_ROWS)]],
                         pbufs[k % 2], sem_p).wait()
        pwrite(k).start()

    def superblock(j, carry):
        for b in range(5):
            c = 5 * j + b

            @pl.when(c >= 1)
            def _():
                wait_scatter_add(c - 1, (b + 4) % 5)

            nbr_gather(c, b).wait()
            start_scatter_add(c, b)

            @pl.when(c + 4 < N_CHUNKS)
            def _():
                nbr_gather(c + 4, (b + 4) % 5).start()

        return carry

    lax.fori_loop(0, N_CHUNKS // 5, superblock, 0)

    wait_scatter_add(N_CHUNKS - 1, (N_CHUNKS - 1) % 5)
    pwrite(n_pchunks - 2).wait()
    pwrite(n_pchunks - 1).wait()
    pltpu.sync_copy(hs_sh.at[pl.ds(sid * PER_W, PER_W)],
                    hs_hbm.at[pl.ds(base, PER_W)])


@functools.partial(
    pl.kernel,
    out_type=(jax.ShapeDtypeStruct((NP, D), jnp.float32),
              jax.ShapeDtypeStruct((NP, D), jnp.float32)),
    mesh=plsc.VectorSubcoreMesh(core_axis_name="c", subcore_axis_name="s"),
    scratch_types=[
        pltpu.VMEM((PER_W,), jnp.int32),
        pltpu.VMEM((PER_W * MAX_NBRS,), jnp.int32),
        pltpu.VMEM((PER_W * MAX_NBRS,), jnp.int32),
        [pltpu.VMEM((IDX_CHUNK, D), jnp.float32) for _ in range(5)],
        [pltpu.VMEM((PBUF_ROWS, D), jnp.float32) for _ in range(2)],
        pltpu.VMEM((PBUF_ROWS, D), jnp.float32),
        pltpu.VMEM_SHARED((NS * PER_W, D), jnp.float32),
        pltpu.SemaphoreType.DMA,
        pltpu.SemaphoreType.DMA,
        [pltpu.SemaphoreType.DMA for _ in range(5)],
        [pltpu.SemaphoreType.DMA for _ in range(5)],
    ],
)
def _sc_gather(h_hbm, pidx_hbm, nidx_hbm, didx_hbm, hp_hbm, hs_hbm,
               pidx_v, nidx_v, didx_v, nbufs, pbufs, zbuf, hs_sh,
               sem_p, sem_pw, sem_g, sem_s):
    _sc_gather_body(h_hbm, pidx_hbm, nidx_hbm, didx_hbm, hp_hbm, hs_hbm,
                    pidx_v, nidx_v, didx_v, nbufs, pbufs, zbuf, hs_sh,
                    sem_p, sem_pw, sem_g, sem_s)


def _fc_body(x_ref, w_ref, b_ref, o_ref):
    o_ref[...] = (jnp.dot(x_ref[...], w_ref[...],
                          preferred_element_type=jnp.float32) + b_ref[...])


def _update_body(h_ref, hp_ref, hs_ref, wpn_ref, bpn_ref,
                 wih_ref, bih_ref, whh_ref, bhh_ref, out_ref):
    h = h_ref[...]
    x2 = jnp.concatenate([hp_ref[...], hs_ref[...] * (1.0 / MAX_NBRS)],
                         axis=1)
    s = (jnp.dot(x2, wpn_ref[...], preferred_element_type=jnp.float32)
         + bpn_ref[...])
    gi = (jnp.dot(h, wih_ref[...], preferred_element_type=jnp.float32)
          + bih_ref[...])
    gh = (jnp.dot(s, whh_ref[...], preferred_element_type=jnp.float32)
          + bhh_ref[...])
    r = jax.nn.sigmoid(gi[:, :D] + gh[:, :D])
    z = jax.nn.sigmoid(gi[:, D:2 * D] + gh[:, D:2 * D])
    n = jnp.tanh(gi[:, 2 * D:] + r * gh[:, 2 * D:])
    out_ref[...] = (1.0 - z) * n + z * s


_ROWS = 1024


def _tc_fc(x, w, b):
    grid = (x.shape[0] // _ROWS,)
    return pl.pallas_call(
        _fc_body,
        grid=grid,
        in_specs=[
            pl.BlockSpec((_ROWS, D), lambda i: (i, 0)),
            pl.BlockSpec((D, D), lambda i: (0, 0)),
            pl.BlockSpec((1, D), lambda i: (0, 0)),
        ],
        out_specs=pl.BlockSpec((_ROWS, D), lambda i: (i, 0)),
        out_shape=jax.ShapeDtypeStruct((x.shape[0], D), jnp.float32),
    )(x, w, b)


def _tc_update(h, hp, hs, wpn, bpn, wih, bih, whh, bhh):
    grid = (h.shape[0] // _ROWS,)
    return pl.pallas_call(
        _update_body,
        grid=grid,
        in_specs=[
            pl.BlockSpec((_ROWS, D), lambda i: (i, 0)),
            pl.BlockSpec((_ROWS, D), lambda i: (i, 0)),
            pl.BlockSpec((_ROWS, D), lambda i: (i, 0)),
            pl.BlockSpec((2 * D, D), lambda i: (0, 0)),
            pl.BlockSpec((1, D), lambda i: (0, 0)),
            pl.BlockSpec((D, 3 * D), lambda i: (0, 0)),
            pl.BlockSpec((1, 3 * D), lambda i: (0, 0)),
            pl.BlockSpec((D, 3 * D), lambda i: (0, 0)),
            pl.BlockSpec((1, 3 * D), lambda i: (0, 0)),
        ],
        out_specs=pl.BlockSpec((_ROWS, D), lambda i: (i, 0)),
        out_shape=jax.ShapeDtypeStruct((h.shape[0], D), jnp.float32),
    )(h, hp, hs, wpn, bpn, wih, bih, whh, bhh)


def kernel(nodeAdjacencySpecTensor, nodeNamesEncoded, nodeAttributesEncoded,
           W_fc, b_fc, W_parent, b_parent, W_nbr, b_nbr,
           W_ih, b_ih, W_hh, b_hh):
    adj = nodeAdjacencySpecTensor.astype(jnp.int32)
    spread_p = (jnp.arange(NP - N, dtype=jnp.int32) * 37) % N
    spread_n = (jnp.arange((NP - N) * MAX_NBRS, dtype=jnp.int32) * 37) % N
    pidx = jnp.concatenate([adj[:, 0], spread_p])
    nidx = jnp.concatenate([adj[:, 1:].reshape(-1), spread_n])

    didx = (jnp.arange(NS, dtype=jnp.int32)[:, None] * PER_W
            + jnp.repeat(jnp.arange(PER_W, dtype=jnp.int32), MAX_NBRS)[None, :])

    x = jnp.concatenate([nodeNamesEncoded, nodeAttributesEncoded], axis=1)
    x = jnp.pad(x, ((0, NP - N), (0, 0)))

    wpn = jnp.concatenate([W_parent, W_nbr], axis=0)
    bpn = (b_parent + b_nbr).reshape(1, D)
    bih = b_ih.reshape(1, 3 * D)
    bhh = b_hh.reshape(1, 3 * D)
    bfc = b_fc.reshape(1, D)

    h = _tc_fc(x, W_fc, bfc)
    for _ in range(DEPTH):
        hp, hs = _sc_gather(h, pidx, nidx, didx)
        h = _tc_update(h, hp, hs, wpn, bpn, W_ih, bih, W_hh, bhh)
    return h[:N]

# --- scband reference (transcript-rebuilt; emitter-appended) ---
"""Pipeline reference for scband-node-info-propagate-64948495450623 (READ-ONLY COPY).

The authoritative reference and input builder live on the scoring server;
editing this copy changes nothing except your own understanding.
"""

import jax, jax.numpy as jnp
import numpy as np

N = 10000
MAX_NBRS = 32
D_NAME = 64
D_ATTR = 64
D = 128
DEPTH = 3


def setup_inputs(seed: int = 0) -> dict:
    key = jax.random.key(seed)
    ks = jax.random.split(key, 16)
    adj = jax.random.randint(ks[0], (N, 1 + MAX_NBRS), 0, N, dtype=jnp.int64)
    names = jax.random.normal(ks[1], (N, D_NAME), dtype=jnp.float32)
    attrs = jax.random.normal(ks[2], (N, D_ATTR), dtype=jnp.float32)
    s = 1.0 / np.sqrt(D)
    W_fc = jax.random.normal(ks[3], (D_NAME + D_ATTR, D), dtype=jnp.float32) * s
    b_fc = jnp.zeros((D,), dtype=jnp.float32)
    W_parent = jax.random.normal(ks[4], (D, D), dtype=jnp.float32) * s
    b_parent = jnp.zeros((D,), dtype=jnp.float32)
    W_nbr = jax.random.normal(ks[5], (D, D), dtype=jnp.float32) * s
    b_nbr = jnp.zeros((D,), dtype=jnp.float32)
    W_ih = jax.random.normal(ks[6], (D, 3 * D), dtype=jnp.float32) * s
    b_ih = jnp.zeros((3 * D,), dtype=jnp.float32)
    W_hh = jax.random.normal(ks[7], (D, 3 * D), dtype=jnp.float32) * s
    b_hh = jnp.zeros((3 * D,), dtype=jnp.float32)
    return {
        "nodeAdjacencySpecTensor": adj,
        "nodeNamesEncoded": names,
        "nodeAttributesEncoded": attrs,
        "W_fc": W_fc, "b_fc": b_fc,
        "W_parent": W_parent, "b_parent": b_parent,
        "W_nbr": W_nbr, "b_nbr": b_nbr,
        "W_ih": W_ih, "b_ih": b_ih,
        "W_hh": W_hh, "b_hh": b_hh,
    }


def _gru_cell(x, h, W_ih, b_ih, W_hh, b_hh):
    gi = x @ W_ih + b_ih
    gh = h @ W_hh + b_hh
    i_r, i_z, i_n = jnp.split(gi, 3, axis=1)
    h_r, h_z, h_n = jnp.split(gh, 3, axis=1)
    r = jax.nn.sigmoid(i_r + h_r)
    z = jax.nn.sigmoid(i_z + h_z)
    n = jnp.tanh(i_n + r * h_n)
    return (1.0 - z) * n + z * h


def reference(nodeAdjacencySpecTensor, nodeNamesEncoded, nodeAttributesEncoded,
              W_fc, b_fc, W_parent, b_parent, W_nbr, b_nbr,
              W_ih, b_ih, W_hh, b_hh):
    adj = nodeAdjacencySpecTensor
    parent_idx = adj[:, 0]
    nbr_idx = adj[:, 1:]
    mask = nbr_idx >= 0
    safe_idx = jnp.where(mask, nbr_idx, 0)
    maskf = mask.astype(jnp.float32)
    cnt = jnp.maximum(maskf.sum(axis=1), 1.0)

    nodeInfosEncoded = jnp.concatenate([nodeNamesEncoded, nodeAttributesEncoded], axis=1)
    h = nodeInfosEncoded @ W_fc + b_fc
    for _ in range(DEPTH):
        parentInfos = h @ W_parent + b_parent
        neighborInfos = h @ W_nbr + b_nbr
        gathered = jnp.take(neighborInfos, safe_idx, axis=0) * maskf[:, :, None]
        nbr_sum = gathered.sum(axis=1)
        summary = jnp.take(parentInfos, parent_idx, axis=0) + nbr_sum / cnt[:, None]
        h = _gru_cell(h, summary, W_ih, b_ih, W_hh, b_hh)
    return h

if __name__ == "__main__":
    import jax
    _d = setup_inputs()
    print(jax.jit(kernel)(*tuple(_d.values())))

</pallas_src>

<mosaic_0001>
#map = affine_map<(d0, d1) -> (0, 0)>
#map1 = affine_map<(d0, d1) -> (0)>
module attributes {stable_mosaic.version = 14 : i64} {
  func.func @_sc_gather(%arg0: i32, %arg1: i32, %arg2: memref<10240x128xf32, #tpu.memory_space<hbm>>, %arg3: memref<10240xi32, #tpu.memory_space<hbm>>, %arg4: memref<327680xi32, #tpu.memory_space<hbm>>, %arg5: memref<16x10240xi32, #tpu.memory_space<hbm>>, %arg6: memref<10240x128xf32, #tpu.memory_space<hbm>>, %arg7: memref<10240x128xf32, #tpu.memory_space<hbm>>, %arg8: memref<320xi32, #tpu.memory_space<vmem>>, %arg9: memref<10240xi32, #tpu.memory_space<vmem>>, %arg10: memref<10240xi32, #tpu.memory_space<vmem>>, %arg11: memref<64x128xf32, #tpu.memory_space<vmem>>, %arg12: memref<64x128xf32, #tpu.memory_space<vmem>>, %arg13: memref<64x128xf32, #tpu.memory_space<vmem>>, %arg14: memref<64x128xf32, #tpu.memory_space<vmem>>, %arg15: memref<64x128xf32, #tpu.memory_space<vmem>>, %arg16: memref<64x128xf32, #tpu.memory_space<vmem>>, %arg17: memref<64x128xf32, #tpu.memory_space<vmem>>, %arg18: memref<64x128xf32, #tpu.memory_space<vmem>>, %arg19: memref<5120x128xf32, #tpu.memory_space<vmem_shared>>, %arg20: memref<!tpu.dma_semaphore, #tpu.memory_space<semaphore_mem>>, %arg21: memref<!tpu.dma_semaphore, #tpu.memory_space<semaphore_mem>>, %arg22: memref<!tpu.dma_semaphore, #tpu.memory_space<semaphore_mem>>, %arg23: memref<!tpu.dma_semaphore, #tpu.memory_space<semaphore_mem>>, %arg24: memref<!tpu.dma_semaphore, #tpu.memory_space<semaphore_mem>>, %arg25: memref<!tpu.dma_semaphore, #tpu.memory_space<semaphore_mem>>, %arg26: memref<!tpu.dma_semaphore, #tpu.memory_space<semaphore_mem>>, %arg27: memref<!tpu.dma_semaphore, #tpu.memory_space<semaphore_mem>>, %arg28: memref<!tpu.dma_semaphore, #tpu.memory_space<semaphore_mem>>, %arg29: memref<!tpu.dma_semaphore, #tpu.memory_space<semaphore_mem>>, %arg30: memref<!tpu.dma_semaphore, #tpu.memory_space<semaphore_mem>>, %arg31: memref<!tpu.dma_semaphore, #tpu.memory_space<semaphore_mem>>) attributes {dimension_semantics = [#tpu.dimension_semantics<core_parallel>, #tpu.dimension_semantics<subcore_parallel>], iteration_bounds = array<i64: 2, 16>, scalar_prefetch = 0 : i64, scratch_operands = 24 : i64, tpu.core_type = #tpu.core_type<sc_vector_subcore>, window_params = [{transform_indices = #map}, {transform_indices = #map1}, {transform_indices = #map1}, {transform_indices = #map}, {transform_indices = #map}, {transform_indices = #map}]} {
    %mul3A = arith.constant 2 : i32
    %mul3A_0 = arith.muli %arg1, %mul3A : i32
    %add3A = arith.addi %mul3A_0, %arg0 : i32
    %mul3A_1 = arith.constant 320 : i32
    %mul3A_2 = arith.muli %add3A, %mul3A_1 : i32
    "tpu.region"() ({
      %run_scoped3A = tpu.sem_alloc : memref<!tpu.dma_semaphore, #tpu.memory_space<semaphore_mem>>
      %dma_start3A_172 = tpu.memref_slice %arg3[%mul3A_2] : memref<10240xi32, #tpu.memory_space<hbm>> -> memref<320xi32, #tpu.memory_space<hbm>>
      %dma_start3A_173 = tpu.memref_slice %arg3[%mul3A_2] : memref<10240xi32, #tpu.memory_space<hbm>> -> memref<320xi32, #tpu.memory_space<hbm>>
      tpu.enqueue_dma source(%dma_start3A_173 : memref<320xi32, #tpu.memory_space<hbm>>) target(%arg8 : memref<320xi32, #tpu.memory_space<vmem>>) target_semaphore(%run_scoped3A : memref<!tpu.dma_semaphore, #tpu.memory_space<semaphore_mem>>)
      %dma_wait3A_174 = tpu.memref_slice %arg3[%mul3A_2] : memref<10240xi32, #tpu.memory_space<hbm>> -> memref<320xi32, #tpu.memory_space<hbm>>
      %dma_wait3A_175 = tpu.memref_slice %arg3[%mul3A_2] : memref<10240xi32, #tpu.memory_space<hbm>> -> memref<320xi32, #tpu.memory_space<hbm>>
      tpu.wait_dma2 semaphore(%run_scoped3A : memref<!tpu.dma_semaphore, #tpu.memory_space<semaphore_mem>>) src(%dma_wait3A_175 : memref<320xi32, #tpu.memory_space<hbm>>) dst(%arg8 : memref<320xi32, #tpu.memory_space<vmem>>)
      tpu.yield
    }) : () -> ()
    %mul3A_3 = arith.constant 32 : i32
    %mul3A_4 = arith.muli %mul3A_2, %mul3A_3 : i32
    "tpu.region"() ({
      %run_scoped3A = tpu.sem_alloc : memref<!tpu.dma_semaphore, #tpu.memory_space<semaphore_mem>>
      %dma_start3A_172 = tpu.memref_slice %arg4[%mul3A_4] : memref<327680xi32, #tpu.memory_space<hbm>> -> memref<10240xi32, #tpu.memory_space<hbm>>
      %dma_start3A_173 = tpu.memref_slice %arg4[%mul3A_4] : memref<327680xi32, #tpu.memory_space<hbm>> -> memref<10240xi32, #tpu.memory_space<hbm>>
      tpu.enqueue_dma source(%dma_start3A_173 : memref<10240xi32, #tpu.memory_space<hbm>>) target(%arg9 : memref<10240xi32, #tpu.memory_space<vmem>>) target_semaphore(%run_scoped3A : memref<!tpu.dma_semaphore, #tpu.memory_space<semaphore_mem>>)
      %dma_wait3A_174 = tpu.memref_slice %arg4[%mul3A_4] : memref<327680xi32, #tpu.memory_space<hbm>> -> memref<10240xi32, #tpu.memory_space<hbm>>
      %dma_wait3A_175 = tpu.memref_slice %arg4[%mul3A_4] : memref<327680xi32, #tpu.memory_space<hbm>> -> memref<10240xi32, #tpu.memory_space<hbm>>
      tpu.wait_dma2 semaphore(%run_scoped3A : memref<!tpu.dma_semaphore, #tpu.memory_space<semaphore_mem>>) src(%dma_wait3A_175 : memref<10240xi32, #tpu.memory_space<hbm>>) dst(%arg9 : memref<10240xi32, #tpu.memory_space<vmem>>)
      tpu.yield
    }) : () -> ()
    "tpu.region"() ({
      %run_scoped3A = tpu.sem_alloc : memref<!tpu.dma_semaphore, #tpu.memory_space<semaphore_mem>>
      %dma_start3A_172 = arith.constant 0 : i32
      %dma_start3A_173 = tpu.memref_slice %arg5[%arg1, %dma_start3A_172] : memref<16x10240xi32, #tpu.memory_space<hbm>> -> memref<1x10240xi32, #tpu.memory_space<hbm>>
      %dma_start3A_174 = tpu.memref_squeeze %dma_start3A_173 : memref<1x10240xi32, #tpu.memory_space<hbm>> -> memref<10240xi32, #tpu.memory_space<hbm>>
      %dma_start3A_175 = arith.constant 0 : i32
      %dma_start3A_176 = tpu.memref_slice %arg5[%arg1, %dma_start3A_175] : memref<16x10240xi32, #tpu.memory_space<hbm>> -> memref<1x10240xi32, #tpu.memory_space<hbm>>
      %dma_start3A_177 = tpu.memref_squeeze %dma_start3A_176 : memref<1x10240xi32, #tpu.memory_space<hbm>> -> memref<10240xi32, #tpu.memory_space<hbm>>
      tpu.enqueue_dma source(%dma_start3A_177 : memref<10240xi32, #tpu.memory_space<hbm>>) target(%arg10 : memref<10240xi32, #tpu.memory_space<vmem>>) target_semaphore(%run_scoped3A : memref<!tpu.dma_semaphore, #tpu.memory_space<semaphore_mem>>)
      %dma_wait3A_178 = arith.constant 0 : i32
      %dma_wait3A_179 = tpu.memref_slice %arg5[%arg1, %dma_wait3A_178] : memref<16x10240xi32, #tpu.memory_space<hbm>> -> memref<1x10240xi32, #tpu.memory_space<hbm>>
      %dma_wait3A_180 = tpu.memref_squeeze %dma_wait3A_179 : memref<1x10240xi32, #tpu.memory_space<hbm>> -> memref<10240xi32, #tpu.memory_space<hbm>>
      %dma_wait3A_181 = arith.constant 0 : i32
      %dma_wait3A_182 = tpu.memref_slice %arg5[%arg1, %dma_wait3A_181] : memref<16x10240xi32, #tpu.memory_space<hbm>> -> memref<1x10240xi32, #tpu.memory_space<hbm>>
      %dma_wait3A_183 = tpu.memref_squeeze %dma_wait3A_182 : memref<1x10240xi32, #tpu.memory_space<hbm>> -> memref<10240xi32, #tpu.memory_space<hbm>>
      tpu.wait_dma2 semaphore(%run_scoped3A : memref<!tpu.dma_semaphore, #tpu.memory_space<semaphore_mem>>) src(%dma_wait3A_183 : memref<10240xi32, #tpu.memory_space<hbm>>) dst(%arg10 : memref<10240xi32, #tpu.memory_space<vmem>>)
      tpu.yield
    }) : () -> ()
    %broadcast_in_dim3A = arith.constant 0.000000e+00 : f32
    %broadcast_in_dim3A_5 = vector.broadcast %broadcast_in_dim3A : f32 to vector<16xf32>
    %scan3A = arith.constant 0 : i32
    %scan3A_6 = arith.constant 0 : i32
    %scan3A_7 = arith.constant 64 : i32
    %scan3A_8 = arith.addi %scan3A_6, %scan3A_7 : i32
    %scan3A_9 = arith.constant 1 : i32
    scf.for %scan3A_172 = %scan3A_6 to %scan3A_8 step %scan3A_9  : i32 {
      %swap3A = arith.index_cast %scan3A_172 : i32 to index
      %swap3A_173 = arith.constant 0 : index
      %swap3A_174 = tpu.vector_load %arg18[%swap3A, %swap3A_173] {strides = array<i32>} : memref<64x128xf32, #tpu.memory_space<vmem>>, vector<1x16xf32>,
      %swap3A_175 = vector.shape_cast %swap3A_174 : vector<1x16xf32> to vector<16xf32>
      %swap3A_176 = vector.shape_cast %broadcast_in_dim3A_5 : vector<16xf32> to vector<1x16xf32>
      tpu.vector_store %arg18[%swap3A, %swap3A_173], %swap3A_176 {strides = array<i32>} : memref<64x128xf32, #tpu.memory_space<vmem>>, vector<1x16xf32>,
      %swap3A_177 = arith.index_cast %scan3A_172 : i32 to index
      %swap3A_178 = arith.constant 16 : index
      %swap3A_179 = tpu.vector_load %arg18[%swap3A_177, %swap3A_178] {strides = array<i32>} : memref<64x128xf32, #tpu.memory_space<vmem>>, vector<1x16xf32>,
      %swap3A_180 = vector.shape_cast %swap3A_179 : vector<1x16xf32> to vector<16xf32>
      %swap3A_181 = vector.shape_cast %broadcast_in_dim3A_5 : vector<16xf32> to vector<1x16xf32>
      tpu.vector_store %arg18[%swap3A_177, %swap3A_178], %swap3A_181 {strides = array<i32>} : memref<64x128xf32, #tpu.memory_space<vmem>>, vector<1x16xf32>,
      %swap3A_182 = arith.index_cast %scan3A_172 : i32 to index
      %swap3A_183 = arith.constant 32 : index
      %swap3A_184 = tpu.vector_load %arg18[%swap3A_182, %swap3A_183] {strides = array<i32>} : memref<64x128xf32, #tpu.memory_space<vmem>>, vector<1x16xf32>,
      %swap3A_185 = vector.shape_cast %swap3A_184 : vector<1x16xf32> to vector<16xf32>
      %swap3A_186 = vector.shape_cast %broadcast_in_dim3A_5 : vector<16xf32> to vector<1x16xf32>
      tpu.vector_store %arg18[%swap3A_182, %swap3A_183], %swap3A_186 {strides = array<i32>} : memref<64x128xf32, #tpu.memory_space<vmem>>, vector<1x16xf32>,
      %swap3A_187 = arith.index_cast %scan3A_172 : i32 to index
      %swap3A_188 = arith.constant 48 : index
      %swap3A_189 = tpu.vector_load %arg18[%swap3A_187, %swap3A_188] {strides = array<i32>} : memref<64x128xf32, #tpu.memory_space<vmem>>, vector<1x16xf32>,
      %swap3A_190 = vector.shape_cast %swap3A_189 : vector<1x16xf32> to vector<16xf32>
      %swap3A_191 = vector.shape_cast %broadcast_in_dim3A_5 : vector<16xf32> to vector<1x16xf32>
      tpu.vector_store %arg18[%swap3A_187, %swap3A_188], %swap3A_191 {strides = array<i32>} : memref<64x128xf32, #tpu.memory_space<vmem>>, vector<1x16xf32>,
      %swap3A_192 = arith.index_cast %scan3A_172 : i32 to index
      %swap3A_193 = arith.constant 64 : index
      %swap3A_194 = tpu.vector_load %arg18[%swap3A_192, %swap3A_193] {strides = array<i32>} : memref<64x128xf32, #tpu.memory_space<vmem>>, vector<1x16xf32>,
      %swap3A_195 = vector.shape_cast %swap3A_194 : vector<1x16xf32> to vector<16xf32>
      %swap3A_196 = vector.shape_cast %broadcast_in_dim3A_5 : vector<16xf32> to vector<1x16xf32>
      tpu.vector_store %arg18[%swap3A_192, %swap3A_193], %swap3A_196 {strides = array<i32>} : memref<64x128xf32, #tpu.memory_space<vmem>>, vector<1x16xf32>,
      %swap3A_197 = arith.index_cast %scan3A_172 : i32 to index
      %swap3A_198 = arith.constant 80 : index
      %swap3A_199 = tpu.vector_load %arg18[%swap3A_197, %swap3A_198] {strides = array<i32>} : memref<64x128xf32, #tpu.memory_space<vmem>>, vector<1x16xf32>,
      %swap3A_200 = vector.shape_cast %swap3A_199 : vector<1x16xf32> to vector<16xf32>
      %swap3A_201 = vector.shape_cast %broadcast_in_dim3A_5 : vector<16xf32> to vector<1x16xf32>
      tpu.vector_store %arg18[%swap3A_197, %swap3A_198], %swap3A_201 {strides = array<i32>} : memref<64x128xf32, #tpu.memory_space<vmem>>, vector<1x16xf32>,
      %swap3A_202 = arith.index_cast %scan3A_172 : i32 to index
      %swap3A_203 = arith.constant 96 : index
      %swap3A_204 = tpu.vector_load %arg18[%swap3A_202, %swap3A_203] {strides = array<i32>} : memref<64x128xf32, #tpu.memory_space<vmem>>, vector<1x16xf32>,
      %swap3A_205 = vector.shape_cast %swap3A_204 : vector<1x16xf32> to vector<16xf32>
      %swap3A_206 = vector.shape_cast %broadcast_in_dim3A_5 : vector<16xf32> to vector<1x16xf32>
      tpu.vector_store %arg18[%swap3A_202, %swap3A_203], %swap3A_206 {strides = array<i32>} : memref<64x128xf32, #tpu.memory_space<vmem>>, vector<1x16xf32>,
      %swap3A_207 = arith.index_cast %scan3A_172 : i32 to index
      %swap3A_208 = arith.constant 112 : index
      %swap3A_209 = tpu.vector_load %arg18[%swap3A_207, %swap3A_208] {strides = array<i32>} : memref<64x128xf32, #tpu.memory_space<vmem>>, vector<1x16xf32>,
      %swap3A_210 = vector.shape_cast %swap3A_209 : vector<1x16xf32> to vector<16xf32>
      %swap3A_211 = vector.shape_cast %broadcast_in_dim3A_5 : vector<16xf32> to vector<1x16xf32>
      tpu.vector_store %arg18[%swap3A_207, %swap3A_208], %swap3A_211 {strides = array<i32>} : memref<64x128xf32, #tpu.memory_space<vmem>>, vector<1x16xf32>,
    }
    %scan3A_10 = arith.constant 64 : i32
    %mul3A_11 = arith.constant 320 : i32
    %mul3A_12 = arith.muli %arg1, %mul3A_11 : i32
    %add3A_13 = arith.constant 0 : i32
    %add3A_14 = arith.addi %mul3A_12, %add3A_13 : i32
    "tpu.region"() ({
      %run_scoped3A = tpu.sem_alloc : memref<!tpu.dma_semaphore, #tpu.memory_space<semaphore_mem>>
      %dma_start3A_172 = arith.constant 0 : i32
      %dma_start3A_173 = tpu.memref_slice %arg19[%add3A_14, %dma_start3A_172] : memref<5120x128xf32, #tpu.memory_space<vmem_shared>> -> memref<64x128xf32, #tpu.memory_space<vmem_shared>>
      %dma_start3A_174 = arith.constant 0 : i32
      %dma_start3A_175 = tpu.memref_slice %arg19[%add3A_14, %dma_start3A_174] : memref<5120x128xf32, #tpu.memory_space<vmem_shared>> -> memref<64x128xf32, #tpu.memory_space<vmem_shared>>
      tpu.enqueue_dma source(%arg18 : memref<64x128xf32, #tpu.memory_space<vmem>>) target(%dma_start3A_175 : memref<64x128xf32, #tpu.memory_space<vmem_shared>>) target_semaphore(%run_scoped3A : memref<!tpu.dma_semaphore, #tpu.memory_space<semaphore_mem>>)
      %dma_wait3A_176 = arith.constant 0 : i32
      %dma_wait3A_177 = tpu.memref_slice %arg19[%add3A_14, %dma_wait3A_176] : memref<5120x128xf32, #tpu.memory_space<vmem_shared>> -> memref<64x128xf32, #tpu.memory_space<vmem_shared>>
      %dma_wait3A_178 = arith.constant 0 : i32
      %dma_wait3A_179 = tpu.memref_slice %arg19[%add3A_14, %dma_wait3A_178] : memref<5120x128xf32, #tpu.memory_space<vmem_shared>> -> memref<64x128xf32, #tpu.memory_space<vmem_shared>>
      tpu.wait_dma2 semaphore(%run_scoped3A : memref<!tpu.dma_semaphore, #tpu.memory_space<semaphore_mem>>) src(%arg18 : memref<64x128xf32, #tpu.memory_space<vmem>>) dst(%dma_wait3A_179 : memref<64x128xf32, #tpu.memory_space<vmem_shared>>)
      tpu.yield
    }) : () -> ()
    %mul3A_15 = arith.constant 320 : i32
    %mul3A_16 = arith.muli %arg1, %mul3A_15 : i32
    %add3A_17 = arith.constant 64 : i32
    %add3A_18 = arith.addi %mul3A_16, %add3A_17 : i32
    "tpu.region"() ({
      %run_scoped3A = tpu.sem_alloc : memref<!tpu.dma_semaphore, #tpu.memory_space<semaphore_mem>>
      %dma_start3A_172 = arith.constant 0 : i32
      %dma_start3A_173 = tpu.memref_slice %arg19[%add3A_18, %dma_start3A_172] : memref<5120x128xf32, #tpu.memory_space<vmem_shared>> -> memref<64x128xf32, #tpu.memory_space<vmem_shared>>
      %dma_start3A_174 = arith.constant 0 : i32
      %dma_start3A_175 = tpu.memref_slice %arg19[%add3A_18, %dma_start3A_174] : memref<5120x128xf32, #tpu.memory_space<vmem_shared>> -> memref<64x128xf32, #tpu.memory_space<vmem_shared>>
      tpu.enqueue_dma source(%arg18 : memref<64x128xf32, #tpu.memory_space<vmem>>) target(%dma_start3A_175 : memref<64x128xf32, #tpu.memory_space<vmem_shared>>) target_semaphore(%run_scoped3A : memref<!tpu.dma_semaphore, #tpu.memory_space<semaphore_mem>>)
      %dma_wait3A_176 = arith.constant 0 : i32
      %dma_wait3A_177 = tpu.memref_slice %arg19[%add3A_18, %dma_wait3A_176] : memref<5120x128xf32, #tpu.memory_space<vmem_shared>> -> memref<64x128xf32, #tpu.memory_space<vmem_shared>>
      %dma_wait3A_178 = arith.constant 0 : i32
      %dma_wait3A_179 = tpu.memref_slice %arg19[%add3A_18, %dma_wait3A_178] : memref<5120x128xf32, #tpu.memory_space<vmem_shared>> -> memref<64x128xf32, #tpu.memory_space<vmem_shared>>
      tpu.wait_dma2 semaphore(%run_scoped3A : memref<!tpu.dma_semaphore, #tpu.memory_space<semaphore_mem>>) src(%arg18 : memref<64x128xf32, #tpu.memory_space<vmem>>) dst(%dma_wait3A_179 : memref<64x128xf32, #tpu.memory_space<vmem_shared>>)
      tpu.yield
    }) : () -> ()
    %mul3A_19 = arith.constant 320 : i32
    %mul3A_20 = arith.muli %arg1, %mul3A_19 : i32
    %add3A_21 = arith.constant 128 : i32
    %add3A_22 = arith.addi %mul3A_20, %add3A_21 : i32
    "tpu.region"() ({
      %run_scoped3A = tpu.sem_alloc : memref<!tpu.dma_semaphore, #tpu.memory_space<semaphore_mem>>
      %dma_start3A_172 = arith.constant 0 : i32
      %dma_start3A_173 = tpu.memref_slice %arg19[%add3A_22, %dma_start3A_172] : memref<5120x128xf32, #tpu.memory_space<vmem_shared>> -> memref<64x128xf32, #tpu.memory_space<vmem_shared>>
      %dma_start3A_174 = arith.constant 0 : i32
      %dma_start3A_175 = tpu.memref_slice %arg19[%add3A_22, %dma_start3A_174] : memref<5120x128xf32, #tpu.memory_space<vmem_shared>> -> memref<64x128xf32, #tpu.memory_space<vmem_shared>>
      tpu.enqueue_dma source(%arg18 : memref<64x128xf32, #tpu.memory_space<vmem>>) target(%dma_start3A_175 : memref<64x128xf32, #tpu.memory_space<vmem_shared>>) target_semaphore(%run_scoped3A : memref<!tpu.dma_semaphore, #tpu.memory_space<semaphore_mem>>)
      %dma_wait3A_176 = arith.constant 0 : i32
      %dma_wait3A_177 = tpu.memref_slice %arg19[%add3A_22, %dma_wait3A_176] : memref<5120x128xf32, #tpu.memory_space<vmem_shared>> -> memref<64x128xf32, #tpu.memory_space<vmem_shared>>
      %dma_wait3A_178 = arith.constant 0 : i32
      %dma_wait3A_179 = tpu.memref_slice %arg19[%add3A_22, %dma_wait3A_178] : memref<5120x128xf32, #tpu.memory_space<vmem_shared>> -> memref<64x128xf32, #tpu.memory_space<vmem_shared>>
      tpu.wait_dma2 semaphore(%run_scoped3A : memref<!tpu.dma_semaphore, #tpu.memory_space<semaphore_mem>>) src(%arg18 : memref<64x128xf32, #tpu.memory_space<vmem>>) dst(%dma_wait3A_179 : memref<64x128xf32, #tpu.memory_space<vmem_shared>>)
      tpu.yield
    }) : () -> ()
    %mul3A_23 = arith.constant 320 : i32
    %mul3A_24 = arith.muli %arg1, %mul3A_23 : i32
    %add3A_25 = arith.constant 192 : i32
    %add3A_26 = arith.addi %mul3A_24, %add3A_25 : i32
    "tpu.region"() ({
      %run_scoped3A = tpu.sem_alloc : memref<!tpu.dma_semaphore, #tpu.memory_space<semaphore_mem>>
      %dma_start3A_172 = arith.constant 0 : i32
      %dma_start3A_173 = tpu.memref_slice %arg19[%add3A_26, %dma_start3A_172] : memref<5120x128xf32, #tpu.memory_space<vmem_shared>> -> memref<64x128xf32, #tpu.memory_space<vmem_shared>>
      %dma_start3A_174 = arith.constant 0 : i32
      %dma_start3A_175 = tpu.memref_slice %arg19[%add3A_26, %dma_start3A_174] : memref<5120x128xf32, #tpu.memory_space<vmem_shared>> -> memref<64x128xf32, #tpu.memory_space<vmem_shared>>
      tpu.enqueue_dma source(%arg18 : memref<64x128xf32, #tpu.memory_space<vmem>>) target(%dma_start3A_175 : memref<64x128xf32, #tpu.memory_space<vmem_shared>>) target_semaphore(%run_scoped3A : memref<!tpu.dma_semaphore, #tpu.memory_space<semaphore_mem>>)
      %dma_wait3A_176 = arith.constant 0 : i32
      %dma_wait3A_177 = tpu.memref_slice %arg19[%add3A_26, %dma_wait3A_176] : memref<5120x128xf32, #tpu.memory_space<vmem_shared>> -> memref<64x128xf32, #tpu.memory_space<vmem_shared>>
      %dma_wait3A_178 = arith.constant 0 : i32
      %dma_wait3A_179 = tpu.memref_slice %arg19[%add3A_26, %dma_wait3A_178] : memref<5120x128xf32, #tpu.memory_space<vmem_shared>> -> memref<64x128xf32, #tpu.memory_space<vmem_shared>>
      tpu.wait_dma2 semaphore(%run_scoped3A : memref<!tpu.dma_semaphore, #tpu.memory_space<semaphore_mem>>) src(%arg18 : memref<64x128xf32, #tpu.memory_space<vmem>>) dst(%dma_wait3A_179 : memref<64x128xf32, #tpu.memory_space<vmem_shared>>)
      tpu.yield
    }) : () -> ()
    %mul3A_27 = arith.constant 320 : i32
    %mul3A_28 = arith.muli %arg1, %mul3A_27 : i32
    %add3A_29 = arith.constant 256 : i32
    %add3A_30 = arith.addi %mul3A_28, %add3A_29 : i32
    "tpu.region"() ({
      %run_scoped3A = tpu.sem_alloc : memref<!tpu.dma_semaphore, #tpu.memory_space<semaphore_mem>>
      %dma_start3A_172 = arith.constant 0 : i32
      %dma_start3A_173 = tpu.memref_slice %arg19[%add3A_30, %dma_start3A_172] : memref<5120x128xf32, #tpu.memory_space<vmem_shared>> -> memref<64x128xf32, #tpu.memory_space<vmem_shared>>
      %dma_start3A_174 = arith.constant 0 : i32
      %dma_start3A_175 = tpu.memref_slice %arg19[%add3A_30, %dma_start3A_174] : memref<5120x128xf32, #tpu.memory_space<vmem_shared>> -> memref<64x128xf32, #tpu.memory_space<vmem_shared>>
      tpu.enqueue_dma source(%arg18 : memref<64x128xf32, #tpu.memory_space<vmem>>) target(%dma_start3A_175 : memref<64x128xf32, #tpu.memory_space<vmem_shared>>) target_semaphore(%run_scoped3A : memref<!tpu.dma_semaphore, #tpu.memory_space<semaphore_mem>>)
      %dma_wait3A_176 = arith.constant 0 : i32
      %dma_wait3A_177 = tpu.memref_slice %arg19[%add3A_30, %dma_wait3A_176] : memref<5120x128xf32, #tpu.memory_space<vmem_shared>> -> memref<64x128xf32, #tpu.memory_space<vmem_shared>>
      %dma_wait3A_178 = arith.constant 0 : i32
      %dma_wait3A_179 = tpu.memref_slice %arg19[%add3A_30, %dma_wait3A_178] : memref<5120x128xf32, #tpu.memory_space<vmem_shared>> -> memref<64x128xf32, #tpu.memory_space<vmem_shared>>
      tpu.wait_dma2 semaphore(%run_scoped3A : memref<!tpu.dma_semaphore, #tpu.memory_space<semaphore_mem>>) src(%arg18 : memref<64x128xf32, #tpu.memory_space<vmem>>) dst(%dma_wait3A_179 : memref<64x128xf32, #tpu.memory_space<vmem_shared>>)
      tpu.yield
    }) : () -> ()
    %dma_start3A = arith.constant 0 : i32
    %dma_start3A_31 = tpu.memref_slice %arg9[%dma_start3A] : memref<10240xi32, #tpu.memory_space<vmem>> -> memref<64xi32, #tpu.memory_space<vmem>>
    %dma_start3A_32 = arith.constant 0 : i32
    %dma_start3A_33 = arith.constant 0 : i32
    %dma_start3A_34 = tpu.memref_slice %arg2[%dma_start3A_32, %dma_start3A_33] : memref<10240x128xf32, #tpu.memory_space<hbm>> -> memref<10240x128xf32, #tpu.memory_space<hbm>>
    tpu.enqueue_indirect_dma source(%dma_start3A_34 : memref<10240x128xf32, #tpu.memory_space<hbm>>) target(%arg11 : memref<64x128xf32, #tpu.memory_space<vmem>>) offsets(%dma_start3A_31 : memref<64xi32, #tpu.memory_space<vmem>>) semaphore(%arg22 : memref<!tpu.dma_semaphore, #tpu.memory_space<semaphore_mem>>)
    %dma_start3A_35 = arith.constant 64 : i32
    %dma_start3A_36 = tpu.memref_slice %arg9[%dma_start3A_35] : memref<10240xi32, #tpu.memory_space<vmem>> -> memref<64xi32, #tpu.memory_space<vmem>>
    %dma_start3A_37 = arith.constant 0 : i32
    %dma_start3A_38 = arith.constant 0 : i32
    %dma_start3A_39 = tpu.memref_slice %arg2[%dma_start3A_37, %dma_start3A_38] : memref<10240x128xf32, #tpu.memory_space<hbm>> -> memref<10240x128xf32, #tpu.memory_space<hbm>>
    tpu.enqueue_indirect_dma source(%dma_start3A_39 : memref<10240x128xf32, #tpu.memory_space<hbm>>) target(%arg12 : memref<64x128xf32, #tpu.memory_space<vmem>>) offsets(%dma_start3A_36 : memref<64xi32, #tpu.memory_space<vmem>>) semaphore(%arg23 : memref<!tpu.dma_semaphore, #tpu.memory_space<semaphore_mem>>)
    %dma_start3A_40 = arith.constant 128 : i32
    %dma_start3A_41 = tpu.memref_slice %arg9[%dma_start3A_40] : memref<10240xi32, #tpu.memory_space<vmem>> -> memref<64xi32, #tpu.memory_space<vmem>>
    %dma_start3A_42 = arith.constant 0 : i32
    %dma_start3A_43 = arith.constant 0 : i32
    %dma_start3A_44 = tpu.memref_slice %arg2[%dma_start3A_42, %dma_start3A_43] : memref<10240x128xf32, #tpu.memory_space<hbm>> -> memref<10240x128xf32, #tpu.memory_space<hbm>>
    tpu.enqueue_indirect_dma source(%dma_start3A_44 : memref<10240x128xf32, #tpu.memory_space<hbm>>) target(%arg13 : memref<64x128xf32, #tpu.memory_space<vmem>>) offsets(%dma_start3A_41 : memref<64xi32, #tpu.memory_space<vmem>>) semaphore(%arg24 : memref<!tpu.dma_semaphore, #tpu.memory_space<semaphore_mem>>)
    %dma_start3A_45 = arith.constant 192 : i32
    %dma_start3A_46 = tpu.memref_slice %arg9[%dma_start3A_45] : memref<10240xi32, #tpu.memory_space<vmem>> -> memref<64xi32, #tpu.memory_space<vmem>>
    %dma_start3A_47 = arith.constant 0 : i32
    %dma_start3A_48 = arith.constant 0 : i32
    %dma_start3A_49 = tpu.memref_slice %arg2[%dma_start3A_47, %dma_start3A_48] : memref<10240x128xf32, #tpu.memory_space<hbm>> -> memref<10240x128xf32, #tpu.memory_space<hbm>>
    tpu.enqueue_indirect_dma source(%dma_start3A_49 : memref<10240x128xf32, #tpu.memory_space<hbm>>) target(%arg14 : memref<64x128xf32, #tpu.memory_space<vmem>>) offsets(%dma_start3A_46 : memref<64xi32, #tpu.memory_space<vmem>>) semaphore(%arg25 : memref<!tpu.dma_semaphore, #tpu.memory_space<semaphore_mem>>)
    %dma_start3A_50 = arith.constant 0 : i32
    %dma_start3A_51 = tpu.memref_slice %arg8[%dma_start3A_50] : memref<320xi32, #tpu.memory_space<vmem>> -> memref<64xi32, #tpu.memory_space<vmem>>
    %dma_start3A_52 = arith.constant 0 : i32
    %dma_start3A_53 = arith.constant 0 : i32
    %dma_start3A_54 = tpu.memref_slice %arg2[%dma_start3A_52, %dma_start3A_53] : memref<10240x128xf32, #tpu.memory_space<hbm>> -> memref<10240x128xf32, #tpu.memory_space<hbm>>
    tpu.enqueue_indirect_dma source(%dma_start3A_54 : memref<10240x128xf32, #tpu.memory_space<hbm>>) target(%arg16 : memref<64x128xf32, #tpu.memory_space<vmem>>) offsets(%dma_start3A_51 : memref<64xi32, #tpu.memory_space<vmem>>) semaphore(%arg20 : memref<!tpu.dma_semaphore, #tpu.memory_space<semaphore_mem>>)
    %dma_wait3A = arith.constant 0 : i32
    %dma_wait3A_55 = tpu.memref_slice %arg8[%dma_wait3A] : memref<320xi32, #tpu.memory_space<vmem>> -> memref<64xi32, #tpu.memory_space<vmem>>
    %dma_wait3A_56 = arith.constant 0 : i32
    %dma_wait3A_57 = arith.constant 0 : i32
    %dma_wait3A_58 = tpu.memref_slice %arg2[%dma_wait3A_56, %dma_wait3A_57] : memref<10240x128xf32, #tpu.memory_space<hbm>> -> memref<10240x128xf32, #tpu.memory_space<hbm>>
    tpu.wait_indirect_dma semaphore(%arg20 : memref<!tpu.dma_semaphore, #tpu.memory_space<semaphore_mem>>) src(%dma_wait3A_58 : memref<10240x128xf32, #tpu.memory_space<hbm>>) dst(%arg16 : memref<64x128xf32, #tpu.memory_space<vmem>>)
    %add3A_59 = arith.constant 0 : i32
    %add3A_60 = arith.addi %mul3A_2, %add3A_59 : i32
    %dma_start3A_61 = arith.constant 0 : i32
    %dma_start3A_62 = tpu.memref_slice %arg6[%add3A_60, %dma_start3A_61] : memref<10240x128xf32, #tpu.memory_space<hbm>> -> memref<64x128xf32, #tpu.memory_space<hbm>>
    %dma_start3A_63 = arith.constant 0 : i32
    %dma_start3A_64 = tpu.memref_slice %arg6[%add3A_60, %dma_start3A_63] : memref<10240x128xf32, #tpu.memory_space<hbm>> -> memref<64x128xf32, #tpu.memory_space<hbm>>
    tpu.enqueue_dma source(%arg16 : memref<64x128xf32, #tpu.memory_space<vmem>>) target(%dma_start3A_64 : memref<64x128xf32, #tpu.memory_space<hbm>>) target_semaphore(%arg21 : memref<!tpu.dma_semaphore, #tpu.memory_space<semaphore_mem>>)
    %dma_start3A_65 = arith.constant 64 : i32
    %dma_start3A_66 = tpu.memref_slice %arg8[%dma_start3A_65] : memref<320xi32, #tpu.memory_space<vmem>> -> memref<64xi32, #tpu.memory_space<vmem>>
    %dma_start3A_67 = arith.constant 0 : i32
    %dma_start3A_68 = arith.constant 0 : i32
    %dma_start3A_69 = tpu.memref_slice %arg2[%dma_start3A_67, %dma_start3A_68] : memref<10240x128xf32, #tpu.memory_space<hbm>> -> memref<10240x128xf32, #tpu.memory_space<hbm>>
    tpu.enqueue_indirect_dma source(%dma_start3A_69 : memref<10240x128xf32, #tpu.memory_space<hbm>>) target(%arg17 : memref<64x128xf32, #tpu.memory_space<vmem>>) offsets(%dma_start3A_66 : memref<64xi32, #tpu.memory_space<vmem>>) semaphore(%arg20 : memref<!tpu.dma_semaphore, #tpu.memory_space<semaphore_mem>>)
    %dma_wait3A_70 = arith.constant 64 : i32
    %dma_wait3A_71 = tpu.memref_slice %arg8[%dma_wait3A_70] : memref<320xi32, #tpu.memory_space<vmem>> -> memref<64xi32, #tpu.memory_space<vmem>>
    %dma_wait3A_72 = arith.constant 0 : i32
    %dma_wait3A_73 = arith.constant 0 : i32
    %dma_wait3A_74 = tpu.memref_slice %arg2[%dma_wait3A_72, %dma_wait3A_73] : memref<10240x128xf32, #tpu.memory_space<hbm>> -> memref<10240x128xf32, #tpu.memory_space<hbm>>
    tpu.wait_indirect_dma semaphore(%arg20 : memref<!tpu.dma_semaphore, #tpu.memory_space<semaphore_mem>>) src(%dma_wait3A_74 : memref<10240x128xf32, #tpu.memory_space<hbm>>) dst(%arg17 : memref<64x128xf32, #tpu.memory_space<vmem>>)
    %add3A_75 = arith.constant 64 : i32
    %add3A_76 = arith.addi %mul3A_2, %add3A_75 : i32
    %dma_start3A_77 = arith.constant 0 : i32
    %dma_start3A_78 = tpu.memref_slice %arg6[%add3A_76, %dma_start3A_77] : memref<10240x128xf32, #tpu.memory_space<hbm>> -> memref<64x128xf32, #tpu.memory_space<hbm>>
    %dma_start3A_79 = arith.constant 0 : i32
    %dma_start3A_80 = tpu.memref_slice %arg6[%add3A_76, %dma_start3A_79] : memref<10240x128xf32, #tpu.memory_space<hbm>> -> memref<64x128xf32, #tpu.memory_space<hbm>>
    tpu.enqueue_dma source(%arg17 : memref<64x128xf32, #tpu.memory_space<vmem>>) target(%dma_start3A_80 : memref<64x128xf32, #tpu.memory_space<hbm>>) target_semaphore(%arg21 : memref<!tpu.dma_semaphore, #tpu.memory_space<semaphore_mem>>)
    %add3A_81 = arith.constant 0 : i32
    %add3A_82 = arith.addi %mul3A_2, %add3A_81 : i32
    %dma_wait3A_83 = arith.constant 0 : i32
    %dma_wait3A_84 = tpu.memref_slice %arg6[%add3A_82, %dma_wait3A_83] : memref<10240x128xf32, #tpu.memory_space<hbm>> -> memref<64x128xf32, #tpu.memory_space<hbm>>
    %dma_wait3A_85 = arith.constant 0 : i32
    %dma_wait3A_86 = tpu.memref_slice %arg6[%add3A_82, %dma_wait3A_85] : memref<10240x128xf32, #tpu.memory_space<hbm>> -> memref<64x128xf32, #tpu.memory_space<hbm>>
    tpu.wait_dma2 semaphore(%arg21 : memref<!tpu.dma_semaphore, #tpu.memory_space<semaphore_mem>>) src(%arg16 : memref<64x128xf32, #tpu.memory_space<vmem>>) dst(%dma_wait3A_86 : memref<64x128xf32, #tpu.memory_space<hbm>>)
    %dma_start3A_87 = arith.constant 128 : i32
    %dma_start3A_88 = tpu.memref_slice %arg8[%dma_start3A_87] : memref<320xi32, #tpu.memory_space<vmem>> -> memref<64xi32, #tpu.memory_space<vmem>>
    %dma_start3A_89 = arith.constant 0 : i32
    %dma_start3A_90 = arith.constant 0 : i32
    %dma_start3A_91 = tpu.memref_slice %arg2[%dma_start3A_89, %dma_start3A_90] : memref<10240x128xf32, #tpu.memory_space<hbm>> -> memref<10240x128xf32, #tpu.memory_space<hbm>>
    tpu.enqueue_indirect_dma source(%dma_start3A_91 : memref<10240x128xf32, #tpu.memory_space<hbm>>) target(%arg16 : memref<64x128xf32, #tpu.memory_space<vmem>>) offsets(%dma_start3A_88 : memref<64xi32, #tpu.memory_space<vmem>>) semaphore(%arg20 : memref<!tpu.dma_semaphore, #tpu.memory_space<semaphore_mem>>)
    %dma_wait3A_92 = arith.constant 128 : i32
    %dma_wait3A_93 = tpu.memref_slice %arg8[%dma_wait3A_92] : memref<320xi32, #tpu.memory_space<vmem>> -> memref<64xi32, #tpu.memory_space<vmem>>
    %dma_wait3A_94 = arith.constant 0 : i32
    %dma_wait3A_95 = arith.constant 0 : i32
    %dma_wait3A_96 = tpu.memref_slice %arg2[%dma_wait3A_94, %dma_wait3A_95] : memref<10240x128xf32, #tpu.memory_space<hbm>> -> memref<10240x128xf32, #tpu.memory_space<hbm>>
    tpu.wait_indirect_dma semaphore(%arg20 : memref<!tpu.dma_semaphore, #tpu.memory_space<semaphore_mem>>) src(%dma_wait3A_96 : memref<10240x128xf32, #tpu.memory_space<hbm>>) dst(%arg16 : memref<64x128xf32, #tpu.memory_space<vmem>>)
    %add3A_97 = arith.constant 128 : i32
    %add3A_98 = arith.addi %mul3A_2, %add3A_97 : i32
    %dma_start3A_99 = arith.constant 0 : i32
    %dma_start3A_100 = tpu.memref_slice %arg6[%add3A_98, %dma_start3A_99] : memref<10240x128xf32, #tpu.memory_space<hbm>> -> memref<64x128xf32, #tpu.memory_space<hbm>>
    %dma_start3A_101 = arith.constant 0 : i32
    %dma_start3A_102 = tpu.memref_slice %arg6[%add3A_98, %dma_start3A_101] : memref<10240x128xf32, #tpu.memory_space<hbm>> -> memref<64x128xf32, #tpu.memory_space<hbm>>
    tpu.enqueue_dma source(%arg16 : memref<64x128xf32, #tpu.memory_space<vmem>>) target(%dma_start3A_102 : memref<64x128xf32, #tpu.memory_space<hbm>>) target_semaphore(%arg21 : memref<!tpu.dma_semaphore, #tpu.memory_space<semaphore_mem>>)
    %add3A_103 = arith.constant 64 : i32
    %add3A_104 = arith.addi %mul3A_2, %add3A_103 : i32
    %dma_wait3A_105 = arith.constant 0 : i32
    %dma_wait3A_106 = tpu.memref_slice %arg6[%add3A_104, %dma_wait3A_105] : memref<10240x128xf32, #tpu.memory_space<hbm>> -> memref<64x128xf32, #tpu.memory_space<hbm>>
    %dma_wait3A_107 = arith.constant 0 : i32
    %dma_wait3A_108 = tpu.memref_slice %arg6[%add3A_104, %dma_wait3A_107] : memref<10240x128xf32, #tpu.memory_space<hbm>> -> memref<64x128xf32, #tpu.memory_space<hbm>>
    tpu.wait_dma2 semaphore(%arg21 : memref<!tpu.dma_semaphore, #tpu.memory_space<semaphore_mem>>) src(%arg17 : memref<64x128xf32, #tpu.memory_space<vmem>>) dst(%dma_wait3A_108 : memref<64x128xf32, #tpu.memory_space<hbm>>)
    %dma_start3A_109 = arith.constant 192 : i32
    %dma_start3A_110 = tpu.memref_slice %arg8[%dma_start3A_109] : memref<320xi32, #tpu.memory_space<vmem>> -> memref<64xi32, #tpu.memory_space<vmem>>
    %dma_start3A_111 = arith.constant 0 : i32
    %dma_start3A_112 = arith.constant 0 : i32
    %dma_start3A_113 = tpu.memref_slice %arg2[%dma_start3A_111, %dma_start3A_112] : memref<10240x128xf32, #tpu.memory_space<hbm>> -> memref<10240x128xf32, #tpu.memory_space<hbm>>
    tpu.enqueue_indirect_dma source(%dma_start3A_113 : memref<10240x128xf32, #tpu.memory_space<hbm>>) target(%arg17 : memref<64x128xf32, #tpu.memory_space<vmem>>) offsets(%dma_start3A_110 : memref<64xi32, #tpu.memory_space<vmem>>) semaphore(%arg20 : memref<!tpu.dma_semaphore, #tpu.memory_space<semaphore_mem>>)
    %dma_wait3A_114 = arith.constant 192 : i32
    %dma_wait3A_115 = tpu.memref_slice %arg8[%dma_wait3A_114] : memref<320xi32, #tpu.memory_space<vmem>> -> memref<64xi32, #tpu.memory_space<vmem>>
    %dma_wait3A_116 = arith.constant 0 : i32
    %dma_wait3A_117 = arith.constant 0 : i32
    %dma_wait3A_118 = tpu.memref_slice %arg2[%dma_wait3A_116, %dma_wait3A_117] : memref<10240x128xf32, #tpu.memory_space<hbm>> -> memref<10240x128xf32, #tpu.memory_space<hbm>>
    tpu.wait_indirect_dma semaphore(%arg20 : memref<!tpu.dma_semaphore, #tpu.memory_space<semaphore_mem>>) src(%dma_wait3A_118 : memref<10240x128xf32, #tpu.memory_space<hbm>>) dst(%arg17 : memref<64x128xf32, #tpu.memory_space<vmem>>)
    %add3A_119 = arith.constant 192 : i32
    %add3A_120 = arith.addi %mul3A_2, %add3A_119 : i32
    %dma_start3A_121 = arith.constant 0 : i32
    %dma_start3A_122 = tpu.memref_slice %arg6[%add3A_120, %dma_start3A_121] : memref<10240x128xf32, #tpu.memory_space<hbm>> -> memref<64x128xf32, #tpu.memory_space<hbm>>
    %dma_start3A_123 = arith.constant 0 : i32
    %dma_start3A_124 = tpu.memref_slice %arg6[%add3A_120, %dma_start3A_123] : memref<10240x128xf32, #tpu.memory_space<hbm>> -> memref<64x128xf32, #tpu.memory_space<hbm>>
    tpu.enqueue_dma source(%arg17 : memref<64x128xf32, #tpu.memory_space<vmem>>) target(%dma_start3A_124 : memref<64x128xf32, #tpu.memory_space<hbm>>) target_semaphore(%arg21 : memref<!tpu.dma_semaphore, #tpu.memory_space<semaphore_mem>>)
    %add3A_125 = arith.constant 128 : i32
    %add3A_126 = arith.addi %mul3A_2, %add3A_125 : i32
    %dma_wait3A_127 = arith.constant 0 : i32
    %dma_wait3A_128 = tpu.memref_slice %arg6[%add3A_126, %dma_wait3A_127] : memref<10240x128xf32, #tpu.memory_space<hbm>> -> memref<64x128xf32, #tpu.memory_space<hbm>>
    %dma_wait3A_129 = arith.constant 0 : i32
    %dma_wait3A_130 = tpu.memref_slice %arg6[%add3A_126, %dma_wait3A_129] : memref<10240x128xf32, #tpu.memory_space<hbm>> -> memref<64x128xf32, #tpu.memory_space<hbm>>
    tpu.wait_dma2 semaphore(%arg21 : memref<!tpu.dma_semaphore, #tpu.memory_space<semaphore_mem>>) src(%arg16 : memref<64x128xf32, #tpu.memory_space<vmem>>) dst(%dma_wait3A_130 : memref<64x128xf32, #tpu.memory_space<hbm>>)
    %dma_start3A_131 = arith.constant 256 : i32
    %dma_start3A_132 = tpu.memref_slice %arg8[%dma_start3A_131] : memref<320xi32, #tpu.memory_space<vmem>> -> memref<64xi32, #tpu.memory_space<vmem>>
    %dma_start3A_133 = arith.constant 0 : i32
    %dma_start3A_134 = arith.constant 0 : i32
    %dma_start3A_135 = tpu.memref_slice %arg2[%dma_start3A_133, %dma_start3A_134] : memref<10240x128xf32, #tpu.memory_space<hbm>> -> memref<10240x128xf32, #tpu.memory_space<hbm>>
    tpu.enqueue_indirect_dma source(%dma_start3A_135 : memref<10240x128xf32, #tpu.memory_space<hbm>>) target(%arg16 : memref<64x128xf32, #tpu.memory_space<vmem>>) offsets(%dma_start3A_132 : memref<64xi32, #tpu.memory_space<vmem>>) semaphore(%arg20 : memref<!tpu.dma_semaphore, #tpu.memory_space<semaphore_mem>>)
    %dma_wait3A_136 = arith.constant 256 : i32
    %dma_wait3A_137 = tpu.memref_slice %arg8[%dma_wait3A_136] : memref<320xi32, #tpu.memory_space<vmem>> -> memref<64xi32, #tpu.memory_space<vmem>>
    %dma_wait3A_138 = arith.constant 0 : i32
    %dma_wait3A_139 = arith.constant 0 : i32
    %dma_wait3A_140 = tpu.memref_slice %arg2[%dma_wait3A_138, %dma_wait3A_139] : memref<10240x128xf32, #tpu.memory_space<hbm>> -> memref<10240x128xf32, #tpu.memory_space<hbm>>
    tpu.wait_indirect_dma semaphore(%arg20 : memref<!tpu.dma_semaphore, #tpu.memory_space<semaphore_mem>>) src(%dma_wait3A_140 : memref<10240x128xf32, #tpu.memory_space<hbm>>) dst(%arg16 : memref<64x128xf32, #tpu.memory_space<vmem>>)
    %add3A_141 = arith.constant 256 : i32
    %add3A_142 = arith.addi %mul3A_2, %add3A_141 : i32
    %dma_start3A_143 = arith.constant 0 : i32
    %dma_start3A_144 = tpu.memref_slice %arg6[%add3A_142, %dma_start3A_143] : memref<10240x128xf32, #tpu.memory_space<hbm>> -> memref<64x128xf32, #tpu.memory_space<hbm>>
    %dma_start3A_145 = arith.constant 0 : i32
    %dma_start3A_146 = tpu.memref_slice %arg6[%add3A_142, %dma_start3A_145] : memref<10240x128xf32, #tpu.memory_space<hbm>> -> memref<64x128xf32, #tpu.memory_space<hbm>>
    tpu.enqueue_dma source(%arg16 : memref<64x128xf32, #tpu.memory_space<vmem>>) target(%dma_start3A_146 : memref<64x128xf32, #tpu.memory_space<hbm>>) target_semaphore(%arg21 : memref<!tpu.dma_semaphore, #tpu.memory_space<semaphore_mem>>)
    %scan3A_147 = arith.constant 0 : i32
    %scan3A_148 = arith.constant 0 : i32
    %scan3A_149 = arith.constant 32 : i32
    %scan3A_150 = arith.addi %scan3A_148, %scan3A_149 : i32
    %scan3A_151 = arith.constant 1 : i32
    scf.for %scan3A_172 = %scan3A_148 to %scan3A_150 step %scan3A_151  : i32 {
      %mul3A_173 = arith.constant 5 : i32
      %mul3A_174 = arith.muli %mul3A_173, %scan3A_172 : i32
      %add3A_175 = arith.constant 0 : i32
      %add3A_176 = arith.addi %mul3A_174, %add3A_175 : i32
      %ge3A = arith.constant 1 : i32
      %ge3A_177 = arith.cmpi sge, %add3A_176, %ge3A : i32
      %convert_element_type3A = arith.extui %ge3A_177 : i1 to i32
      %cond3A = arith.constant 0 : i32
      %cond3A_178 = arith.cmpi ne, %convert_element_type3A, %cond3A : i32
      scf.if %cond3A_178 {
        %sub3A = arith.constant 1 : i32
        %sub3A_309 = arith.subi %add3A_176, %sub3A : i32
        %mul3A_310 = arith.constant 64 : i32
        %mul3A_311 = arith.muli %sub3A_309, %mul3A_310 : i32
        %dma_wait3A_312 = tpu.memref_slice %arg10[%mul3A_311] : memref<10240xi32, #tpu.memory_space<vmem>> -> memref<64xi32, #tpu.memory_space<vmem>>
        %dma_wait3A_313 = arith.constant 0 : i32
        %dma_wait3A_314 = arith.constant 0 : i32
        %dma_wait3A_315 = tpu.memref_slice %arg19[%dma_wait3A_313, %dma_wait3A_314] : memref<5120x128xf32, #tpu.memory_space<vmem_shared>> -> memref<5120x128xf32, #tpu.memory_space<vmem_shared>>
        tpu.wait_indirect_dma semaphore(%arg31 : memref<!tpu.dma_semaphore, #tpu.memory_space<semaphore_mem>>) src(%arg15 : memref<64x128xf32, #tpu.memory_space<vmem>>) dst(%dma_wait3A_315 : memref<5120x128xf32, #tpu.memory_space<vmem_shared>>)
      } else {
      }
      %mul3A_179 = arith.constant 64 : i32
      %mul3A_180 = arith.muli %add3A_176, %mul3A_179 : i32
      %dma_wait3A_181 = tpu.memref_slice %arg9[%mul3A_180] : memref<10240xi32, #tpu.memory_space<vmem>> -> memref<64xi32, #tpu.memory_space<vmem>>
      %dma_wait3A_182 = arith.constant 0 : i32
      %dma_wait3A_183 = arith.constant 0 : i32
      %dma_wait3A_184 = tpu.memref_slice %arg2[%dma_wait3A_182, %dma_wait3A_183] : memref<10240x128xf32, #tpu.memory_space<hbm>> -> memref<10240x128xf32, #tpu.memory_space<hbm>>
      tpu.wait_indirect_dma semaphore(%arg22 : memref<!tpu.dma_semaphore, #tpu.memory_space<semaphore_mem>>) src(%dma_wait3A_184 : memref<10240x128xf32, #tpu.memory_space<hbm>>) dst(%arg11 : memref<64x128xf32, #tpu.memory_space<vmem>>)
      %mul3A_185 = arith.constant 64 : i32
      %mul3A_186 = arith.muli %add3A_176, %mul3A_185 : i32
      %dma_start3A_187 = tpu.memref_slice %arg10[%mul3A_186] : memref<10240xi32, #tpu.memory_space<vmem>> -> memref<64xi32, #tpu.memory_space<vmem>>
      %dma_start3A_188 = arith.constant 0 : i32
      %dma_start3A_189 = arith.constant 0 : i32
      %dma_start3A_190 = tpu.memref_slice %arg19[%dma_start3A_188, %dma_start3A_189] : memref<5120x128xf32, #tpu.memory_space<vmem_shared>> -> memref<5120x128xf32, #tpu.memory_space<vmem_shared>>
      tpu.enqueue_indirect_dma source(%arg11 : memref<64x128xf32, #tpu.memory_space<vmem>>) target(%dma_start3A_190 : memref<5120x128xf32, #tpu.memory_space<vmem_shared>>) offsets(%dma_start3A_187 : memref<64xi32, #tpu.memory_space<vmem>>) semaphore(%arg27 : memref<!tpu.dma_semaphore, #tpu.memory_space<semaphore_mem>>) {add = true}
      %add3A_191 = arith.constant 4 : i32
      %add3A_192 = arith.addi %add3A_176, %add3A_191 : i32
      %lt3A = arith.constant 160 : i32
      %lt3A_193 = arith.cmpi slt, %add3A_192, %lt3A : i32
      %convert_element_type3A_194 = arith.extui %lt3A_193 : i1 to i32
      %cond3A_195 = arith.constant 0 : i32
      %cond3A_196 = arith.cmpi ne, %convert_element_type3A_194, %cond3A_195 : i32
      scf.if %cond3A_196 {
        %add3A_309 = arith.constant 4 : i32
        %add3A_310 = arith.addi %add3A_176, %add3A_309 : i32
        %mul3A_311 = arith.constant 64 : i32
        %mul3A_312 = arith.muli %add3A_310, %mul3A_311 : i32
        %dma_start3A_313 = tpu.memref_slice %arg9[%mul3A_312] : memref<10240xi32, #tpu.memory_space<vmem>> -> memref<64xi32, #tpu.memory_space<vmem>>
        %dma_start3A_314 = arith.constant 0 : i32
        %dma_start3A_315 = arith.constant 0 : i32
        %dma_start3A_316 = tpu.memref_slice %arg2[%dma_start3A_314, %dma_start3A_315] : memref<10240x128xf32, #tpu.memory_space<hbm>> -> memref<10240x128xf32, #tpu.memory_space<hbm>>
        tpu.enqueue_indirect_dma source(%dma_start3A_316 : memref<10240x128xf32, #tpu.memory_space<hbm>>) target(%arg15 : memref<64x128xf32, #tpu.memory_space<vmem>>) offsets(%dma_start3A_313 : memref<64xi32, #tpu.memory_space<vmem>>) semaphore(%arg26 : memref<!tpu.dma_semaphore, #tpu.memory_space<semaphore_mem>>)
      } else {
      }
      %mul3A_197 = arith.constant 5 : i32
      %mul3A_198 = arith.muli %mul3A_197, %scan3A_172 : i32
      %add3A_199 = arith.constant 1 : i32
      %add3A_200 = arith.addi %mul3A_198, %add3A_199 : i32
      %ge3A_201 = arith.constant 1 : i32
      %ge3A_202 = arith.cmpi sge, %add3A_200, %ge3A_201 : i32
      %convert_element_type3A_203 = arith.extui %ge3A_202 : i1 to i32
      %cond3A_204 = arith.constant 0 : i32
      %cond3A_205 = arith.cmpi ne, %convert_element_type3A_203, %cond3A_204 : i32
      scf.if %cond3A_205 {
        %sub3A = arith.constant 1 : i32
        %sub3A_309 = arith.subi %add3A_200, %sub3A : i32
        %mul3A_310 = arith.constant 64 : i32
        %mul3A_311 = arith.muli %sub3A_309, %mul3A_310 : i32
        %dma_wait3A_312 = tpu.memref_slice %arg10[%mul3A_311] : memref<10240xi32, #tpu.memory_space<vmem>> -> memref<64xi32, #tpu.memory_space<vmem>>
        %dma_wait3A_313 = arith.constant 0 : i32
        %dma_wait3A_314 = arith.constant 0 : i32
        %dma_wait3A_315 = tpu.memref_slice %arg19[%dma_wait3A_313, %dma_wait3A_314] : memref<5120x128xf32, #tpu.memory_space<vmem_shared>> -> memref<5120x128xf32, #tpu.memory_space<vmem_shared>>
        tpu.wait_indirect_dma semaphore(%arg27 : memref<!tpu.dma_semaphore, #tpu.memory_space<semaphore_mem>>) src(%arg11 : memref<64x128xf32, #tpu.memory_space<vmem>>) dst(%dma_wait3A_315 : memref<5120x128xf32, #tpu.memory_space<vmem_shared>>)
      } else {
      }
      %mul3A_206 = arith.constant 64 : i32
      %mul3A_207 = arith.muli %add3A_200, %mul3A_206 : i32
      %dma_wait3A_208 = tpu.memref_slice %arg9[%mul3A_207] : memref<10240xi32, #tpu.memory_space<vmem>> -> memref<64xi32, #tpu.memory_space<vmem>>
      %dma_wait3A_209 = arith.constant 0 : i32
      %dma_wait3A_210 = arith.constant 0 : i32
      %dma_wait3A_211 = tpu.memref_slice %arg2[%dma_wait3A_209, %dma_wait3A_210] : memref<10240x128xf32, #tpu.memory_space<hbm>> -> memref<10240x128xf32, #tpu.memory_space<hbm>>
      tpu.wait_indirect_dma semaphore(%arg23 : memref<!tpu.dma_semaphore, #tpu.memory_space<semaphore_mem>>) src(%dma_wait3A_211 : memref<10240x128xf32, #tpu.memory_space<hbm>>) dst(%arg12 : memref<64x128xf32, #tpu.memory_space<vmem>>)
      %mul3A_212 = arith.constant 64 : i32
      %mul3A_213 = arith.muli %add3A_200, %mul3A_212 : i32
      %dma_start3A_214 = tpu.memref_slice %arg10[%mul3A_213] : memref<10240xi32, #tpu.memory_space<vmem>> -> memref<64xi32, #tpu.memory_space<vmem>>
      %dma_start3A_215 = arith.constant 0 : i32
      %dma_start3A_216 = arith.constant 0 : i32
      %dma_start3A_217 = tpu.memref_slice %arg19[%dma_start3A_215, %dma_start3A_216] : memref<5120x128xf32, #tpu.memory_space<vmem_shared>> -> memref<5120x128xf32, #tpu.memory_space<vmem_shared>>
      tpu.enqueue_indirect_dma source(%arg12 : memref<64x128xf32, #tpu.memory_space<vmem>>) target(%dma_start3A_217 : memref<5120x128xf32, #tpu.memory_space<vmem_shared>>) offsets(%dma_start3A_214 : memref<64xi32, #tpu.memory_space<vmem>>) semaphore(%arg28 : memref<!tpu.dma_semaphore, #tpu.memory_space<semaphore_mem>>) {add = true}
      %add3A_218 = arith.constant 4 : i32
      %add3A_219 = arith.addi %add3A_200, %add3A_218 : i32
      %lt3A_220 = arith.constant 160 : i32
      %lt3A_221 = arith.cmpi slt, %add3A_219, %lt3A_220 : i32
      %convert_element_type3A_222 = arith.extui %lt3A_221 : i1 to i32
      %cond3A_223 = arith.constant 0 : i32
      %cond3A_224 = arith.cmpi ne, %convert_element_type3A_222, %cond3A_223 : i32
      scf.if %cond3A_224 {
        %add3A_309 = arith.constant 4 : i32
        %add3A_310 = arith.addi %add3A_200, %add3A_309 : i32
        %mul3A_311 = arith.constant 64 : i32
        %mul3A_312 = arith.muli %add3A_310, %mul3A_311 : i32
        %dma_start3A_313 = tpu.memref_slice %arg9[%mul3A_312] : memref<10240xi32, #tpu.memory_space<vmem>> -> memref<64xi32, #tpu.memory_space<vmem>>
        %dma_start3A_314 = arith.constant 0 : i32
        %dma_start3A_315 = arith.constant 0 : i32
        %dma_start3A_316 = tpu.memref_slice %arg2[%dma_start3A_314, %dma_start3A_315] : memref<10240x128xf32, #tpu.memory_space<hbm>> -> memref<10240x128xf32, #tpu.memory_space<hbm>>
        tpu.enqueue_indirect_dma source(%dma_start3A_316 : memref<10240x128xf32, #tpu.memory_space<hbm>>) target(%arg11 : memref<64x128xf32, #tpu.memory_space<vmem>>) offsets(%dma_start3A_313 : memref<64xi32, #tpu.memory_space<vmem>>) semaphore(%arg22 : memref<!tpu.dma_semaphore, #tpu.memory_space<semaphore_mem>>)
      } else {
      }
      %mul3A_225 = arith.constant 5 : i32
      %mul3A_226 = arith.muli %mul3A_225, %scan3A_172 : i32
      %add3A_227 = arith.constant 2 : i32
      %add3A_228 = arith.addi %mul3A_226, %add3A_227 : i32
      %ge3A_229 = arith.constant 1 : i32
      %ge3A_230 = arith.cmpi sge, %add3A_228, %ge3A_229 : i32
      %convert_element_type3A_231 = arith.extui %ge3A_230 : i1 to i32
      %cond3A_232 = arith.constant 0 : i32
      %cond3A_233 = arith.cmpi ne, %convert_element_type3A_231, %cond3A_232 : i32
      scf.if %cond3A_233 {
        %sub3A = arith.constant 1 : i32
        %sub3A_309 = arith.subi %add3A_228, %sub3A : i32
        %mul3A_310 = arith.constant 64 : i32
        %mul3A_311 = arith.muli %sub3A_309, %mul3A_310 : i32
        %dma_wait3A_312 = tpu.memref_slice %arg10[%mul3A_311] : memref<10240xi32, #tpu.memory_space<vmem>> -> memref<64xi32, #tpu.memory_space<vmem>>
        %dma_wait3A_313 = arith.constant 0 : i32
        %dma_wait3A_314 = arith.constant 0 : i32
        %dma_wait3A_315 = tpu.memref_slice %arg19[%dma_wait3A_313, %dma_wait3A_314] : memref<5120x128xf32, #tpu.memory_space<vmem_shared>> -> memref<5120x128xf32, #tpu.memory_space<vmem_shared>>
        tpu.wait_indirect_dma semaphore(%arg28 : memref<!tpu.dma_semaphore, #tpu.memory_space<semaphore_mem>>) src(%arg12 : memref<64x128xf32, #tpu.memory_space<vmem>>) dst(%dma_wait3A_315 : memref<5120x128xf32, #tpu.memory_space<vmem_shared>>)
      } else {
      }
      %mul3A_234 = arith.constant 64 : i32
      %mul3A_235 = arith.muli %add3A_228, %mul3A_234 : i32
      %dma_wait3A_236 = tpu.memref_slice %arg9[%mul3A_235] : memref<10240xi32, #tpu.memory_space<vmem>> -> memref<64xi32, #tpu.memory_space<vmem>>
      %dma_wait3A_237 = arith.constant 0 : i32
      %dma_wait3A_238 = arith.constant 0 : i32
      %dma_wait3A_239 = tpu.memref_slice %arg2[%dma_wait3A_237, %dma_wait3A_238] : memref<10240x128xf32, #tpu.memory_space<hbm>> -> memref<10240x128xf32, #tpu.memory_space<hbm>>
      tpu.wait_indirect_dma semaphore(%arg24 : memref<!tpu.dma_semaphore, #tpu.memory_space<semaphore_mem>>) src(%dma_wait3A_239 : memref<10240x128xf32, #tpu.memory_space<hbm>>) dst(%arg13 : memref<64x128xf32, #tpu.memory_space<vmem>>)
      %mul3A_240 = arith.constant 64 : i32
      %mul3A_241 = arith.muli %add3A_228, %mul3A_240 : i32
      %dma_start3A_242 = tpu.memref_slice %arg10[%mul3A_241] : memref<10240xi32, #tpu.memory_space<vmem>> -> memref<64xi32, #tpu.memory_space<vmem>>
      %dma_start3A_243 = arith.constant 0 : i32
      %dma_start3A_244 = arith.constant 0 : i32
      %dma_start3A_245 = tpu.memref_slice %arg19[%dma_start3A_243, %dma_start3A_244] : memref<5120x128xf32, #tpu.memory_space<vmem_shared>> -> memref<5120x128xf32, #tpu.memory_space<vmem_shared>>
      tpu.enqueue_indirect_dma source(%arg13 : memref<64x128xf32, #tpu.memory_space<vmem>>) target(%dma_start3A_245 : memref<5120x128xf32, #tpu.memory_space<vmem_shared>>) offsets(%dma_start3A_242 : memref<64xi32, #tpu.memory_space<vmem>>) semaphore(%arg29 : memref<!tpu.dma_semaphore, #tpu.memory_space<semaphore_mem>>) {add = true}
      %add3A_246 = arith.constant 4 : i32
      %add3A_247 = arith.addi %add3A_228, %add3A_246 : i32
      %lt3A_248 = arith.constant 160 : i32
      %lt3A_249 = arith.cmpi slt, %add3A_247, %lt3A_248 : i32
      %convert_element_type3A_250 = arith.extui %lt3A_249 : i1 to i32
      %cond3A_251 = arith.constant 0 : i32
      %cond3A_252 = arith.cmpi ne, %convert_element_type3A_250, %cond3A_251 : i32
      scf.if %cond3A_252 {
        %add3A_309 = arith.constant 4 : i32
        %add3A_310 = arith.addi %add3A_228, %add3A_309 : i32
        %mul3A_311 = arith.constant 64 : i32
        %mul3A_312 = arith.muli %add3A_310, %mul3A_311 : i32
        %dma_start3A_313 = tpu.memref_slice %arg9[%mul3A_312] : memref<10240xi32, #tpu.memory_space<vmem>> -> memref<64xi32, #tpu.memory_space<vmem>>
        %dma_start3A_314 = arith.constant 0 : i32
        %dma_start3A_315 = arith.constant 0 : i32
        %dma_start3A_316 = tpu.memref_slice %arg2[%dma_start3A_314, %dma_start3A_315] : memref<10240x128xf32, #tpu.memory_space<hbm>> -> memref<10240x128xf32, #tpu.memory_space<hbm>>
        tpu.enqueue_indirect_dma source(%dma_start3A_316 : memref<10240x128xf32, #tpu.memory_space<hbm>>) target(%arg12 : memref<64x128xf32, #tpu.memory_space<vmem>>) offsets(%dma_start3A_313 : memref<64xi32, #tpu.memory_space<vmem>>) semaphore(%arg23 : memref<!tpu.dma_semaphore, #tpu.memory_space<semaphore_mem>>)
      } else {
      }
      %mul3A_253 = arith.constant 5 : i32
      %mul3A_254 = arith.muli %mul3A_253, %scan3A_172 : i32
      %add3A_255 = arith.constant 3 : i32
      %add3A_256 = arith.addi %mul3A_254, %add3A_255 : i32
      %ge3A_257 = arith.constant 1 : i32
      %ge3A_258 = arith.cmpi sge, %add3A_256, %ge3A_257 : i32
      %convert_element_type3A_259 = arith.extui %ge3A_258 : i1 to i32
      %cond3A_260 = arith.constant 0 : i32
      %cond3A_261 = arith.cmpi ne, %convert_element_type3A_259, %cond3A_260 : i32
      scf.if %cond3A_261 {
        %sub3A = arith.constant 1 : i32
        %sub3A_309 = arith.subi %add3A_256, %sub3A : i32
        %mul3A_310 = arith.constant 64 : i32
        %mul3A_311 = arith.muli %sub3A_309, %mul3A_310 : i32
        %dma_wait3A_312 = tpu.memref_slice %arg10[%mul3A_311] : memref<10240xi32, #tpu.memory_space<vmem>> -> memref<64xi32, #tpu.memory_space<vmem>>
        %dma_wait3A_313 = arith.constant 0 : i32
        %dma_wait3A_314 = arith.constant 0 : i32
        %dma_wait3A_315 = tpu.memref_slice %arg19[%dma_wait3A_313, %dma_wait3A_314] : memref<5120x128xf32, #tpu.memory_space<vmem_shared>> -> memref<5120x128xf32, #tpu.memory_space<vmem_shared>>
        tpu.wait_indirect_dma semaphore(%arg29 : memref<!tpu.dma_semaphore, #tpu.memory_space<semaphore_mem>>) src(%arg13 : memref<64x128xf32, #tpu.memory_space<vmem>>) dst(%dma_wait3A_315 : memref<5120x128xf32, #tpu.memory_space<vmem_shared>>)
      } else {
      }
      %mul3A_262 = arith.constant 64 : i32
      %mul3A_263 = arith.muli %add3A_256, %mul3A_262 : i32
      %dma_wait3A_264 = tpu.memref_slice %arg9[%mul3A_263] : memref<10240xi32, #tpu.memory_space<vmem>> -> memref<64xi32, #tpu.memory_space<vmem>>
      %dma_wait3A_265 = arith.constant 0 : i32
      %dma_wait3A_266 = arith.constant 0 : i32
      %dma_wait3A_267 = tpu.memref_slice %arg2[%dma_wait3A_265, %dma_wait3A_266] : memref<10240x128xf32, #tpu.memory_space<hbm>> -> memref<10240x128xf32, #tpu.memory_space<hbm>>
      tpu.wait_indirect_dma semaphore(%arg25 : memref<!tpu.dma_semaphore, #tpu.memory_space<semaphore_mem>>) src(%dma_wait3A_267 : memref<10240x128xf32, #tpu.memory_space<hbm>>) dst(%arg14 : memref<64x128xf32, #tpu.memory_space<vmem>>)
      %mul3A_268 = arith.constant 64 : i32
      %mul3A_269 = arith.muli %add3A_256, %mul3A_268 : i32
      %dma_start3A_270 = tpu.memref_slice %arg10[%mul3A_269] : memref<10240xi32, #tpu.memory_space<vmem>> -> memref<64xi32, #tpu.memory_space<vmem>>
      %dma_start3A_271 = arith.constant 0 : i32
      %dma_start3A_272 = arith.constant 0 : i32
      %dma_start3A_273 = tpu.memref_slice %arg19[%dma_start3A_271, %dma_start3A_272] : memref<5120x128xf32, #tpu.memory_space<vmem_shared>> -> memref<5120x128xf32, #tpu.memory_space<vmem_shared>>
      tpu.enqueue_indirect_dma source(%arg14 : memref<64x128xf32, #tpu.memory_space<vmem>>) target(%dma_start3A_273 : memref<5120x128xf32, #tpu.memory_space<vmem_shared>>) offsets(%dma_start3A_270 : memref<64xi32, #tpu.memory_space<vmem>>) semaphore(%arg30 : memref<!tpu.dma_semaphore, #tpu.memory_space<semaphore_mem>>) {add = true}
      %add3A_274 = arith.constant 4 : i32
      %add3A_275 = arith.addi %add3A_256, %add3A_274 : i32
      %lt3A_276 = arith.constant 160 : i32
      %lt3A_277 = arith.cmpi slt, %add3A_275, %lt3A_276 : i32
      %convert_element_type3A_278 = arith.extui %lt3A_277 : i1 to i32
      %cond3A_279 = arith.constant 0 : i32
      %cond3A_280 = arith.cmpi ne, %convert_element_type3A_278, %cond3A_279 : i32
      scf.if %cond3A_280 {
        %add3A_309 = arith.constant 4 : i32
        %add3A_310 = arith.addi %add3A_256, %add3A_309 : i32
        %mul3A_311 = arith.constant 64 : i32
        %mul3A_312 = arith.muli %add3A_310, %mul3A_311 : i32
        %dma_start3A_313 = tpu.memref_slice %arg9[%mul3A_312] : memref<10240xi32, #tpu.memory_space<vmem>> -> memref<64xi32, #tpu.memory_space<vmem>>
        %dma_start3A_314 = arith.constant 0 : i32
        %dma_start3A_315 = arith.constant 0 : i32
        %dma_start3A_316 = tpu.memref_slice %arg2[%dma_start3A_314, %dma_start3A_315] : memref<10240x128xf32, #tpu.memory_space<hbm>> -> memref<10240x128xf32, #tpu.memory_space<hbm>>
        tpu.enqueue_indirect_dma source(%dma_start3A_316 : memref<10240x128xf32, #tpu.memory_space<hbm>>) target(%arg13 : memref<64x128xf32, #tpu.memory_space<vmem>>) offsets(%dma_start3A_313 : memref<64xi32, #tpu.memory_space<vmem>>) semaphore(%arg24 : memref<!tpu.dma_semaphore, #tpu.memory_space<semaphore_mem>>)
      } else {
      }
      %mul3A_281 = arith.constant 5 : i32
      %mul3A_282 = arith.muli %mul3A_281, %scan3A_172 : i32
      %add3A_283 = arith.constant 4 : i32
      %add3A_284 = arith.addi %mul3A_282, %add3A_283 : i32
      %ge3A_285 = arith.constant 1 : i32
      %ge3A_286 = arith.cmpi sge, %add3A_284, %ge3A_285 : i32
      %convert_element_type3A_287 = arith.extui %ge3A_286 : i1 to i32
      %cond3A_288 = arith.constant 0 : i32
      %cond3A_289 = arith.cmpi ne, %convert_element_type3A_287, %cond3A_288 : i32
      scf.if %cond3A_289 {
        %sub3A = arith.constant 1 : i32
        %sub3A_309 = arith.subi %add3A_284, %sub3A : i32
        %mul3A_310 = arith.constant 64 : i32
        %mul3A_311 = arith.muli %sub3A_309, %mul3A_310 : i32
        %dma_wait3A_312 = tpu.memref_slice %arg10[%mul3A_311] : memref<10240xi32, #tpu.memory_space<vmem>> -> memref<64xi32, #tpu.memory_space<vmem>>
        %dma_wait3A_313 = arith.constant 0 : i32
        %dma_wait3A_314 = arith.constant 0 : i32
        %dma_wait3A_315 = tpu.memref_slice %arg19[%dma_wait3A_313, %dma_wait3A_314] : memref<5120x128xf32, #tpu.memory_space<vmem_shared>> -> memref<5120x128xf32, #tpu.memory_space<vmem_shared>>
        tpu.wait_indirect_dma semaphore(%arg30 : memref<!tpu.dma_semaphore, #tpu.memory_space<semaphore_mem>>) src(%arg14 : memref<64x128xf32, #tpu.memory_space<vmem>>) dst(%dma_wait3A_315 : memref<5120x128xf32, #tpu.memory_space<vmem_shared>>)
      } else {
      }
      %mul3A_290 = arith.constant 64 : i32
      %mul3A_291 = arith.muli %add3A_284, %mul3A_290 : i32
      %dma_wait3A_292 = tpu.memref_slice %arg9[%mul3A_291] : memref<10240xi32, #tpu.memory_space<vmem>> -> memref<64xi32, #tpu.memory_space<vmem>>
      %dma_wait3A_293 = arith.constant 0 : i32
      %dma_wait3A_294 = arith.constant 0 : i32
      %dma_wait3A_295 = tpu.memref_slice %arg2[%dma_wait3A_293, %dma_wait3A_294] : memref<10240x128xf32, #tpu.memory_space<hbm>> -> memref<10240x128xf32, #tpu.memory_space<hbm>>
      tpu.wait_indirect_dma semaphore(%arg26 : memref<!tpu.dma_semaphore, #tpu.memory_space<semaphore_mem>>) src(%dma_wait3A_295 : memref<10240x128xf32, #tpu.memory_space<hbm>>) dst(%arg15 : memref<64x128xf32, #tpu.memory_space<vmem>>)
      %mul3A_296 = arith.constant 64 : i32
      %mul3A_297 = arith.muli %add3A_284, %mul3A_296 : i32
      %dma_start3A_298 = tpu.memref_slice %arg10[%mul3A_297] : memref<10240xi32, #tpu.memory_space<vmem>> -> memref<64xi32, #tpu.memory_space<vmem>>
      %dma_start3A_299 = arith.constant 0 : i32
      %dma_start3A_300 = arith.constant 0 : i32
      %dma_start3A_301 = tpu.memref_slice %arg19[%dma_start3A_299, %dma_start3A_300] : memref<5120x128xf32, #tpu.memory_space<vmem_shared>> -> memref<5120x128xf32, #tpu.memory_space<vmem_shared>>
      tpu.enqueue_indirect_dma source(%arg15 : memref<64x128xf32, #tpu.memory_space<vmem>>) target(%dma_start3A_301 : memref<5120x128xf32, #tpu.memory_space<vmem_shared>>) offsets(%dma_start3A_298 : memref<64xi32, #tpu.memory_space<vmem>>) semaphore(%arg31 : memref<!tpu.dma_semaphore, #tpu.memory_space<semaphore_mem>>) {add = true}
      %add3A_302 = arith.constant 4 : i32
      %add3A_303 = arith.addi %add3A_284, %add3A_302 : i32
      %lt3A_304 = arith.constant 160 : i32
      %lt3A_305 = arith.cmpi slt, %add3A_303, %lt3A_304 : i32
      %convert_element_type3A_306 = arith.extui %lt3A_305 : i1 to i32
      %cond3A_307 = arith.constant 0 : i32
      %cond3A_308 = arith.cmpi ne, %convert_element_type3A_306, %cond3A_307 : i32
      scf.if %cond3A_308 {
        %add3A_309 = arith.constant 4 : i32
        %add3A_310 = arith.addi %add3A_284, %add3A_309 : i32
        %mul3A_311 = arith.constant 64 : i32
        %mul3A_312 = arith.muli %add3A_310, %mul3A_311 : i32
        %dma_start3A_313 = tpu.memref_slice %arg9[%mul3A_312] : memref<10240xi32, #tpu.memory_space<vmem>> -> memref<64xi32, #tpu.memory_space<vmem>>
        %dma_start3A_314 = arith.constant 0 : i32
        %dma_start3A_315 = arith.constant 0 : i32
        %dma_start3A_316 = tpu.memref_slice %arg2[%dma_start3A_314, %dma_start3A_315] : memref<10240x128xf32, #tpu.memory_space<hbm>> -> memref<10240x128xf32, #tpu.memory_space<hbm>>
        tpu.enqueue_indirect_dma source(%dma_start3A_316 : memref<10240x128xf32, #tpu.memory_space<hbm>>) target(%arg14 : memref<64x128xf32, #tpu.memory_space<vmem>>) offsets(%dma_start3A_313 : memref<64xi32, #tpu.memory_space<vmem>>) semaphore(%arg25 : memref<!tpu.dma_semaphore, #tpu.memory_space<semaphore_mem>>)
      } else {
      }
    }
    %scan3A_152 = arith.constant 32 : i32
    %dma_wait3A_153 = arith.constant 10176 : i32
    %dma_wait3A_154 = tpu.memref_slice %arg10[%dma_wait3A_153] : memref<10240xi32, #tpu.memory_space<vmem>> -> memref<64xi32, #tpu.memory_space<vmem>>
    %dma_wait3A_155 = arith.constant 0 : i32
    %dma_wait3A_156 = arith.constant 0 : i32
    %dma_wait3A_157 = tpu.memref_slice %arg19[%dma_wait3A_155, %dma_wait3A_156] : memref<5120x128xf32, #tpu.memory_space<vmem_shared>> -> memref<5120x128xf32, #tpu.memory_space<vmem_shared>>
    tpu.wait_indirect_dma semaphore(%arg31 : memref<!tpu.dma_semaphore, #tpu.memory_space<semaphore_mem>>) src(%arg15 : memref<64x128xf32, #tpu.memory_space<vmem>>) dst(%dma_wait3A_157 : memref<5120x128xf32, #tpu.memory_space<vmem_shared>>)
    %add3A_158 = arith.constant 192 : i32
    %add3A_159 = arith.addi %mul3A_2, %add3A_158 : i32
    %dma_wait3A_160 = arith.constant 0 : i32
    %dma_wait3A_161 = tpu.memref_slice %arg6[%add3A_159, %dma_wait3A_160] : memref<10240x128xf32, #tpu.memory_space<hbm>> -> memref<64x128xf32, #tpu.memory_space<hbm>>
    %dma_wait3A_162 = arith.constant 0 : i32
    %dma_wait3A_163 = tpu.memref_slice %arg6[%add3A_159, %dma_wait3A_162] : memref<10240x128xf32, #tpu.memory_space<hbm>> -> memref<64x128xf32, #tpu.memory_space<hbm>>
    tpu.wait_dma2 semaphore(%arg21 : memref<!tpu.dma_semaphore, #tpu.memory_space<semaphore_mem>>) src(%arg17 : memref<64x128xf32, #tpu.memory_space<vmem>>) dst(%dma_wait3A_163 : memref<64x128xf32, #tpu.memory_space<hbm>>)
    %add3A_164 = arith.constant 256 : i32
    %add3A_165 = arith.addi %mul3A_2, %add3A_164 : i32
    %dma_wait3A_166 = arith.constant 0 : i32
    %dma_wait3A_167 = tpu.memref_slice %arg6[%add3A_165, %dma_wait3A_166] : memref<10240x128xf32, #tpu.memory_space<hbm>> -> memref<64x128xf32, #tpu.memory_space<hbm>>
    %dma_wait3A_168 = arith.constant 0 : i32
    %dma_wait3A_169 = tpu.memref_slice %arg6[%add3A_165, %dma_wait3A_168] : memref<10240x128xf32, #tpu.memory_space<hbm>> -> memref<64x128xf32, #tpu.memory_space<hbm>>
    tpu.wait_dma2 semaphore(%arg21 : memref<!tpu.dma_semaphore, #tpu.memory_space<semaphore_mem>>) src(%arg16 : memref<64x128xf32, #tpu.memory_space<vmem>>) dst(%dma_wait3A_169 : memref<64x128xf32, #tpu.memory_space<hbm>>)
    %mul3A_170 = arith.constant 320 : i32
    %mul3A_171 = arith.muli %arg1, %mul3A_170 : i32
    "tpu.region"() ({
      %run_scoped3A = tpu.sem_alloc : memref<!tpu.dma_semaphore, #tpu.memory_space<semaphore_mem>>
      %dma_start3A_172 = arith.constant 0 : i32
      %dma_start3A_173 = tpu.memref_slice %arg7[%mul3A_2, %dma_start3A_172] : memref<10240x128xf32, #tpu.memory_space<hbm>> -> memref<320x128xf32, #tpu.memory_space<hbm>>
      %dma_start3A_174 = arith.constant 0 : i32
      %dma_start3A_175 = tpu.memref_slice %arg19[%mul3A_171, %dma_start3A_174] : memref<5120x128xf32, #tpu.memory_space<vmem_shared>> -> memref<320x128xf32, #tpu.memory_space<vmem_shared>>
      tpu.enqueue_dma source(%dma_start3A_175 : memref<320x128xf32, #tpu.memory_space<vmem_shared>>) target(%dma_start3A_173 : memref<320x128xf32, #tpu.memory_space<hbm>>) target_semaphore(%run_scoped3A : memref<!tpu.dma_semaphore, #tpu.memory_space<semaphore_mem>>)
      %dma_wait3A_176 = arith.constant 0 : i32
      %dma_wait3A_177 = tpu.memref_slice %arg7[%mul3A_2, %dma_wait3A_176] : memref<10240x128xf32, #tpu.memory_space<hbm>> -> memref<320x128xf32, #tpu.memory_space<hbm>>
      %dma_wait3A_178 = arith.constant 0 : i32
      %dma_wait3A_179 = tpu.memref_slice %arg19[%mul3A_171, %dma_wait3A_178] : memref<5120x128xf32, #tpu.memory_space<vmem_shared>> -> memref<320x128xf32, #tpu.memory_space<vmem_shared>>
      tpu.wait_dma2 semaphore(%run_scoped3A : memref<!tpu.dma_semaphore, #tpu.memory_space<semaphore_mem>>) src(%dma_wait3A_179 : memref<320x128xf32, #tpu.memory_space<vmem_shared>>) dst(%dma_wait3A_177 : memref<320x128xf32, #tpu.memory_space<hbm>>)
      tpu.yield
    }) : () -> ()
    return
  }
}

#map = affine_map<(d0, d1) -> (0, 0)>
#map1 = affine_map<(d0, d1) -> (0)>
module attributes {stable_mosaic.version = 14 : i64} {
  func.func @_sc_gather(%arg0: i32, %arg1: i32, %arg2: memref<10240x128xf32, #tpu.memory_space<hbm>>, %arg3: memref<10240xi32, #tpu.memory_space<hbm>>, %arg4: memref<327680xi32, #tpu.memory_space<hbm>>, %arg5: memref<16x10240xi32, #tpu.memory_space<hbm>>, %arg6: memref<10240x128xf32, #tpu.memory_space<hbm>>, %arg7: memref<10240x128xf32, #tpu.memory_space<hbm>>, %arg8: memref<320xi32, #tpu.memory_space<vmem>>, %arg9: memref<10240xi32, #tpu.memory_space<vmem>>, %arg10: memref<10240xi32, #tpu.memory_space<vmem>>, %arg11: memref<64x128xf32, #tpu.memory_space<vmem>>, %arg12: memref<64x128xf32, #tpu.memory_space<vmem>>, %arg13: memref<64x128xf32, #tpu.memory_space<vmem>>, %arg14: memref<64x128xf32, #tpu.memory_space<vmem>>, %arg15: memref<64x128xf32, #tpu.memory_space<vmem>>, %arg16: memref<64x128xf32, #tpu.memory_space<vmem>>, %arg17: memref<64x128xf32, #tpu.memory_space<vmem>>, %arg18: memref<64x128xf32, #tpu.memory_space<vmem>>, %arg19: memref<5120x128xf32, #tpu.memory_space<vmem_shared>>, %arg20: memref<!tpu.dma_semaphore, #tpu.memory_space<semaphore_mem>>, %arg21: memref<!tpu.dma_semaphore, #tpu.memory_space<semaphore_mem>>, %arg22: memref<!tpu.dma_semaphore, #tpu.memory_space<semaphore_mem>>, %arg23: memref<!tpu.dma_semaphore, #tpu.memory_space<semaphore_mem>>, %arg24: memref<!tpu.dma_semaphore, #tpu.memory_space<semaphore_mem>>, %arg25: memref<!tpu.dma_semaphore, #tpu.memory_space<semaphore_mem>>, %arg26: memref<!tpu.dma_semaphore, #tpu.memory_space<semaphore_mem>>, %arg27: memref<!tpu.dma_semaphore, #tpu.memory_space<semaphore_mem>>, %arg28: memref<!tpu.dma_semaphore, #tpu.memory_space<semaphore_mem>>, %arg29: memref<!tpu.dma_semaphore, #tpu.memory_space<semaphore_mem>>, %arg30: memref<!tpu.dma_semaphore, #tpu.memory_space<semaphore_mem>>, %arg31: memref<!tpu.dma_semaphore, #tpu.memory_space<semaphore_mem>>) attributes {dimension_semantics = [#tpu.dimension_semantics<core_parallel>, #tpu.dimension_semantics<subcore_parallel>], iteration_bounds = array<i64: 2, 16>, scalar_prefetch = 0 : i64, scratch_operands = 24 : i64, tpu.core_type = #tpu.core_type<sc_vector_subcore>, window_params = [{transform_indices = #map}, {transform_indices = #map1}, {transform_indices = #map1}, {transform_indices = #map}, {transform_indices = #map}, {transform_indices = #map}]} {
    %mul3A = arith.constant 2 : i32
    %mul3A_0 = arith.muli %arg1, %mul3A : i32
    %add3A = arith.addi %mul3A_0, %arg0 : i32
    %mul3A_1 = arith.constant 320 : i32
    %mul3A_2 = arith.muli %add3A, %mul3A_1 : i32
    "tpu.region"() ({
      %run_scoped3A = tpu.sem_alloc : memref<!tpu.dma_semaphore, #tpu.memory_space<semaphore_mem>>
      %dma_start3A_172 = tpu.memref_slice %arg3[%mul3A_2] : memref<10240xi32, #tpu.memory_space<hbm>> -> memref<320xi32, #tpu.memory_space<hbm>>
      %dma_start3A_173 = tpu.memref_slice %arg3[%mul3A_2] : memref<10240xi32, #tpu.memory_space<hbm>> -> memref<320xi32, #tpu.memory_space<hbm>>
      tpu.enqueue_dma source(%dma_start3A_173 : memref<320xi32, #tpu.memory_space<hbm>>) target(%arg8 : memref<320xi32, #tpu.memory_space<vmem>>) target_semaphore(%run_scoped3A : memref<!tpu.dma_semaphore, #tpu.memory_space<semaphore_mem>>)
      %dma_wait3A_174 = tpu.memref_slice %arg3[%mul3A_2] : memref<10240xi32, #tpu.memory_space<hbm>> -> memref<320xi32, #tpu.memory_space<hbm>>
      %dma_wait3A_175 = tpu.memref_slice %arg3[%mul3A_2] : memref<10240xi32, #tpu.memory_space<hbm>> -> memref<320xi32, #tpu.memory_space<hbm>>
      tpu.wait_dma2 semaphore(%run_scoped3A : memref<!tpu.dma_semaphore, #tpu.memory_space<semaphore_mem>>) src(%dma_wait3A_175 : memref<320xi32, #tpu.memory_space<hbm>>) dst(%arg8 : memref<320xi32, #tpu.memory_space<vmem>>)
      tpu.yield
    }) : () -> ()
    %mul3A_3 = arith.constant 32 : i32
    %mul3A_4 = arith.muli %mul3A_2, %mul3A_3 : i32
    "tpu.region"() ({
      %run_scoped3A = tpu.sem_alloc : memref<!tpu.dma_semaphore, #tpu.memory_space<semaphore_mem>>
      %dma_start3A_172 = tpu.memref_slice %arg4[%mul3A_4] : memref<327680xi32, #tpu.memory_space<hbm>> -> memref<10240xi32, #tpu.memory_space<hbm>>
      %dma_start3A_173 = tpu.memref_slice %arg4[%mul3A_4] : memref<327680xi32, #tpu.memory_space<hbm>> -> memref<10240xi32, #tpu.memory_space<hbm>>
      tpu.enqueue_dma source(%dma_start3A_173 : memref<10240xi32, #tpu.memory_space<hbm>>) target(%arg9 : memref<10240xi32, #tpu.memory_space<vmem>>) target_semaphore(%run_scoped3A : memref<!tpu.dma_semaphore, #tpu.memory_space<semaphore_mem>>)
      %dma_wait3A_174 = tpu.memref_slice %arg4[%mul3A_4] : memref<327680xi32, #tpu.memory_space<hbm>> -> memref<10240xi32, #tpu.memory_space<hbm>>
      %dma_wait3A_175 = tpu.memref_slice %arg4[%mul3A_4] : memref<327680xi32, #tpu.memory_space<hbm>> -> memref<10240xi32, #tpu.memory_space<hbm>>
      tpu.wait_dma2 semaphore(%run_scoped3A : memref<!tpu.dma_semaphore, #tpu.memory_space<semaphore_mem>>) src(%dma_wait3A_175 : memref<10240xi32, #tpu.memory_space<hbm>>) dst(%arg9 : memref<10240xi32, #tpu.memory_space<vmem>>)
      tpu.yield
    }) : () -> ()
    "tpu.region"() ({
      %run_scoped3A = tpu.sem_alloc : memref<!tpu.dma_semaphore, #tpu.memory_space<semaphore_mem>>
      %dma_start3A_172 = arith.constant 0 : i32
      %dma_start3A_173 = tpu.memref_slice %arg5[%arg1, %dma_start3A_172] : memref<16x10240xi32, #tpu.memory_space<hbm>> -> memref<1x10240xi32, #tpu.memory_space<hbm>>
      %dma_start3A_174 = tpu.memref_squeeze %dma_start3A_173 : memref<1x10240xi32, #tpu.memory_space<hbm>> -> memref<10240xi32, #tpu.memory_space<hbm>>
      %dma_start3A_175 = arith.constant 0 : i32
      %dma_start3A_176 = tpu.memref_slice %arg5[%arg1, %dma_start3A_175] : memref<16x10240xi32, #tpu.memory_space<hbm>> -> memref<1x10240xi32, #tpu.memory_space<hbm>>
      %dma_start3A_177 = tpu.memref_squeeze %dma_start3A_176 : memref<1x10240xi32, #tpu.memory_space<hbm>> -> memref<10240xi32, #tpu.memory_space<hbm>>
      tpu.enqueue_dma source(%dma_start3A_177 : memref<10240xi32, #tpu.memory_space<hbm>>) target(%arg10 : memref<10240xi32, #tpu.memory_space<vmem>>) target_semaphore(%run_scoped3A : memref<!tpu.dma_semaphore, #tpu.memory_space<semaphore_mem>>)
      %dma_wait3A_178 = arith.constant 0 : i32
      %dma_wait3A_179 = tpu.memref_slice %arg5[%arg1, %dma_wait3A_178] : memref<16x10240xi32, #tpu.memory_space<hbm>> -> memref<1x10240xi32, #tpu.memory_space<hbm>>
      %dma_wait3A_180 = tpu.memref_squeeze %dma_wait3A_179 : memref<1x10240xi32, #tpu.memory_space<hbm>> -> memref<10240xi32, #tpu.memory_space<hbm>>
      %dma_wait3A_181 = arith.constant 0 : i32
      %dma_wait3A_182 = tpu.memref_slice %arg5[%arg1, %dma_wait3A_181] : memref<16x10240xi32, #tpu.memory_space<hbm>> -> memref<1x10240xi32, #tpu.memory_space<hbm>>
      %dma_wait3A_183 = tpu.memref_squeeze %dma_wait3A_182 : memref<1x10240xi32, #tpu.memory_space<hbm>> -> memref<10240xi32, #tpu.memory_space<hbm>>
      tpu.wait_dma2 semaphore(%run_scoped3A : memref<!tpu.dma_semaphore, #tpu.memory_space<semaphore_mem>>) src(%dma_wait3A_183 : memref<10240xi32, #tpu.memory_space<hbm>>) dst(%arg10 : memref<10240xi32, #tpu.memory_space<vmem>>)
      tpu.yield
    }) : () -> ()
    %broadcast_in_dim3A = arith.constant 0.000000e+00 : f32
    %broadcast_in_dim3A_5 = vector.broadcast %broadcast_in_dim3A : f32 to vector<16xf32>
    %scan3A = arith.constant 0 : i32
    %scan3A_6 = arith.constant 0 : i32
    %scan3A_7 = arith.constant 64 : i32
    %scan3A_8 = arith.addi %scan3A_6, %scan3A_7 : i32
    %scan3A_9 = arith.constant 1 : i32
    scf.for %scan3A_172 = %scan3A_6 to %scan3A_8 step %scan3A_9  : i32 {
      %swap3A = arith.index_cast %scan3A_172 : i32 to index
      %swap3A_173 = arith.constant 0 : index
      %swap3A_174 = tpu.vector_load %arg18[%swap3A, %swap3A_173] {strides = array<i32>} : memref<64x128xf32, #tpu.memory_space<vmem>>, vector<1x16xf32>,
      %swap3A_175 = vector.shape_cast %swap3A_174 : vector<1x16xf32> to vector<16xf32>
      %swap3A_176 = vector.shape_cast %broadcast_in_dim3A_5 : vector<16xf32> to vector<1x16xf32>
      tpu.vector_store %arg18[%swap3A, %swap3A_173], %swap3A_176 {strides = array<i32>} : memref<64x128xf32, #tpu.memory_space<vmem>>, vector<1x16xf32>,
      %swap3A_177 = arith.index_cast %scan3A_172 : i32 to index
      %swap3A_178 = arith.constant 16 : index
      %swap3A_179 = tpu.vector_load %arg18[%swap3A_177, %swap3A_178] {strides = array<i32>} : memref<64x128xf32, #tpu.memory_space<vmem>>, vector<1x16xf32>,
      %swap3A_180 = vector.shape_cast %swap3A_179 : vector<1x16xf32> to vector<16xf32>
      %swap3A_181 = vector.shape_cast %broadcast_in_dim3A_5 : vector<16xf32> to vector<1x16xf32>
      tpu.vector_store %arg18[%swap3A_177, %swap3A_178], %swap3A_181 {strides = array<i32>} : memref<64x128xf32, #tpu.memory_space<vmem>>, vector<1x16xf32>,
      %swap3A_182 = arith.index_cast %scan3A_172 : i32 to index
      %swap3A_183 = arith.constant 32 : index
      %swap3A_184 = tpu.vector_load %arg18[%swap3A_182, %swap3A_183] {strides = array<i32>} : memref<64x128xf32, #tpu.memory_space<vmem>>, vector<1x16xf32>,
      %swap3A_185 = vector.shape_cast %swap3A_184 : vector<1x16xf32> to vector<16xf32>
      %swap3A_186 = vector.shape_cast %broadcast_in_dim3A_5 : vector<16xf32> to vector<1x16xf32>
      tpu.vector_store %arg18[%swap3A_182, %swap3A_183], %swap3A_186 {strides = array<i32>} : memref<64x128xf32, #tpu.memory_space<vmem>>, vector<1x16xf32>,
      %swap3A_187 = arith.index_cast %scan3A_172 : i32 to index
      %swap3A_188 = arith.constant 48 : index
      %swap3A_189 = tpu.vector_load %arg18[%swap3A_187, %swap3A_188] {strides = array<i32>} : memref<64x128xf32, #tpu.memory_space<vmem>>, vector<1x16xf32>,
      %swap3A_190 = vector.shape_cast %swap3A_189 : vector<1x16xf32> to vector<16xf32>
      %swap3A_191 = vector.shape_cast %broadcast_in_dim3A_5 : vector<16xf32> to vector<1x16xf32>
      tpu.vector_store %arg18[%swap3A_187, %swap3A_188], %swap3A_191 {strides = array<i32>} : memref<64x128xf32, #tpu.memory_space<vmem>>, vector<1x16xf32>,
      %swap3A_192 = arith.index_cast %scan3A_172 : i32 to index
      %swap3A_193 = arith.constant 64 : index
      %swap3A_194 = tpu.vector_load %arg18[%swap3A_192, %swap3A_193] {strides = array<i32>} : memref<64x128xf32, #tpu.memory_space<vmem>>, vector<1x16xf32>,
      %swap3A_195 = vector.shape_cast %swap3A_194 : vector<1x16xf32> to vector<16xf32>
      %swap3A_196 = vector.shape_cast %broadcast_in_dim3A_5 : vector<16xf32> to vector<1x16xf32>
      tpu.vector_store %arg18[%swap3A_192, %swap3A_193], %swap3A_196 {strides = array<i32>} : memref<64x128xf32, #tpu.memory_space<vmem>>, vector<1x16xf32>,
      %swap3A_197 = arith.index_cast %scan3A_172 : i32 to index
      %swap3A_198 = arith.constant 80 : index
      %swap3A_199 = tpu.vector_load %arg18[%swap3A_197, %swap3A_198] {strides = array<i32>} : memref<64x128xf32, #tpu.memory_space<vmem>>, vector<1x16xf32>,
      %swap3A_200 = vector.shape_cast %swap3A_199 : vector<1x16xf32> to vector<16xf32>
      %swap3A_201 = vector.shape_cast %broadcast_in_dim3A_5 : vector<16xf32> to vector<1x16xf32>
      tpu.vector_store %arg18[%swap3A_197, %swap3A_198], %swap3A_201 {strides = array<i32>} : memref<64x128xf32, #tpu.memory_space<vmem>>, vector<1x16xf32>,
      %swap3A_202 = arith.index_cast %scan3A_172 : i32 to index
      %swap3A_203 = arith.constant 96 : index
      %swap3A_204 = tpu.vector_load %arg18[%swap3A_202, %swap3A_203] {strides = array<i32>} : memref<64x128xf32, #tpu.memory_space<vmem>>, vector<1x16xf32>,
      %swap3A_205 = vector.shape_cast %swap3A_204 : vector<1x16xf32> to vector<16xf32>
      %swap3A_206 = vector.shape_cast %broadcast_in_dim3A_5 : vector<16xf32> to vector<1x16xf32>
      tpu.vector_store %arg18[%swap3A_202, %swap3A_203], %swap3A_206 {strides = array<i32>} : memref<64x128xf32, #tpu.memory_space<vmem>>, vector<1x16xf32>,
      %swap3A_207 = arith.index_cast %scan3A_172 : i32 to index
      %swap3A_208 = arith.constant 112 : index
      %swap3A_209 = tpu.vector_load %arg18[%swap3A_207, %swap3A_208] {strides = array<i32>} : memref<64x128xf32, #tpu.memory_space<vmem>>, vector<1x16xf32>,
      %swap3A_210 = vector.shape_cast %swap3A_209 : vector<1x16xf32> to vector<16xf32>
      %swap3A_211 = vector.shape_cast %broadcast_in_dim3A_5 : vector<16xf32> to vector<1x16xf32>
      tpu.vector_store %arg18[%swap3A_207, %swap3A_208], %swap3A_211 {strides = array<i32>} : memref<64x128xf32, #tpu.memory_space<vmem>>, vector<1x16xf32>,
    }
    %scan3A_10 = arith.constant 64 : i32
    %mul3A_11 = arith.constant 320 : i32
    %mul3A_12 = arith.muli %arg1, %mul3A_11 : i32
    %add3A_13 = arith.constant 0 : i32
    %add3A_14 = arith.addi %mul3A_12, %add3A_13 : i32
    "tpu.region"() ({
      %run_scoped3A = tpu.sem_alloc : memref<!tpu.dma_semaphore, #tpu.memory_space<semaphore_mem>>
      %dma_start3A_172 = arith.constant 0 : i32
      %dma_start3A_173 = tpu.memref_slice %arg19[%add3A_14, %dma_start3A_172] : memref<5120x128xf32, #tpu.memory_space<vmem_shared>> -> memref<64x128xf32, #tpu.memory_space<vmem_shared>>
      %dma_start3A_174 = arith.constant 0 : i32
      %dma_start3A_175 = tpu.memref_slice %arg19[%add3A_14, %dma_start3A_174] : memref<5120x128xf32, #tpu.memory_space<vmem_shared>> -> memref<64x128xf32, #tpu.memory_space<vmem_shared>>
      tpu.enqueue_dma source(%arg18 : memref<64x128xf32, #tpu.memory_space<vmem>>) target(%dma_start3A_175 : memref<64x128xf32, #tpu.memory_space<vmem_shared>>) target_semaphore(%run_scoped3A : memref<!tpu.dma_semaphore, #tpu.memory_space<semaphore_mem>>)
      %dma_wait3A_176 = arith.constant 0 : i32
      %dma_wait3A_177 = tpu.memref_slice %arg19[%add3A_14, %dma_wait3A_176] : memref<5120x128xf32, #tpu.memory_space<vmem_shared>> -> memref<64x128xf32, #tpu.memory_space<vmem_shared>>
      %dma_wait3A_178 = arith.constant 0 : i32
      %dma_wait3A_179 = tpu.memref_slice %arg19[%add3A_14, %dma_wait3A_178] : memref<5120x128xf32, #tpu.memory_space<vmem_shared>> -> memref<64x128xf32, #tpu.memory_space<vmem_shared>>
      tpu.wait_dma2 semaphore(%run_scoped3A : memref<!tpu.dma_semaphore, #tpu.memory_space<semaphore_mem>>) src(%arg18 : memref<64x128xf32, #tpu.memory_space<vmem>>) dst(%dma_wait3A_179 : memref<64x128xf32, #tpu.memory_space<vmem_shared>>)
      tpu.yield
    }) : () -> ()
    %mul3A_15 = arith.constant 320 : i32
    %mul3A_16 = arith.muli %arg1, %mul3A_15 : i32
    %add3A_17 = arith.constant 64 : i32
    %add3A_18 = arith.addi %mul3A_16, %add3A_17 : i32
    "tpu.region"() ({
      %run_scoped3A = tpu.sem_alloc : memref<!tpu.dma_semaphore, #tpu.memory_space<semaphore_mem>>
      %dma_start3A_172 = arith.constant 0 : i32
      %dma_start3A_173 = tpu.memref_slice %arg19[%add3A_18, %dma_start3A_172] : memref<5120x128xf32, #tpu.memory_space<vmem_shared>> -> memref<64x128xf32, #tpu.memory_space<vmem_shared>>
      %dma_start3A_174 = arith.constant 0 : i32
      %dma_start3A_175 = tpu.memref_slice %arg19[%add3A_18, %dma_start3A_174] : memref<5120x128xf32, #tpu.memory_space<vmem_shared>> -> memref<64x128xf32, #tpu.memory_space<vmem_shared>>
      tpu.enqueue_dma source(%arg18 : memref<64x128xf32, #tpu.memory_space<vmem>>) target(%dma_start3A_175 : memref<64x128xf32, #tpu.memory_space<vmem_shared>>) target_semaphore(%run_scoped3A : memref<!tpu.dma_semaphore, #tpu.memory_space<semaphore_mem>>)
      %dma_wait3A_176 = arith.constant 0 : i32
      %dma_wait3A_177 = tpu.memref_slice %arg19[%add3A_18, %dma_wait3A_176] : memref<5120x128xf32, #tpu.memory_space<vmem_shared>> -> memref<64x128xf32, #tpu.memory_space<vmem_shared>>
      %dma_wait3A_178 = arith.constant 0 : i32
      %dma_wait3A_179 = tpu.memref_slice %arg19[%add3A_18, %dma_wait3A_178] : memref<5120x128xf32, #tpu.memory_space<vmem_shared>> -> memref<64x128xf32, #tpu.memory_space<vmem_shared>>
      tpu.wait_dma2 semaphore(%run_scoped3A : memref<!tpu.dma_semaphore, #tpu.memory_space<semaphore_mem>>) src(%arg18 : memref<64x128xf32, #tpu.memory_space<vmem>>) dst(%dma_wait3A_179 : memref<64x128xf32, #tpu.memory_space<vmem_shared>>)
      tpu.yield
    }) : () -> ()
    %mul3A_19 = arith.constant 320 : i32
    %mul3A_20 = arith.muli %arg1, %mul3A_19 : i32
    %add3A_21 = arith.constant 128 : i32
    %add3A_22 = arith.addi %mul3A_20, %add3A_21 : i32
    "tpu.region"() ({
      %run_scoped3A = tpu.sem_alloc : memref<!tpu.dma_semaphore, #tpu.memory_space<semaphore_mem>>
      %dma_start3A_172 = arith.constant 0 : i32
      %dma_start3A_173 = tpu.memref_slice %arg19[%add3A_22, %dma_start3A_172] : memref<5120x128xf32, #tpu.memory_space<vmem_shared>> -> memref<64x128xf32, #tpu.memory_space<vmem_shared>>
      %dma_start3A_174 = arith.constant 0 : i32
      %dma_start3A_175 = tpu.memref_slice %arg19[%add3A_22, %dma_start3A_174] : memref<5120x128xf32, #tpu.memory_space<vmem_shared>> -> memref<64x128xf32, #tpu.memory_space<vmem_shared>>
      tpu.enqueue_dma source(%arg18 : memref<64x128xf32, #tpu.memory_space<vmem>>) target(%dma_start3A_175 : memref<64x128xf32, #tpu.memory_space<vmem_shared>>) target_semaphore(%run_scoped3A : memref<!tpu.dma_semaphore, #tpu.memory_space<semaphore_mem>>)
      %dma_wait3A_176 = arith.constant 0 : i32
      %dma_wait3A_177 = tpu.memref_slice %arg19[%add3A_22, %dma_wait3A_176] : memref<5120x128xf32, #tpu.memory_space<vmem_shared>> -> memref<64x128xf32, #tpu.memory_space<vmem_shared>>
      %dma_wait3A_178 = arith.constant 0 : i32
      %dma_wait3A_179 = tpu.memref_slice %arg19[%add3A_22, %dma_wait3A_178] : memref<5120x128xf32, #tpu.memory_space<vmem_shared>> -> memref<64x128xf32, #tpu.memory_space<vmem_shared>>
      tpu.wait_dma2 semaphore(%run_scoped3A : memref<!tpu.dma_semaphore, #tpu.memory_space<semaphore_mem>>) src(%arg18 : memref<64x128xf32, #tpu.memory_space<vmem>>) dst(%dma_wait3A_179 : memref<64x128xf32, #tpu.memory_space<vmem_shared>>)
      tpu.yield
    }) : () -> ()
    %mul3A_23 = arith.constant 320 : i32
    %mul3A_24 = arith.muli %arg1, %mul3A_23 : i32
    %add3A_25 = arith.constant 192 : i32
    %add3A_26 = arith.addi %mul3A_24, %add3A_25 : i32
    "tpu.region"() ({
      %run_scoped3A = tpu.sem_alloc : memref<!tpu.dma_semaphore, #tpu.memory_space<semaphore_mem>>
      %dma_start3A_172 = arith.constant 0 : i32
      %dma_start3A_173 = tpu.memref_slice %arg19[%add3A_26, %dma_start3A_172] : memref<5120x128xf32, #tpu.memory_space<vmem_shared>> -> memref<64x128xf32, #tpu.memory_space<vmem_shared>>
      %dma_start3A_174 = arith.constant 0 : i32
      %dma_start3A_175 = tpu.memref_slice %arg19[%add3A_26, %dma_start3A_174] : memref<5120x128xf32, #tpu.memory_space<vmem_shared>> -> memref<64x128xf32, #tpu.memory_space<vmem_shared>>
      tpu.enqueue_dma source(%arg18 : memref<64x128xf32, #tpu.memory_space<vmem>>) target(%dma_start3A_175 : memref<64x128xf32, #tpu.memory_space<vmem_shared>>) target_semaphore(%run_scoped3A : memref<!tpu.dma_semaphore, #tpu.memory_space<semaphore_mem>>)
      %dma_wait3A_176 = arith.constant 0 : i32
      %dma_wait3A_177 = tpu.memref_slice %arg19[%add3A_26, %dma_wait3A_176] : memref<5120x128xf32, #tpu.memory_space<vmem_shared>> -> memref<64x128xf32, #tpu.memory_space<vmem_shared>>
      %dma_wait3A_178 = arith.constant 0 : i32
      %dma_wait3A_179 = tpu.memref_slice %arg19[%add3A_26, %dma_wait3A_178] : memref<5120x128xf32, #tpu.memory_space<vmem_shared>> -> memref<64x128xf32, #tpu.memory_space<vmem_shared>>
      tpu.wait_dma2 semaphore(%run_scoped3A : memref<!tpu.dma_semaphore, #tpu.memory_space<semaphore_mem>>) src(%arg18 : memref<64x128xf32, #tpu.memory_space<vmem>>) dst(%dma_wait3A_179 : memref<64x128xf32, #tpu.memory_space<vmem_shared>>)
      tpu.yield
    }) : () -> ()
    %mul3A_27 = arith.constant 320 : i32
    %mul3A_28 = arith.muli %arg1, %mul3A_27 : i32
    %add3A_29 = arith.constant 256 : i32
    %add3A_30 = arith.addi %mul3A_28, %add3A_29 : i32
    "tpu.region"() ({
      %run_scoped3A = tpu.sem_alloc : memref<!tpu.dma_semaphore, #tpu.memory_space<semaphore_mem>>
      %dma_start3A_172 = arith.constant 0 : i32
      %dma_start3A_173 = tpu.memref_slice %arg19[%add3A_30, %dma_start3A_172] : memref<5120x128xf32, #tpu.memory_space<vmem_shared>> -> memref<64x128xf32, #tpu.memory_space<vmem_shared>>
      %dma_start3A_174 = arith.constant 0 : i32
      %dma_start3A_175 = tpu.memref_slice %arg19[%add3A_30, %dma_start3A_174] : memref<5120x128xf32, #tpu.memory_space<vmem_shared>> -> memref<64x128xf32, #tpu.memory_space<vmem_shared>>
      tpu.enqueue_dma source(%arg18 : memref<64x128xf32, #tpu.memory_space<vmem>>) target(%dma_start3A_175 : memref<64x128xf32, #tpu.memory_space<vmem_shared>>) target_semaphore(%run_scoped3A : memref<!tpu.dma_semaphore, #tpu.memory_space<semaphore_mem>>)
      %dma_wait3A_176 = arith.constant 0 : i32
      %dma_wait3A_177 = tpu.memref_slice %arg19[%add3A_30, %dma_wait3A_176] : memref<5120x128xf32, #tpu.memory_space<vmem_shared>> -> memref<64x128xf32, #tpu.memory_space<vmem_shared>>
      %dma_wait3A_178 = arith.constant 0 : i32
      %dma_wait3A_179 = tpu.memref_slice %arg19[%add3A_30, %dma_wait3A_178] : memref<5120x128xf32, #tpu.memory_space<vmem_shared>> -> memref<64x128xf32, #tpu.memory_space<vmem_shared>>
      tpu.wait_dma2 semaphore(%run_scoped3A : memref<!tpu.dma_semaphore, #tpu.memory_space<semaphore_mem>>) src(%arg18 : memref<64x128xf32, #tpu.memory_space<vmem>>) dst(%dma_wait3A_179 : memref<64x128xf32, #tpu.memory_space<vmem_shared>>)
      tpu.yield
    }) : () -> ()
    %dma_start3A = arith.constant 0 : i32
    %dma_start3A_31 = tpu.memref_slice %arg9[%dma_start3A] : memref<10240xi32, #tpu.memory_space<vmem>> -> memref<64xi32, #tpu.memory_space<vmem>>
    %dma_start3A_32 = arith.constant 0 : i32
    %dma_start3A_33 = arith.constant 0 : i32
    %dma_start3A_34 = tpu.memref_slice %arg2[%dma_start3A_32, %dma_start3A_33] : memref<10240x128xf32, #tpu.memory_space<hbm>> -> memref<10240x128xf32, #tpu.memory_space<hbm>>
    tpu.enqueue_indirect_dma source(%dma_start3A_34 : memref<10240x128xf32, #tpu.memory_space<hbm>>) target(%arg11 : memref<64x128xf32, #tpu.memory_space<vmem>>) offsets(%dma_start3A_31 : memref<64xi32, #tpu.memory_space<vmem>>) semaphore(%arg22 : memref<!tpu.dma_semaphore, #tpu.memory_space<semaphore_mem>>)
    %dma_start3A_35 = arith.constant 64 : i32
    %dma_start3A_36 = tpu.memref_slice %arg9[%dma_start3A_35] : memref<10240xi32, #tpu.memory_space<vmem>> -> memref<64xi32, #tpu.memory_space<vmem>>
    %dma_start3A_37 = arith.constant 0 : i32
    %dma_start3A_38 = arith.constant 0 : i32
    %dma_start3A_39 = tpu.memref_slice %arg2[%dma_start3A_37, %dma_start3A_38] : memref<10240x128xf32, #tpu.memory_space<hbm>> -> memref<10240x128xf32, #tpu.memory_space<hbm>>
    tpu.enqueue_indirect_dma source(%dma_start3A_39 : memref<10240x128xf32, #tpu.memory_space<hbm>>) target(%arg12 : memref<64x128xf32, #tpu.memory_space<vmem>>) offsets(%dma_start3A_36 : memref<64xi32, #tpu.memory_space<vmem>>) semaphore(%arg23 : memref<!tpu.dma_semaphore, #tpu.memory_space<semaphore_mem>>)
    %dma_start3A_40 = arith.constant 128 : i32
    %dma_start3A_41 = tpu.memref_slice %arg9[%dma_start3A_40] : memref<10240xi32, #tpu.memory_space<vmem>> -> memref<64xi32, #tpu.memory_space<vmem>>
    %dma_start3A_42 = arith.constant 0 : i32
    %dma_start3A_43 = arith.constant 0 : i32
    %dma_start3A_44 = tpu.memref_slice %arg2[%dma_start3A_42, %dma_start3A_43] : memref<10240x128xf32, #tpu.memory_space<hbm>> -> memref<10240x128xf32, #tpu.memory_space<hbm>>
    tpu.enqueue_indirect_dma source(%dma_start3A_44 : memref<10240x128xf32, #tpu.memory_space<hbm>>) target(%arg13 : memref<64x128xf32, #tpu.memory_space<vmem>>) offsets(%dma_start3A_41 : memref<64xi32, #tpu.memory_space<vmem>>) semaphore(%arg24 : memref<!tpu.dma_semaphore, #tpu.memory_space<semaphore_mem>>)
    %dma_start3A_45 = arith.constant 192 : i32
    %dma_start3A_46 = tpu.memref_slice %arg9[%dma_start3A_45] : memref<10240xi32, #tpu.memory_space<vmem>> -> memref<64xi32, #tpu.memory_space<vmem>>
    %dma_start3A_47 = arith.constant 0 : i32
    %dma_start3A_48 = arith.constant 0 : i32
    %dma_start3A_49 = tpu.memref_slice %arg2[%dma_start3A_47, %dma_start3A_48] : memref<10240x128xf32, #tpu.memory_space<hbm>> -> memref<10240x128xf32, #tpu.memory_space<hbm>>
    tpu.enqueue_indirect_dma source(%dma_start3A_49 : memref<10240x128xf32, #tpu.memory_space<hbm>>) target(%arg14 : memref<64x128xf32, #tpu.memory_space<vmem>>) offsets(%dma_start3A_46 : memref<64xi32, #tpu.memory_space<vmem>>) semaphore(%arg25 : memref<!tpu.dma_semaphore, #tpu.memory_space<semaphore_mem>>)
    %dma_start3A_50 = arith.constant 0 : i32
    %dma_start3A_51 = tpu.memref_slice %arg8[%dma_start3A_50] : memref<320xi32, #tpu.memory_space<vmem>> -> memref<64xi32, #tpu.memory_space<vmem>>
    %dma_start3A_52 = arith.constant 0 : i32
    %dma_start3A_53 = arith.constant 0 : i32
    %dma_start3A_54 = tpu.memref_slice %arg2[%dma_start3A_52, %dma_start3A_53] : memref<10240x128xf32, #tpu.memory_space<hbm>> -> memref<10240x128xf32, #tpu.memory_space<hbm>>
    tpu.enqueue_indirect_dma source(%dma_start3A_54 : memref<10240x128xf32, #tpu.memory_space<hbm>>) target(%arg16 : memref<64x128xf32, #tpu.memory_space<vmem>>) offsets(%dma_start3A_51 : memref<64xi32, #tpu.memory_space<vmem>>) semaphore(%arg20 : memref<!tpu.dma_semaphore, #tpu.memory_space<semaphore_mem>>)
    %dma_wait3A = arith.constant 0 : i32
    %dma_wait3A_55 = tpu.memref_slice %arg8[%dma_wait3A] : memref<320xi32, #tpu.memory_space<vmem>> -> memref<64xi32, #tpu.memory_space<vmem>>
    %dma_wait3A_56 = arith.constant 0 : i32
    %dma_wait3A_57 = arith.constant 0 : i32
    %dma_wait3A_58 = tpu.memref_slice %arg2[%dma_wait3A_56, %dma_wait3A_57] : memref<10240x128xf32, #tpu.memory_space<hbm>> -> memref<10240x128xf32, #tpu.memory_space<hbm>>
    tpu.wait_indirect_dma semaphore(%arg20 : memref<!tpu.dma_semaphore, #tpu.memory_space<semaphore_mem>>) src(%dma_wait3A_58 : memref<10240x128xf32, #tpu.memory_space<hbm>>) dst(%arg16 : memref<64x128xf32, #tpu.memory_space<vmem>>)
    %add3A_59 = arith.constant 0 : i32
    %add3A_60 = arith.addi %mul3A_2, %add3A_59 : i32
    %dma_start3A_61 = arith.constant 0 : i32
    %dma_start3A_62 = tpu.memref_slice %arg6[%add3A_60, %dma_start3A_61] : memref<10240x128xf32, #tpu.memory_space<hbm>> -> memref<64x128xf32, #tpu.memory_space<hbm>>
    %dma_start3A_63 = arith.constant 0 : i32
    %dma_start3A_64 = tpu.memref_slice %arg6[%add3A_60, %dma_start3A_63] : memref<10240x128xf32, #tpu.memory_space<hbm>> -> memref<64x128xf32, #tpu.memory_space<hbm>>
    tpu.enqueue_dma source(%arg16 : memref<64x128xf32, #tpu.memory_space<vmem>>) target(%dma_start3A_64 : memref<64x128xf32, #tpu.memory_space<hbm>>) target_semaphore(%arg21 : memref<!tpu.dma_semaphore, #tpu.memory_space<semaphore_mem>>)
    %dma_start3A_65 = arith.constant 64 : i32
    %dma_start3A_66 = tpu.memref_slice %arg8[%dma_start3A_65] : memref<320xi32, #tpu.memory_space<vmem>> -> memref<64xi32, #tpu.memory_space<vmem>>
    %dma_start3A_67 = arith.constant 0 : i32
    %dma_start3A_68 = arith.constant 0 : i32
    %dma_start3A_69 = tpu.memref_slice %arg2[%dma_start3A_67, %dma_start3A_68] : memref<10240x128xf32, #tpu.memory_space<hbm>> -> memref<10240x128xf32, #tpu.memory_space<hbm>>
    tpu.enqueue_indirect_dma source(%dma_start3A_69 : memref<10240x128xf32, #tpu.memory_space<hbm>>) target(%arg17 : memref<64x128xf32, #tpu.memory_space<vmem>>) offsets(%dma_start3A_66 : memref<64xi32, #tpu.memory_space<vmem>>) semaphore(%arg20 : memref<!tpu.dma_semaphore, #tpu.memory_space<semaphore_mem>>)
    %dma_wait3A_70 = arith.constant 64 : i32
    %dma_wait3A_71 = tpu.memref_slice %arg8[%dma_wait3A_70] : memref<320xi32, #tpu.memory_space<vmem>> -> memref<64xi32, #tpu.memory_space<vmem>>
    %dma_wait3A_72 = arith.constant 0 : i32
    %dma_wait3A_73 = arith.constant 0 : i32
    %dma_wait3A_74 = tpu.memref_slice %arg2[%dma_wait3A_72, %dma_wait3A_73] : memref<10240x128xf32, #tpu.memory_space<hbm>> -> memref<10240x128xf32, #tpu.memory_space<hbm>>
    tpu.wait_indirect_dma semaphore(%arg20 : memref<!tpu.dma_semaphore, #tpu.memory_space<semaphore_mem>>) src(%dma_wait3A_74 : memref<10240x128xf32, #tpu.memory_space<hbm>>) dst(%arg17 : memref<64x128xf32, #tpu.memory_space<vmem>>)
    %add3A_75 = arith.constant 64 : i32
    %add3A_76 = arith.addi %mul3A_2, %add3A_75 : i32
    %dma_start3A_77 = arith.constant 0 : i32
    %dma_start3A_78 = tpu.memref_slice %arg6[%add3A_76, %dma_start3A_77] : memref<10240x128xf32, #tpu.memory_space<hbm>> -> memref<64x128xf32, #tpu.memory_space<hbm>>
    %dma_start3A_79 = arith.constant 0 : i32
    %dma_start3A_80 = tpu.memref_slice %arg6[%add3A_76, %dma_start3A_79] : memref<10240x128xf32, #tpu.memory_space<hbm>> -> memref<64x128xf32, #tpu.memory_space<hbm>>
    tpu.enqueue_dma source(%arg17 : memref<64x128xf32, #tpu.memory_space<vmem>>) target(%dma_start3A_80 : memref<64x128xf32, #tpu.memory_space<hbm>>) target_semaphore(%arg21 : memref<!tpu.dma_semaphore, #tpu.memory_space<semaphore_mem>>)
    %add3A_81 = arith.constant 0 : i32
    %add3A_82 = arith.addi %mul3A_2, %add3A_81 : i32
    %dma_wait3A_83 = arith.constant 0 : i32
    %dma_wait3A_84 = tpu.memref_slice %arg6[%add3A_82, %dma_wait3A_83] : memref<10240x128xf32, #tpu.memory_space<hbm>> -> memref<64x128xf32, #tpu.memory_space<hbm>>
    %dma_wait3A_85 = arith.constant 0 : i32
    %dma_wait3A_86 = tpu.memref_slice %arg6[%add3A_82, %dma_wait3A_85] : memref<10240x128xf32, #tpu.memory_space<hbm>> -> memref<64x128xf32, #tpu.memory_space<hbm>>
    tpu.wait_dma2 semaphore(%arg21 : memref<!tpu.dma_semaphore, #tpu.memory_space<semaphore_mem>>) src(%arg16 : memref<64x128xf32, #tpu.memory_space<vmem>>) dst(%dma_wait3A_86 : memref<64x128xf32, #tpu.memory_space<hbm>>)
    %dma_start3A_87 = arith.constant 128 : i32
    %dma_start3A_88 = tpu.memref_slice %arg8[%dma_start3A_87] : memref<320xi32, #tpu.memory_space<vmem>> -> memref<64xi32, #tpu.memory_space<vmem>>
    %dma_start3A_89 = arith.constant 0 : i32
    %dma_start3A_90 = arith.constant 0 : i32
    %dma_start3A_91 = tpu.memref_slice %arg2[%dma_start3A_89, %dma_start3A_90] : memref<10240x128xf32, #tpu.memory_space<hbm>> -> memref<10240x128xf32, #tpu.memory_space<hbm>>
    tpu.enqueue_indirect_dma source(%dma_start3A_91 : memref<10240x128xf32, #tpu.memory_space<hbm>>) target(%arg16 : memref<64x128xf32, #tpu.memory_space<vmem>>) offsets(%dma_start3A_88 : memref<64xi32, #tpu.memory_space<vmem>>) semaphore(%arg20 : memref<!tpu.dma_semaphore, #tpu.memory_space<semaphore_mem>>)
    %dma_wait3A_92 = arith.constant 128 : i32
    %dma_wait3A_93 = tpu.memref_slice %arg8[%dma_wait3A_92] : memref<320xi32, #tpu.memory_space<vmem>> -> memref<64xi32, #tpu.memory_space<vmem>>
    %dma_wait3A_94 = arith.constant 0 : i32
    %dma_wait3A_95 = arith.constant 0 : i32
    %dma_wait3A_96 = tpu.memref_slice %arg2[%dma_wait3A_94, %dma_wait3A_95] : memref<10240x128xf32, #tpu.memory_space<hbm>> -> memref<10240x128xf32, #tpu.memory_space<hbm>>
    tpu.wait_indirect_dma semaphore(%arg20 : memref<!tpu.dma_semaphore, #tpu.memory_space<semaphore_mem>>) src(%dma_wait3A_96 : memref<10240x128xf32, #tpu.memory_space<hbm>>) dst(%arg16 : memref<64x128xf32, #tpu.memory_space<vmem>>)
    %add3A_97 = arith.constant 128 : i32
    %add3A_98 = arith.addi %mul3A_2, %add3A_97 : i32
    %dma_start3A_99 = arith.constant 0 : i32
    %dma_start3A_100 = tpu.memref_slice %arg6[%add3A_98, %dma_start3A_99] : memref<10240x128xf32, #tpu.memory_space<hbm>> -> memref<64x128xf32, #tpu.memory_space<hbm>>
    %dma_start3A_101 = arith.constant 0 : i32
    %dma_start3A_102 = tpu.memref_slice %arg6[%add3A_98, %dma_start3A_101] : memref<10240x128xf32, #tpu.memory_space<hbm>> -> memref<64x128xf32, #tpu.memory_space<hbm>>
    tpu.enqueue_dma source(%arg16 : memref<64x128xf32, #tpu.memory_space<vmem>>) target(%dma_start3A_102 : memref<64x128xf32, #tpu.memory_space<hbm>>) target_semaphore(%arg21 : memref<!tpu.dma_semaphore, #tpu.memory_space<semaphore_mem>>)
    %add3A_103 = arith.constant 64 : i32
    %add3A_104 = arith.addi %mul3A_2, %add3A_103 : i32
    %dma_wait3A_105 = arith.constant 0 : i32
    %dma_wait3A_106 = tpu.memref_slice %arg6[%add3A_104, %dma_wait3A_105] : memref<10240x128xf32, #tpu.memory_space<hbm>> -> memref<64x128xf32, #tpu.memory_space<hbm>>
    %dma_wait3A_107 = arith.constant 0 : i32
    %dma_wait3A_108 = tpu.memref_slice %arg6[%add3A_104, %dma_wait3A_107] : memref<10240x128xf32, #tpu.memory_space<hbm>> -> memref<64x128xf32, #tpu.memory_space<hbm>>
    tpu.wait_dma2 semaphore(%arg21 : memref<!tpu.dma_semaphore, #tpu.memory_space<semaphore_mem>>) src(%arg17 : memref<64x128xf32, #tpu.memory_space<vmem>>) dst(%dma_wait3A_108 : memref<64x128xf32, #tpu.memory_space<hbm>>)
    %dma_start3A_109 = arith.constant 192 : i32
    %dma_start3A_110 = tpu.memref_slice %arg8[%dma_start3A_109] : memref<320xi32, #tpu.memory_space<vmem>> -> memref<64xi32, #tpu.memory_space<vmem>>
    %dma_start3A_111 = arith.constant 0 : i32
    %dma_start3A_112 = arith.constant 0 : i32
    %dma_start3A_113 = tpu.memref_slice %arg2[%dma_start3A_111, %dma_start3A_112] : memref<10240x128xf32, #tpu.memory_space<hbm>> -> memref<10240x128xf32, #tpu.memory_space<hbm>>
    tpu.enqueue_indirect_dma source(%dma_start3A_113 : memref<10240x128xf32, #tpu.memory_space<hbm>>) target(%arg17 : memref<64x128xf32, #tpu.memory_space<vmem>>) offsets(%dma_start3A_110 : memref<64xi32, #tpu.memory_space<vmem>>) semaphore(%arg20 : memref<!tpu.dma_semaphore, #tpu.memory_space<semaphore_mem>>)
    %dma_wait3A_114 = arith.constant 192 : i32
    %dma_wait3A_115 = tpu.memref_slice %arg8[%dma_wait3A_114] : memref<320xi32, #tpu.memory_space<vmem>> -> memref<64xi32, #tpu.memory_space<vmem>>
    %dma_wait3A_116 = arith.constant 0 : i32
    %dma_wait3A_117 = arith.constant 0 : i32
    %dma_wait3A_118 = tpu.memref_slice %arg2[%dma_wait3A_116, %dma_wait3A_117] : memref<10240x128xf32, #tpu.memory_space<hbm>> -> memref<10240x128xf32, #tpu.memory_space<hbm>>
    tpu.wait_indirect_dma semaphore(%arg20 : memref<!tpu.dma_semaphore, #tpu.memory_space<semaphore_mem>>) src(%dma_wait3A_118 : memref<10240x128xf32, #tpu.memory_space<hbm>>) dst(%arg17 : memref<64x128xf32, #tpu.memory_space<vmem>>)
    %add3A_119 = arith.constant 192 : i32
    %add3A_120 = arith.addi %mul3A_2, %add3A_119 : i32
    %dma_start3A_121 = arith.constant 0 : i32
    %dma_start3A_122 = tpu.memref_slice %arg6[%add3A_120, %dma_start3A_121] : memref<10240x128xf32, #tpu.memory_space<hbm>> -> memref<64x128xf32, #tpu.memory_space<hbm>>
    %dma_start3A_123 = arith.constant 0 : i32
    %dma_start3A_124 = tpu.memref_slice %arg6[%add3A_120, %dma_start3A_123] : memref<10240x128xf32, #tpu.memory_space<hbm>> -> memref<64x128xf32, #tpu.memory_space<hbm>>
    tpu.enqueue_dma source(%arg17 : memref<64x128xf32, #tpu.memory_space<vmem>>) target(%dma_start3A_124 : memref<64x128xf32, #tpu.memory_space<hbm>>) target_semaphore(%arg21 : memref<!tpu.dma_semaphore, #tpu.memory_space<semaphore_mem>>)
    %add3A_125 = arith.constant 128 : i32
    %add3A_126 = arith.addi %mul3A_2, %add3A_125 : i32
    %dma_wait3A_127 = arith.constant 0 : i32
    %dma_wait3A_128 = tpu.memref_slice %arg6[%add3A_126, %dma_wait3A_127] : memref<10240x128xf32, #tpu.memory_space<hbm>> -> memref<64x128xf32, #tpu.memory_space<hbm>>
    %dma_wait3A_129 = arith.constant 0 : i32
    %dma_wait3A_130 = tpu.memref_slice %arg6[%add3A_126, %dma_wait3A_129] : memref<10240x128xf32, #tpu.memory_space<hbm>> -> memref<64x128xf32, #tpu.memory_space<hbm>>
    tpu.wait_dma2 semaphore(%arg21 : memref<!tpu.dma_semaphore, #tpu.memory_space<semaphore_mem>>) src(%arg16 : memref<64x128xf32, #tpu.memory_space<vmem>>) dst(%dma_wait3A_130 : memref<64x128xf32, #tpu.memory_space<hbm>>)
    %dma_start3A_131 = arith.constant 256 : i32
    %dma_start3A_132 = tpu.memref_slice %arg8[%dma_start3A_131] : memref<320xi32, #tpu.memory_space<vmem>> -> memref<64xi32, #tpu.memory_space<vmem>>
    %dma_start3A_133 = arith.constant 0 : i32
    %dma_start3A_134 = arith.constant 0 : i32
    %dma_start3A_135 = tpu.memref_slice %arg2[%dma_start3A_133, %dma_start3A_134] : memref<10240x128xf32, #tpu.memory_space<hbm>> -> memref<10240x128xf32, #tpu.memory_space<hbm>>
    tpu.enqueue_indirect_dma source(%dma_start3A_135 : memref<10240x128xf32, #tpu.memory_space<hbm>>) target(%arg16 : memref<64x128xf32, #tpu.memory_space<vmem>>) offsets(%dma_start3A_132 : memref<64xi32, #tpu.memory_space<vmem>>) semaphore(%arg20 : memref<!tpu.dma_semaphore, #tpu.memory_space<semaphore_mem>>)
    %dma_wait3A_136 = arith.constant 256 : i32
    %dma_wait3A_137 = tpu.memref_slice %arg8[%dma_wait3A_136] : memref<320xi32, #tpu.memory_space<vmem>> -> memref<64xi32, #tpu.memory_space<vmem>>
    %dma_wait3A_138 = arith.constant 0 : i32
    %dma_wait3A_139 = arith.constant 0 : i32
    %dma_wait3A_140 = tpu.memref_slice %arg2[%dma_wait3A_138, %dma_wait3A_139] : memref<10240x128xf32, #tpu.memory_space<hbm>> -> memref<10240x128xf32, #tpu.memory_space<hbm>>
    tpu.wait_indirect_dma semaphore(%arg20 : memref<!tpu.dma_semaphore, #tpu.memory_space<semaphore_mem>>) src(%dma_wait3A_140 : memref<10240x128xf32, #tpu.memory_space<hbm>>) dst(%arg16 : memref<64x128xf32, #tpu.memory_space<vmem>>)
    %add3A_141 = arith.constant 256 : i32
    %add3A_142 = arith.addi %mul3A_2, %add3A_141 : i32
    %dma_start3A_143 = arith.constant 0 : i32
    %dma_start3A_144 = tpu.memref_slice %arg6[%add3A_142, %dma_start3A_143] : memref<10240x128xf32, #tpu.memory_space<hbm>> -> memref<64x128xf32, #tpu.memory_space<hbm>>
    %dma_start3A_145 = arith.constant 0 : i32
    %dma_start3A_146 = tpu.memref_slice %arg6[%add3A_142, %dma_start3A_145] : memref<10240x128xf32, #tpu.memory_space<hbm>> -> memref<64x128xf32, #tpu.memory_space<hbm>>
    tpu.enqueue_dma source(%arg16 : memref<64x128xf32, #tpu.memory_space<vmem>>) target(%dma_start3A_146 : memref<64x128xf32, #tpu.memory_space<hbm>>) target_semaphore(%arg21 : memref<!tpu.dma_semaphore, #tpu.memory_space<semaphore_mem>>)
    %scan3A_147 = arith.constant 0 : i32
    %scan3A_148 = arith.constant 0 : i32
    %scan3A_149 = arith.constant 32 : i32
    %scan3A_150 = arith.addi %scan3A_148, %scan3A_149 : i32
    %scan3A_151 = arith.constant 1 : i32
    scf.for %scan3A_172 = %scan3A_148 to %scan3A_150 step %scan3A_151  : i32 {
      %mul3A_173 = arith.constant 5 : i32
      %mul3A_174 = arith.muli %mul3A_173, %scan3A_172 : i32
      %add3A_175 = arith.constant 0 : i32
      %add3A_176 = arith.addi %mul3A_174, %add3A_175 : i32
      %ge3A = arith.constant 1 : i32
      %ge3A_177 = arith.cmpi sge, %add3A_176, %ge3A : i32
      %convert_element_type3A = arith.extui %ge3A_177 : i1 to i32
      %cond3A = arith.constant 0 : i32
      %cond3A_178 = arith.cmpi ne, %convert_element_type3A, %cond3A : i32
      scf.if %cond3A_178 {
        %sub3A = arith.constant 1 : i32
        %sub3A_309 = arith.subi %add3A_176, %sub3A : i32
        %mul3A_310 = arith.constant 64 : i32
        %mul3A_311 = arith.muli %sub3A_309, %mul3A_310 : i32
        %dma_wait3A_312 = tpu.memref_slice %arg10[%mul3A_311] : memref<10240xi32, #tpu.memory_space<vmem>> -> memref<64xi32, #tpu.memory_space<vmem>>
        %dma_wait3A_313 = arith.constant 0 : i32
        %dma_wait3A_314 = arith.constant 0 : i32
        %dma_wait3A_315 = tpu.memref_slice %arg19[%dma_wait3A_313, %dma_wait3A_314] : memref<5120x128xf32, #tpu.memory_space<vmem_shared>> -> memref<5120x128xf32, #tpu.memory_space<vmem_shared>>
        tpu.wait_indirect_dma semaphore(%arg31 : memref<!tpu.dma_semaphore, #tpu.memory_space<semaphore_mem>>) src(%arg15 : memref<64x128xf32, #tpu.memory_space<vmem>>) dst(%dma_wait3A_315 : memref<5120x128xf32, #tpu.memory_space<vmem_shared>>)
      } else {
      }
      %mul3A_179 = arith.constant 64 : i32
      %mul3A_180 = arith.muli %add3A_176, %mul3A_179 : i32
      %dma_wait3A_181 = tpu.memref_slice %arg9[%mul3A_180] : memref<10240xi32, #tpu.memory_space<vmem>> -> memref<64xi32, #tpu.memory_space<vmem>>
      %dma_wait3A_182 = arith.constant 0 : i32
      %dma_wait3A_183 = arith.constant 0 : i32
      %dma_wait3A_184 = tpu.memref_slice %arg2[%dma_wait3A_182, %dma_wait3A_183] : memref<10240x128xf32, #tpu.memory_space<hbm>> -> memref<10240x128xf32, #tpu.memory_space<hbm>>
      tpu.wait_indirect_dma semaphore(%arg22 : memref<!tpu.dma_semaphore, #tpu.memory_space<semaphore_mem>>) src(%dma_wait3A_184 : memref<10240x128xf32, #tpu.memory_space<hbm>>) dst(%arg11 : memref<64x128xf32, #tpu.memory_space<vmem>>)
      %mul3A_185 = arith.constant 64 : i32
      %mul3A_186 = arith.muli %add3A_176, %mul3A_185 : i32
      %dma_start3A_187 = tpu.memref_slice %arg10[%mul3A_186] : memref<10240xi32, #tpu.memory_space<vmem>> -> memref<64xi32, #tpu.memory_space<vmem>>
      %dma_start3A_188 = arith.constant 0 : i32
      %dma_start3A_189 = arith.constant 0 : i32
      %dma_start3A_190 = tpu.memref_slice %arg19[%dma_start3A_188, %dma_start3A_189] : memref<5120x128xf32, #tpu.memory_space<vmem_shared>> -> memref<5120x128xf32, #tpu.memory_space<vmem_shared>>
      tpu.enqueue_indirect_dma source(%arg11 : memref<64x128xf32, #tpu.memory_space<vmem>>) target(%dma_start3A_190 : memref<5120x128xf32, #tpu.memory_space<vmem_shared>>) offsets(%dma_start3A_187 : memref<64xi32, #tpu.memory_space<vmem>>) semaphore(%arg27 : memref<!tpu.dma_semaphore, #tpu.memory_space<semaphore_mem>>) {add = true}
      %add3A_191 = arith.constant 4 : i32
      %add3A_192 = arith.addi %add3A_176, %add3A_191 : i32
      %lt3A = arith.constant 160 : i32
      %lt3A_193 = arith.cmpi slt, %add3A_192, %lt3A : i32
      %convert_element_type3A_194 = arith.extui %lt3A_193 : i1 to i32
      %cond3A_195 = arith.constant 0 : i32
      %cond3A_196 = arith.cmpi ne, %convert_element_type3A_194, %cond3A_195 : i32
      scf.if %cond3A_196 {
        %add3A_309 = arith.constant 4 : i32
        %add3A_310 = arith.addi %add3A_176, %add3A_309 : i32
        %mul3A_311 = arith.constant 64 : i32
        %mul3A_312 = arith.muli %add3A_310, %mul3A_311 : i32
        %dma_start3A_313 = tpu.memref_slice %arg9[%mul3A_312] : memref<10240xi32, #tpu.memory_space<vmem>> -> memref<64xi32, #tpu.memory_space<vmem>>
        %dma_start3A_314 = arith.constant 0 : i32
        %dma_start3A_315 = arith.constant 0 : i32
        %dma_start3A_316 = tpu.memref_slice %arg2[%dma_start3A_314, %dma_start3A_315] : memref<10240x128xf32, #tpu.memory_space<hbm>> -> memref<10240x128xf32, #tpu.memory_space<hbm>>
        tpu.enqueue_indirect_dma source(%dma_start3A_316 : memref<10240x128xf32, #tpu.memory_space<hbm>>) target(%arg15 : memref<64x128xf32, #tpu.memory_space<vmem>>) offsets(%dma_start3A_313 : memref<64xi32, #tpu.memory_space<vmem>>) semaphore(%arg26 : memref<!tpu.dma_semaphore, #tpu.memory_space<semaphore_mem>>)
      } else {
      }
      %mul3A_197 = arith.constant 5 : i32
      %mul3A_198 = arith.muli %mul3A_197, %scan3A_172 : i32
      %add3A_199 = arith.constant 1 : i32
      %add3A_200 = arith.addi %mul3A_198, %add3A_199 : i32
      %ge3A_201 = arith.constant 1 : i32
      %ge3A_202 = arith.cmpi sge, %add3A_200, %ge3A_201 : i32
      %convert_element_type3A_203 = arith.extui %ge3A_202 : i1 to i32
      %cond3A_204 = arith.constant 0 : i32
      %cond3A_205 = arith.cmpi ne, %convert_element_type3A_203, %cond3A_204 : i32
      scf.if %cond3A_205 {
        %sub3A = arith.constant 1 : i32
        %sub3A_309 = arith.subi %add3A_200, %sub3A : i32
        %mul3A_310 = arith.constant 64 : i32
        %mul3A_311 = arith.muli %sub3A_309, %mul3A_310 : i32
        %dma_wait3A_312 = tpu.memref_slice %arg10[%mul3A_311] : memref<10240xi32, #tpu.memory_space<vmem>> -> memref<64xi32, #tpu.memory_space<vmem>>
        %dma_wait3A_313 = arith.constant 0 : i32
        %dma_wait3A_314 = arith.constant 0 : i32
        %dma_wait3A_315 = tpu.memref_slice %arg19[%dma_wait3A_313, %dma_wait3A_314] : memref<5120x128xf32, #tpu.memory_space<vmem_shared>> -> memref<5120x128xf32, #tpu.memory_space<vmem_shared>>
        tpu.wait_indirect_dma semaphore(%arg27 : memref<!tpu.dma_semaphore, #tpu.memory_space<semaphore_mem>>) src(%arg11 : memref<64x128xf32, #tpu.memory_space<vmem>>) dst(%dma_wait3A_315 : memref<5120x128xf32, #tpu.memory_space<vmem_shared>>)
      } else {
      }
      %mul3A_206 = arith.constant 64 : i32
      %mul3A_207 = arith.muli %add3A_200, %mul3A_206 : i32
      %dma_wait3A_208 = tpu.memref_slice %arg9[%mul3A_207] : memref<10240xi32, #tpu.memory_space<vmem>> -> memref<64xi32, #tpu.memory_space<vmem>>
      %dma_wait3A_209 = arith.constant 0 : i32
      %dma_wait3A_210 = arith.constant 0 : i32
      %dma_wait3A_211 = tpu.memref_slice %arg2[%dma_wait3A_209, %dma_wait3A_210] : memref<10240x128xf32, #tpu.memory_space<hbm>> -> memref<10240x128xf32, #tpu.memory_space<hbm>>
      tpu.wait_indirect_dma semaphore(%arg23 : memref<!tpu.dma_semaphore, #tpu.memory_space<semaphore_mem>>) src(%dma_wait3A_211 : memref<10240x128xf32, #tpu.memory_space<hbm>>) dst(%arg12 : memref<64x128xf32, #tpu.memory_space<vmem>>)
      %mul3A_212 = arith.constant 64 : i32
      %mul3A_213 = arith.muli %add3A_200, %mul3A_212 : i32
      %dma_start3A_214 = tpu.memref_slice %arg10[%mul3A_213] : memref<10240xi32, #tpu.memory_space<vmem>> -> memref<64xi32, #tpu.memory_space<vmem>>
      %dma_start3A_215 = arith.constant 0 : i32
      %dma_start3A_216 = arith.constant 0 : i32
      %dma_start3A_217 = tpu.memref_slice %arg19[%dma_start3A_215, %dma_start3A_216] : memref<5120x128xf32, #tpu.memory_space<vmem_shared>> -> memref<5120x128xf32, #tpu.memory_space<vmem_shared>>
      tpu.enqueue_indirect_dma source(%arg12 : memref<64x128xf32, #tpu.memory_space<vmem>>) target(%dma_start3A_217 : memref<5120x128xf32, #tpu.memory_space<vmem_shared>>) offsets(%dma_start3A_214 : memref<64xi32, #tpu.memory_space<vmem>>) semaphore(%arg28 : memref<!tpu.dma_semaphore, #tpu.memory_space<semaphore_mem>>) {add = true}
      %add3A_218 = arith.constant 4 : i32
      %add3A_219 = arith.addi %add3A_200, %add3A_218 : i32
      %lt3A_220 = arith.constant 160 : i32
      %lt3A_221 = arith.cmpi slt, %add3A_219, %lt3A_220 : i32
      %convert_element_type3A_222 = arith.extui %lt3A_221 : i1 to i32
      %cond3A_223 = arith.constant 0 : i32
      %cond3A_224 = arith.cmpi ne, %convert_element_type3A_222, %cond3A_223 : i32
      scf.if %cond3A_224 {
        %add3A_309 = arith.constant 4 : i32
        %add3A_310 = arith.addi %add3A_200, %add3A_309 : i32
        %mul3A_311 = arith.constant 64 : i32
        %mul3A_312 = arith.muli %add3A_310, %mul3A_311 : i32
        %dma_start3A_313 = tpu.memref_slice %arg9[%mul3A_312] : memref<10240xi32, #tpu.memory_space<vmem>> -> memref<64xi32, #tpu.memory_space<vmem>>
        %dma_start3A_314 = arith.constant 0 : i32
        %dma_start3A_315 = arith.constant 0 : i32
        %dma_start3A_316 = tpu.memref_slice %arg2[%dma_start3A_314, %dma_start3A_315] : memref<10240x128xf32, #tpu.memory_space<hbm>> -> memref<10240x128xf32, #tpu.memory_space<hbm>>
        tpu.enqueue_indirect_dma source(%dma_start3A_316 : memref<10240x128xf32, #tpu.memory_space<hbm>>) target(%arg11 : memref<64x128xf32, #tpu.memory_space<vmem>>) offsets(%dma_start3A_313 : memref<64xi32, #tpu.memory_space<vmem>>) semaphore(%arg22 : memref<!tpu.dma_semaphore, #tpu.memory_space<semaphore_mem>>)
      } else {
      }
      %mul3A_225 = arith.constant 5 : i32
      %mul3A_226 = arith.muli %mul3A_225, %scan3A_172 : i32
      %add3A_227 = arith.constant 2 : i32
      %add3A_228 = arith.addi %mul3A_226, %add3A_227 : i32
      %ge3A_229 = arith.constant 1 : i32
      %ge3A_230 = arith.cmpi sge, %add3A_228, %ge3A_229 : i32
      %convert_element_type3A_231 = arith.extui %ge3A_230 : i1 to i32
      %cond3A_232 = arith.constant 0 : i32
      %cond3A_233 = arith.cmpi ne, %convert_element_type3A_231, %cond3A_232 : i32
      scf.if %cond3A_233 {
        %sub3A = arith.constant 1 : i32
        %sub3A_309 = arith.subi %add3A_228, %sub3A : i32
        %mul3A_310 = arith.constant 64 : i32
        %mul3A_311 = arith.muli %sub3A_309, %mul3A_310 : i32
        %dma_wait3A_312 = tpu.memref_slice %arg10[%mul3A_311] : memref<10240xi32, #tpu.memory_space<vmem>> -> memref<64xi32, #tpu.memory_space<vmem>>
        %dma_wait3A_313 = arith.constant 0 : i32
        %dma_wait3A_314 = arith.constant 0 : i32
        %dma_wait3A_315 = tpu.memref_slice %arg19[%dma_wait3A_313, %dma_wait3A_314] : memref<5120x128xf32, #tpu.memory_space<vmem_shared>> -> memref<5120x128xf32, #tpu.memory_space<vmem_shared>>
        tpu.wait_indirect_dma semaphore(%arg28 : memref<!tpu.dma_semaphore, #tpu.memory_space<semaphore_mem>>) src(%arg12 : memref<64x128xf32, #tpu.memory_space<vmem>>) dst(%dma_wait3A_315 : memref<5120x128xf32, #tpu.memory_space<vmem_shared>>)
      } else {
      }
      %mul3A_234 = arith.constant 64 : i32
      %mul3A_235 = arith.muli %add3A_228, %mul3A_234 : i32
      %dma_wait3A_236 = tpu.memref_slice %arg9[%mul3A_235] : memref<10240xi32, #tpu.memory_space<vmem>> -> memref<64xi32, #tpu.memory_space<vmem>>
      %dma_wait3A_237 = arith.constant 0 : i32
      %dma_wait3A_238 = arith.constant 0 : i32
      %dma_wait3A_239 = tpu.memref_slice %arg2[%dma_wait3A_237, %dma_wait3A_238] : memref<10240x128xf32, #tpu.memory_space<hbm>> -> memref<10240x128xf32, #tpu.memory_space<hbm>>
      tpu.wait_indirect_dma semaphore(%arg24 : memref<!tpu.dma_semaphore, #tpu.memory_space<semaphore_mem>>) src(%dma_wait3A_239 : memref<10240x128xf32, #tpu.memory_space<hbm>>) dst(%arg13 : memref<64x128xf32, #tpu.memory_space<vmem>>)
      %mul3A_240 = arith.constant 64 : i32
      %mul3A_241 = arith.muli %add3A_228, %mul3A_240 : i32
      %dma_start3A_242 = tpu.memref_slice %arg10[%mul3A_241] : memref<10240xi32, #tpu.memory_space<vmem>> -> memref<64xi32, #tpu.memory_space<vmem>>
      %dma_start3A_243 = arith.constant 0 : i32
      %dma_start3A_244 = arith.constant 0 : i32
      %dma_start3A_245 = tpu.memref_slice %arg19[%dma_start3A_243, %dma_start3A_244] : memref<5120x128xf32, #tpu.memory_space<vmem_shared>> -> memref<5120x128xf32, #tpu.memory_space<vmem_shared>>
      tpu.enqueue_indirect_dma source(%arg13 : memref<64x128xf32, #tpu.memory_space<vmem>>) target(%dma_start3A_245 : memref<5120x128xf32, #tpu.memory_space<vmem_shared>>) offsets(%dma_start3A_242 : memref<64xi32, #tpu.memory_space<vmem>>) semaphore(%arg29 : memref<!tpu.dma_semaphore, #tpu.memory_space<semaphore_mem>>) {add = true}
      %add3A_246 = arith.constant 4 : i32
      %add3A_247 = arith.addi %add3A_228, %add3A_246 : i32
      %lt3A_248 = arith.constant 160 : i32
      %lt3A_249 = arith.cmpi slt, %add3A_247, %lt3A_248 : i32
      %convert_element_type3A_250 = arith.extui %lt3A_249 : i1 to i32
      %cond3A_251 = arith.constant 0 : i32
      %cond3A_252 = arith.cmpi ne, %convert_element_type3A_250, %cond3A_251 : i32
      scf.if %cond3A_252 {
        %add3A_309 = arith.constant 4 : i32
        %add3A_310 = arith.addi %add3A_228, %add3A_309 : i32
        %mul3A_311 = arith.constant 64 : i32
        %mul3A_312 = arith.muli %add3A_310, %mul3A_311 : i32
        %dma_start3A_313 = tpu.memref_slice %arg9[%mul3A_312] : memref<10240xi32, #tpu.memory_space<vmem>> -> memref<64xi32, #tpu.memory_space<vmem>>
        %dma_start3A_314 = arith.constant 0 : i32
        %dma_start3A_315 = arith.constant 0 : i32
        %dma_start3A_316 = tpu.memref_slice %arg2[%dma_start3A_314, %dma_start3A_315] : memref<10240x128xf32, #tpu.memory_space<hbm>> -> memref<10240x128xf32, #tpu.memory_space<hbm>>
        tpu.enqueue_indirect_dma source(%dma_start3A_316 : memref<10240x128xf32, #tpu.memory_space<hbm>>) target(%arg12 : memref<64x128xf32, #tpu.memory_space<vmem>>) offsets(%dma_start3A_313 : memref<64xi32, #tpu.memory_space<vmem>>) semaphore(%arg23 : memref<!tpu.dma_semaphore, #tpu.memory_space<semaphore_mem>>)
      } else {
      }
      %mul3A_253 = arith.constant 5 : i32
      %mul3A_254 = arith.muli %mul3A_253, %scan3A_172 : i32
      %add3A_255 = arith.constant 3 : i32
      %add3A_256 = arith.addi %mul3A_254, %add3A_255 : i32
      %ge3A_257 = arith.constant 1 : i32
      %ge3A_258 = arith.cmpi sge, %add3A_256, %ge3A_257 : i32
      %convert_element_type3A_259 = arith.extui %ge3A_258 : i1 to i32
      %cond3A_260 = arith.constant 0 : i32
      %cond3A_261 = arith.cmpi ne, %convert_element_type3A_259, %cond3A_260 : i32
      scf.if %cond3A_261 {
        %sub3A = arith.constant 1 : i32
        %sub3A_309 = arith.subi %add3A_256, %sub3A : i32
        %mul3A_310 = arith.constant 64 : i32
        %mul3A_311 = arith.muli %sub3A_309, %mul3A_310 : i32
        %dma_wait3A_312 = tpu.memref_slice %arg10[%mul3A_311] : memref<10240xi32, #tpu.memory_space<vmem>> -> memref<64xi32, #tpu.memory_space<vmem>>
        %dma_wait3A_313 = arith.constant 0 : i32
        %dma_wait3A_314 = arith.constant 0 : i32
        %dma_wait3A_315 = tpu.memref_slice %arg19[%dma_wait3A_313, %dma_wait3A_314] : memref<5120x128xf32, #tpu.memory_space<vmem_shared>> -> memref<5120x128xf32, #tpu.memory_space<vmem_shared>>
        tpu.wait_indirect_dma semaphore(%arg29 : memref<!tpu.dma_semaphore, #tpu.memory_space<semaphore_mem>>) src(%arg13 : memref<64x128xf32, #tpu.memory_space<vmem>>) dst(%dma_wait3A_315 : memref<5120x128xf32, #tpu.memory_space<vmem_shared>>)
      } else {
      }
      %mul3A_262 = arith.constant 64 : i32
      %mul3A_263 = arith.muli %add3A_256, %mul3A_262 : i32
      %dma_wait3A_264 = tpu.memref_slice %arg9[%mul3A_263] : memref<10240xi32, #tpu.memory_space<vmem>> -> memref<64xi32, #tpu.memory_space<vmem>>
      %dma_wait3A_265 = arith.constant 0 : i32
      %dma_wait3A_266 = arith.constant 0 : i32
      %dma_wait3A_267 = tpu.memref_slice %arg2[%dma_wait3A_265, %dma_wait3A_266] : memref<10240x128xf32, #tpu.memory_space<hbm>> -> memref<10240x128xf32, #tpu.memory_space<hbm>>
      tpu.wait_indirect_dma semaphore(%arg25 : memref<!tpu.dma_semaphore, #tpu.memory_space<semaphore_mem>>) src(%dma_wait3A_267 : memref<10240x128xf32, #tpu.memory_space<hbm>>) dst(%arg14 : memref<64x128xf32, #tpu.memory_space<vmem>>)
      %mul3A_268 = arith.constant 64 : i32
      %mul3A_269 = arith.muli %add3A_256, %mul3A_268 : i32
      %dma_start3A_270 = tpu.memref_slice %arg10[%mul3A_269] : memref<10240xi32, #tpu.memory_space<vmem>> -> memref<64xi32, #tpu.memory_space<vmem>>
      %dma_start3A_271 = arith.constant 0 : i32
      %dma_start3A_272 = arith.constant 0 : i32
      %dma_start3A_273 = tpu.memref_slice %arg19[%dma_start3A_271, %dma_start3A_272] : memref<5120x128xf32, #tpu.memory_space<vmem_shared>> -> memref<5120x128xf32, #tpu.memory_space<vmem_shared>>
      tpu.enqueue_indirect_dma source(%arg14 : memref<64x128xf32, #tpu.memory_space<vmem>>) target(%dma_start3A_273 : memref<5120x128xf32, #tpu.memory_space<vmem_shared>>) offsets(%dma_start3A_270 : memref<64xi32, #tpu.memory_space<vmem>>) semaphore(%arg30 : memref<!tpu.dma_semaphore, #tpu.memory_space<semaphore_mem>>) {add = true}
      %add3A_274 = arith.constant 4 : i32
      %add3A_275 = arith.addi %add3A_256, %add3A_274 : i32
      %lt3A_276 = arith.constant 160 : i32
      %lt3A_277 = arith.cmpi slt, %add3A_275, %lt3A_276 : i32
      %convert_element_type3A_278 = arith.extui %lt3A_277 : i1 to i32
      %cond3A_279 = arith.constant 0 : i32
      %cond3A_280 = arith.cmpi ne, %convert_element_type3A_278, %cond3A_279 : i32
      scf.if %cond3A_280 {
        %add3A_309 = arith.constant 4 : i32
        %add3A_310 = arith.addi %add3A_256, %add3A_309 : i32
        %mul3A_311 = arith.constant 64 : i32
        %mul3A_312 = arith.muli %add3A_310, %mul3A_311 : i32
        %dma_start3A_313 = tpu.memref_slice %arg9[%mul3A_312] : memref<10240xi32, #tpu.memory_space<vmem>> -> memref<64xi32, #tpu.memory_space<vmem>>
        %dma_start3A_314 = arith.constant 0 : i32
        %dma_start3A_315 = arith.constant 0 : i32
        %dma_start3A_316 = tpu.memref_slice %arg2[%dma_start3A_314, %dma_start3A_315] : memref<10240x128xf32, #tpu.memory_space<hbm>> -> memref<10240x128xf32, #tpu.memory_space<hbm>>
        tpu.enqueue_indirect_dma source(%dma_start3A_316 : memref<10240x128xf32, #tpu.memory_space<hbm>>) target(%arg13 : memref<64x128xf32, #tpu.memory_space<vmem>>) offsets(%dma_start3A_313 : memref<64xi32, #tpu.memory_space<vmem>>) semaphore(%arg24 : memref<!tpu.dma_semaphore, #tpu.memory_space<semaphore_mem>>)
      } else {
      }
      %mul3A_281 = arith.constant 5 : i32
      %mul3A_282 = arith.muli %mul3A_281, %scan3A_172 : i32
      %add3A_283 = arith.constant 4 : i32
      %add3A_284 = arith.addi %mul3A_282, %add3A_283 : i32
      %ge3A_285 = arith.constant 1 : i32
      %ge3A_286 = arith.cmpi sge, %add3A_284, %ge3A_285 : i32
      %convert_element_type3A_287 = arith.extui %ge3A_286 : i1 to i32
      %cond3A_288 = arith.constant 0 : i32
      %cond3A_289 = arith.cmpi ne, %convert_element_type3A_287, %cond3A_288 : i32
      scf.if %cond3A_289 {
        %sub3A = arith.constant 1 : i32
        %sub3A_309 = arith.subi %add3A_284, %sub3A : i32
        %mul3A_310 = arith.constant 64 : i32
        %mul3A_311 = arith.muli %sub3A_309, %mul3A_310 : i32
        %dma_wait3A_312 = tpu.memref_slice %arg10[%mul3A_311] : memref<10240xi32, #tpu.memory_space<vmem>> -> memref<64xi32, #tpu.memory_space<vmem>>
        %dma_wait3A_313 = arith.constant 0 : i32
        %dma_wait3A_314 = arith.constant 0 : i32
        %dma_wait3A_315 = tpu.memref_slice %arg19[%dma_wait3A_313, %dma_wait3A_314] : memref<5120x128xf32, #tpu.memory_space<vmem_shared>> -> memref<5120x128xf32, #tpu.memory_space<vmem_shared>>
        tpu.wait_indirect_dma semaphore(%arg30 : memref<!tpu.dma_semaphore, #tpu.memory_space<semaphore_mem>>) src(%arg14 : memref<64x128xf32, #tpu.memory_space<vmem>>) dst(%dma_wait3A_315 : memref<5120x128xf32, #tpu.memory_space<vmem_shared>>)
      } else {
      }
      %mul3A_290 = arith.constant 64 : i32
      %mul3A_291 = arith.muli %add3A_284, %mul3A_290 : i32
      %dma_wait3A_292 = tpu.memref_slice %arg9[%mul3A_291] : memref<10240xi32, #tpu.memory_space<vmem>> -> memref<64xi32, #tpu.memory_space<vmem>>
      %dma_wait3A_293 = arith.constant 0 : i32
      %dma_wait3A_294 = arith.constant 0 : i32
      %dma_wait3A_295 = tpu.memref_slice %arg2[%dma_wait3A_293, %dma_wait3A_294] : memref<10240x128xf32, #tpu.memory_space<hbm>> -> memref<10240x128xf32, #tpu.memory_space<hbm>>
      tpu.wait_indirect_dma semaphore(%arg26 : memref<!tpu.dma_semaphore, #tpu.memory_space<semaphore_mem>>) src(%dma_wait3A_295 : memref<10240x128xf32, #tpu.memory_space<hbm>>) dst(%arg15 : memref<64x128xf32, #tpu.memory_space<vmem>>)
      %mul3A_296 = arith.constant 64 : i32
      %mul3A_297 = arith.muli %add3A_284, %mul3A_296 : i32
      %dma_start3A_298 = tpu.memref_slice %arg10[%mul3A_297] : memref<10240xi32, #tpu.memory_space<vmem>> -> memref<64xi32, #tpu.memory_space<vmem>>
      %dma_start3A_299 = arith.constant 0 : i32
      %dma_start3A_300 = arith.constant 0 : i32
      %dma_start3A_301 = tpu.memref_slice %arg19[%dma_start3A_299, %dma_start3A_300] : memref<5120x128xf32, #tpu.memory_space<vmem_shared>> -> memref<5120x128xf32, #tpu.memory_space<vmem_shared>>
      tpu.enqueue_indirect_dma source(%arg15 : memref<64x128xf32, #tpu.memory_space<vmem>>) target(%dma_start3A_301 : memref<5120x128xf32, #tpu.memory_space<vmem_shared>>) offsets(%dma_start3A_298 : memref<64xi32, #tpu.memory_space<vmem>>) semaphore(%arg31 : memref<!tpu.dma_semaphore, #tpu.memory_space<semaphore_mem>>) {add = true}
      %add3A_302 = arith.constant 4 : i32
      %add3A_303 = arith.addi %add3A_284, %add3A_302 : i32
      %lt3A_304 = arith.constant 160 : i32
      %lt3A_305 = arith.cmpi slt, %add3A_303, %lt3A_304 : i32
      %convert_element_type3A_306 = arith.extui %lt3A_305 : i1 to i32
      %cond3A_307 = arith.constant 0 : i32
      %cond3A_308 = arith.cmpi ne, %convert_element_type3A_306, %cond3A_307 : i32
      scf.if %cond3A_308 {
        %add3A_309 = arith.constant 4 : i32
        %add3A_310 = arith.addi %add3A_284, %add3A_309 : i32
        %mul3A_311 = arith.constant 64 : i32
        %mul3A_312 = arith.muli %add3A_310, %mul3A_311 : i32
        %dma_start3A_313 = tpu.memref_slice %arg9[%mul3A_312] : memref<10240xi32, #tpu.memory_space<vmem>> -> memref<64xi32, #tpu.memory_space<vmem>>
        %dma_start3A_314 = arith.constant 0 : i32
        %dma_start3A_315 = arith.constant 0 : i32
        %dma_start3A_316 = tpu.memref_slice %arg2[%dma_start3A_314, %dma_start3A_315] : memref<10240x128xf32, #tpu.memory_space<hbm>> -> memref<10240x128xf32, #tpu.memory_space<hbm>>
        tpu.enqueue_indirect_dma source(%dma_start3A_316 : memref<10240x128xf32, #tpu.memory_space<hbm>>) target(%arg14 : memref<64x128xf32, #tpu.memory_space<vmem>>) offsets(%dma_start3A_313 : memref<64xi32, #tpu.memory_space<vmem>>) semaphore(%arg25 : memref<!tpu.dma_semaphore, #tpu.memory_space<semaphore_mem>>)
      } else {
      }
    }
    %scan3A_152 = arith.constant 32 : i32
    %dma_wait3A_153 = arith.constant 10176 : i32
    %dma_wait3A_154 = tpu.memref_slice %arg10[%dma_wait3A_153] : memref<10240xi32, #tpu.memory_space<vmem>> -> memref<64xi32, #tpu.memory_space<vmem>>
    %dma_wait3A_155 = arith.constant 0 : i32
    %dma_wait3A_156 = arith.constant 0 : i32
    %dma_wait3A_157 = tpu.memref_slice %arg19[%dma_wait3A_155, %dma_wait3A_156] : memref<5120x128xf32, #tpu.memory_space<vmem_shared>> -> memref<5120x128xf32, #tpu.memory_space<vmem_shared>>
    tpu.wait_indirect_dma semaphore(%arg31 : memref<!tpu.dma_semaphore, #tpu.memory_space<semaphore_mem>>) src(%arg15 : memref<64x128xf32, #tpu.memory_space<vmem>>) dst(%dma_wait3A_157 : memref<5120x128xf32, #tpu.memory_space<vmem_shared>>)
    %add3A_158 = arith.constant 192 : i32
    %add3A_159 = arith.addi %mul3A_2, %add3A_158 : i32
    %dma_wait3A_160 = arith.constant 0 : i32
    %dma_wait3A_161 = tpu.memref_slice %arg6[%add3A_159, %dma_wait3A_160] : memref<10240x128xf32, #tpu.memory_space<hbm>> -> memref<64x128xf32, #tpu.memory_space<hbm>>
    %dma_wait3A_162 = arith.constant 0 : i32
    %dma_wait3A_163 = tpu.memref_slice %arg6[%add3A_159, %dma_wait3A_162] : memref<10240x128xf32, #tpu.memory_space<hbm>> -> memref<64x128xf32, #tpu.memory_space<hbm>>
    tpu.wait_dma2 semaphore(%arg21 : memref<!tpu.dma_semaphore, #tpu.memory_space<semaphore_mem>>) src(%arg17 : memref<64x128xf32, #tpu.memory_space<vmem>>) dst(%dma_wait3A_163 : memref<64x128xf32, #tpu.memory_space<hbm>>)
    %add3A_164 = arith.constant 256 : i32
    %add3A_165 = arith.addi %mul3A_2, %add3A_164 : i32
    %dma_wait3A_166 = arith.constant 0 : i32
    %dma_wait3A_167 = tpu.memref_slice %arg6[%add3A_165, %dma_wait3A_166] : memref<10240x128xf32, #tpu.memory_space<hbm>> -> memref<64x128xf32, #tpu.memory_space<hbm>>
    %dma_wait3A_168 = arith.constant 0 : i32
    %dma_wait3A_169 = tpu.memref_slice %arg6[%add3A_165, %dma_wait3A_168] : memref<10240x128xf32, #tpu.memory_space<hbm>> -> memref<64x128xf32, #tpu.memory_space<hbm>>
    tpu.wait_dma2 semaphore(%arg21 : memref<!tpu.dma_semaphore, #tpu.memory_space<semaphore_mem>>) src(%arg16 : memref<64x128xf32, #tpu.memory_space<vmem>>) dst(%dma_wait3A_169 : memref<64x128xf32, #tpu.memory_space<hbm>>)
    %mul3A_170 = arith.constant 320 : i32
    %mul3A_171 = arith.muli %arg1, %mul3A_170 : i32
    "tpu.region"() ({
      %run_scoped3A = tpu.sem_alloc : memref<!tpu.dma_semaphore, #tpu.memory_space<semaphore_mem>>
      %dma_start3A_172 = arith.constant 0 : i32
      %dma_start3A_173 = tpu.memref_slice %arg7[%mul3A_2, %dma_start3A_172] : memref<10240x128xf32, #tpu.memory_space<hbm>> -> memref<320x128xf32, #tpu.memory_space<hbm>>
      %dma_start3A_174 = arith.constant 0 : i32
      %dma_start3A_175 = tpu.memref_slice %arg19[%mul3A_171, %dma_start3A_174] : memref<5120x128xf32, #tpu.memory_space<vmem_shared>> -> memref<320x128xf32, #tpu.memory_space<vmem_shared>>
      tpu.enqueue_dma source(%dma_start3A_175 : memref<320x128xf32, #tpu.memory_space<vmem_shared>>) target(%dma_start3A_173 : memref<320x128xf32, #tpu.memory_space<hbm>>) target_semaphore(%run_scoped3A : memref<!tpu.dma_semaphore, #tpu.memory_space<semaphore_mem>>)
      %dma_wait3A_176 = arith.constant 0 : i32
      %dma_wait3A_177 = tpu.memref_slice %arg7[%mul3A_2, %dma_wait3A_176] : memref<10240x128xf32, #tpu.memory_space<hbm>> -> memref<320x128xf32, #tpu.memory_space<hbm>>
      %dma_wait3A_178 = arith.constant 0 : i32
      %dma_wait3A_179 = tpu.memref_slice %arg19[%mul3A_171, %dma_wait3A_178] : memref<5120x128xf32, #tpu.memory_space<vmem_shared>> -> memref<320x128xf32, #tpu.memory_space<vmem_shared>>
      tpu.wait_dma2 semaphore(%run_scoped3A : memref<!tpu.dma_semaphore, #tpu.memory_space<semaphore_mem>>) src(%dma_wait3A_179 : memref<320x128xf32, #tpu.memory_space<vmem_shared>>) dst(%dma_wait3A_177 : memref<320x128xf32, #tpu.memory_space<hbm>>)
      tpu.yield
    }) : () -> ()
    return
  }
}

#map = affine_map<(d0, d1) -> (0, 0)>
#map1 = affine_map<(d0, d1) -> (0)>
module attributes {stable_mosaic.version = 14 : i64} {
  func.func @_sc_gather(%arg0: i32, %arg1: i32, %arg2: memref<10240x128xf32, #tpu.memory_space<hbm>>, %arg3: memref<10240xi32, #tpu.memory_space<hbm>>, %arg4: memref<327680xi32, #tpu.memory_space<hbm>>, %arg5: memref<16x10240xi32, #tpu.memory_space<hbm>>, %arg6: memref<10240x128xf32, #tpu.memory_space<hbm>>, %arg7: memref<10240x128xf32, #tpu.memory_space<hbm>>, %arg8: memref<320xi32, #tpu.memory_space<vmem>>, %arg9: memref<10240xi32, #tpu.memory_space<vmem>>, %arg10: memref<10240xi32, #tpu.memory_space<vmem>>, %arg11: memref<64x128xf32, #tpu.memory_space<vmem>>, %arg12: memref<64x128xf32, #tpu.memory_space<vmem>>, %arg13: memref<64x128xf32, #tpu.memory_space<vmem>>, %arg14: memref<64x128xf32, #tpu.memory_space<vmem>>, %arg15: memref<64x128xf32, #tpu.memory_space<vmem>>, %arg16: memref<64x128xf32, #tpu.memory_space<vmem>>, %arg17: memref<64x128xf32, #tpu.memory_space<vmem>>, %arg18: memref<64x128xf32, #tpu.memory_space<vmem>>, %arg19: memref<5120x128xf32, #tpu.memory_space<vmem_shared>>, %arg20: memref<!tpu.dma_semaphore, #tpu.memory_space<semaphore_mem>>, %arg21: memref<!tpu.dma_semaphore, #tpu.memory_space<semaphore_mem>>, %arg22: memref<!tpu.dma_semaphore, #tpu.memory_space<semaphore_mem>>, %arg23: memref<!tpu.dma_semaphore, #tpu.memory_space<semaphore_mem>>, %arg24: memref<!tpu.dma_semaphore, #tpu.memory_space<semaphore_mem>>, %arg25: memref<!tpu.dma_semaphore, #tpu.memory_space<semaphore_mem>>, %arg26: memref<!tpu.dma_semaphore, #tpu.memory_space<semaphore_mem>>, %arg27: memref<!tpu.dma_semaphore, #tpu.memory_space<semaphore_mem>>, %arg28: memref<!tpu.dma_semaphore, #tpu.memory_space<semaphore_mem>>, %arg29: memref<!tpu.dma_semaphore, #tpu.memory_space<semaphore_mem>>, %arg30: memref<!tpu.dma_semaphore, #tpu.memory_space<semaphore_mem>>, %arg31: memref<!tpu.dma_semaphore, #tpu.memory_space<semaphore_mem>>) attributes {dimension_semantics = [#tpu.dimension_semantics<core_parallel>, #tpu.dimension_semantics<subcore_parallel>], iteration_bounds = array<i64: 2, 16>, scalar_prefetch = 0 : i64, scratch_operands = 24 : i64, tpu.core_type = #tpu.core_type<sc_vector_subcore>, window_params = [{transform_indices = #map}, {transform_indices = #map1}, {transform_indices = #map1}, {transform_indices = #map}, {transform_indices = #map}, {transform_indices = #map}]} {
    %mul3A = arith.constant 2 : i32
    %mul3A_0 = arith.muli %arg1, %mul3A : i32
    %add3A = arith.addi %mul3A_0, %arg0 : i32
    %mul3A_1 = arith.constant 320 : i32
    %mul3A_2 = arith.muli %add3A, %mul3A_1 : i32
    "tpu.region"() ({
      %run_scoped3A = tpu.sem_alloc : memref<!tpu.dma_semaphore, #tpu.memory_space<semaphore_mem>>
      %dma_start3A_172 = tpu.memref_slice %arg3[%mul3A_2] : memref<10240xi32, #tpu.memory_space<hbm>> -> memref<320xi32, #tpu.memory_space<hbm>>
      %dma_start3A_173 = tpu.memref_slice %arg3[%mul3A_2] : memref<10240xi32, #tpu.memory_space<hbm>> -> memref<320xi32, #tpu.memory_space<hbm>>
      tpu.enqueue_dma source(%dma_start3A_173 : memref<320xi32, #tpu.memory_space<hbm>>) target(%arg8 : memref<320xi32, #tpu.memory_space<vmem>>) target_semaphore(%run_scoped3A : memref<!tpu.dma_semaphore, #tpu.memory_space<semaphore_mem>>)
      %dma_wait3A_174 = tpu.memref_slice %arg3[%mul3A_2] : memref<10240xi32, #tpu.memory_space<hbm>> -> memref<320xi32, #tpu.memory_space<hbm>>
      %dma_wait3A_175 = tpu.memref_slice %arg3[%mul3A_2] : memref<10240xi32, #tpu.memory_space<hbm>> -> memref<320xi32, #tpu.memory_space<hbm>>
      tpu.wait_dma2 semaphore(%run_scoped3A : memref<!tpu.dma_semaphore, #tpu.memory_space<semaphore_mem>>) src(%dma_wait3A_175 : memref<320xi32, #tpu.memory_space<hbm>>) dst(%arg8 : memref<320xi32, #tpu.memory_space<vmem>>)
      tpu.yield
    }) : () -> ()
    %mul3A_3 = arith.constant 32 : i32
    %mul3A_4 = arith.muli %mul3A_2, %mul3A_3 : i32
    "tpu.region"() ({
      %run_scoped3A = tpu.sem_alloc : memref<!tpu.dma_semaphore, #tpu.memory_space<semaphore_mem>>
      %dma_start3A_172 = tpu.memref_slice %arg4[%mul3A_4] : memref<327680xi32, #tpu.memory_space<hbm>> -> memref<10240xi32, #tpu.memory_space<hbm>>
      %dma_start3A_173 = tpu.memref_slice %arg4[%mul3A_4] : memref<327680xi32, #tpu.memory_space<hbm>> -> memref<10240xi32, #tpu.memory_space<hbm>>
      tpu.enqueue_dma source(%dma_start3A_173 : memref<10240xi32, #tpu.memory_space<hbm>>) target(%arg9 : memref<10240xi32, #tpu.memory_space<vmem>>) target_semaphore(%run_scoped3A : memref<!tpu.dma_semaphore, #tpu.memory_space<semaphore_mem>>)
      %dma_wait3A_174 = tpu.memref_slice %arg4[%mul3A_4] : memref<327680xi32, #tpu.memory_space<hbm>> -> memref<10240xi32, #tpu.memory_space<hbm>>
      %dma_wait3A_175 = tpu.memref_slice %arg4[%mul3A_4] : memref<327680xi32, #tpu.memory_space<hbm>> -> memref<10240xi32, #tpu.memory_space<hbm>>
      tpu.wait_dma2 semaphore(%run_scoped3A : memref<!tpu.dma_semaphore, #tpu.memory_space<semaphore_mem>>) src(%dma_wait3A_175 : memref<10240xi32, #tpu.memory_space<hbm>>) dst(%arg9 : memref<10240xi32, #tpu.memory_space<vmem>>)
      tpu.yield
    }) : () -> ()
    "tpu.region"() ({
      %run_scoped3A = tpu.sem_alloc : memref<!tpu.dma_semaphore, #tpu.memory_space<semaphore_mem>>
      %dma_start3A_172 = arith.constant 0 : i32
      %dma_start3A_173 = tpu.memref_slice %arg5[%arg1, %dma_start3A_172] : memref<16x10240xi32, #tpu.memory_space<hbm>> -> memref<1x10240xi32, #tpu.memory_space<hbm>>
      %dma_start3A_174 = tpu.memref_squeeze %dma_start3A_173 : memref<1x10240xi32, #tpu.memory_space<hbm>> -> memref<10240xi32, #tpu.memory_space<hbm>>
      %dma_start3A_175 = arith.constant 0 : i32
      %dma_start3A_176 = tpu.memref_slice %arg5[%arg1, %dma_start3A_175] : memref<16x10240xi32, #tpu.memory_space<hbm>> -> memref<1x10240xi32, #tpu.memory_space<hbm>>
      %dma_start3A_177 = tpu.memref_squeeze %dma_start3A_176 : memref<1x10240xi32, #tpu.memory_space<hbm>> -> memref<10240xi32, #tpu.memory_space<hbm>>
      tpu.enqueue_dma source(%dma_start3A_177 : memref<10240xi32, #tpu.memory_space<hbm>>) target(%arg10 : memref<10240xi32, #tpu.memory_space<vmem>>) target_semaphore(%run_scoped3A : memref<!tpu.dma_semaphore, #tpu.memory_space<semaphore_mem>>)
      %dma_wait3A_178 = arith.constant 0 : i32
      %dma_wait3A_179 = tpu.memref_slice %arg5[%arg1, %dma_wait3A_178] : memref<16x10240xi32, #tpu.memory_space<hbm>> -> memref<1x10240xi32, #tpu.memory_space<hbm>>
      %dma_wait3A_180 = tpu.memref_squeeze %dma_wait3A_179 : memref<1x10240xi32, #tpu.memory_space<hbm>> -> memref<10240xi32, #tpu.memory_space<hbm>>
      %dma_wait3A_181 = arith.constant 0 : i32
      %dma_wait3A_182 = tpu.memref_slice %arg5[%arg1, %dma_wait3A_181] : memref<16x10240xi32, #tpu.memory_space<hbm>> -> memref<1x10240xi32, #tpu.memory_space<hbm>>
      %dma_wait3A_183 = tpu.memref_squeeze %dma_wait3A_182 : memref<1x10240xi32, #tpu.memory_space<hbm>> -> memref<10240xi32, #tpu.memory_space<hbm>>
      tpu.wait_dma2 semaphore(%run_scoped3A : memref<!tpu.dma_semaphore, #tpu.memory_space<semaphore_mem>>) src(%dma_wait3A_183 : memref<10240xi32, #tpu.memory_space<hbm>>) dst(%arg10 : memref<10240xi32, #tpu.memory_space<vmem>>)
      tpu.yield
    }) : () -> ()
    %broadcast_in_dim3A = arith.constant 0.000000e+00 : f32
    %broadcast_in_dim3A_5 = vector.broadcast %broadcast_in_dim3A : f32 to vector<16xf32>
    %scan3A = arith.constant 0 : i32
    %scan3A_6 = arith.constant 0 : i32
    %scan3A_7 = arith.constant 64 : i32
    %scan3A_8 = arith.addi %scan3A_6, %scan3A_7 : i32
    %scan3A_9 = arith.constant 1 : i32
    scf.for %scan3A_172 = %scan3A_6 to %scan3A_8 step %scan3A_9  : i32 {
      %swap3A = arith.index_cast %scan3A_172 : i32 to index
      %swap3A_173 = arith.constant 0 : index
      %swap3A_174 = tpu.vector_load %arg18[%swap3A, %swap3A_173] {strides = array<i32>} : memref<64x128xf32, #tpu.memory_space<vmem>>, vector<1x16xf32>,
      %swap3A_175 = vector.shape_cast %swap3A_174 : vector<1x16xf32> to vector<16xf32>
      %swap3A_176 = vector.shape_cast %broadcast_in_dim3A_5 : vector<16xf32> to vector<1x16xf32>
      tpu.vector_store %arg18[%swap3A, %swap3A_173], %swap3A_176 {strides = array<i32>} : memref<64x128xf32, #tpu.memory_space<vmem>>, vector<1x16xf32>,
      %swap3A_177 = arith.index_cast %scan3A_172 : i32 to index
      %swap3A_178 = arith.constant 16 : index
      %swap3A_179 = tpu.vector_load %arg18[%swap3A_177, %swap3A_178] {strides = array<i32>} : memref<64x128xf32, #tpu.memory_space<vmem>>, vector<1x16xf32>,
      %swap3A_180 = vector.shape_cast %swap3A_179 : vector<1x16xf32> to vector<16xf32>
      %swap3A_181 = vector.shape_cast %broadcast_in_dim3A_5 : vector<16xf32> to vector<1x16xf32>
      tpu.vector_store %arg18[%swap3A_177, %swap3A_178], %swap3A_181 {strides = array<i32>} : memref<64x128xf32, #tpu.memory_space<vmem>>, vector<1x16xf32>,
      %swap3A_182 = arith.index_cast %scan3A_172 : i32 to index
      %swap3A_183 = arith.constant 32 : index
      %swap3A_184 = tpu.vector_load %arg18[%swap3A_182, %swap3A_183] {strides = array<i32>} : memref<64x128xf32, #tpu.memory_space<vmem>>, vector<1x16xf32>,
      %swap3A_185 = vector.shape_cast %swap3A_184 : vector<1x16xf32> to vector<16xf32>
      %swap3A_186 = vector.shape_cast %broadcast_in_dim3A_5 : vector<16xf32> to vector<1x16xf32>
      tpu.vector_store %arg18[%swap3A_182, %swap3A_183], %swap3A_186 {strides = array<i32>} : memref<64x128xf32, #tpu.memory_space<vmem>>, vector<1x16xf32>,
      %swap3A_187 = arith.index_cast %scan3A_172 : i32 to index
      %swap3A_188 = arith.constant 48 : index
      %swap3A_189 = tpu.vector_load %arg18[%swap3A_187, %swap3A_188] {strides = array<i32>} : memref<64x128xf32, #tpu.memory_space<vmem>>, vector<1x16xf32>,
      %swap3A_190 = vector.shape_cast %swap3A_189 : vector<1x16xf32> to vector<16xf32>
      %swap3A_191 = vector.shape_cast %broadcast_in_dim3A_5 : vector<16xf32> to vector<1x16xf32>
      tpu.vector_store %arg18[%swap3A_187, %swap3A_188], %swap3A_191 {strides = array<i32>} : memref<64x128xf32, #tpu.memory_space<vmem>>, vector<1x16xf32>,
      %swap3A_192 = arith.index_cast %scan3A_172 : i32 to index
      %swap3A_193 = arith.constant 64 : index
      %swap3A_194 = tpu.vector_load %arg18[%swap3A_192, %swap3A_193] {strides = array<i32>} : memref<64x128xf32, #tpu.memory_space<vmem>>, vector<1x16xf32>,
      %swap3A_195 = vector.shape_cast %swap3A_194 : vector<1x16xf32> to vector<16xf32>
      %swap3A_196 = vector.shape_cast %broadcast_in_dim3A_5 : vector<16xf32> to vector<1x16xf32>
      tpu.vector_store %arg18[%swap3A_192, %swap3A_193], %swap3A_196 {strides = array<i32>} : memref<64x128xf32, #tpu.memory_space<vmem>>, vector<1x16xf32>,
      %swap3A_197 = arith.index_cast %scan3A_172 : i32 to index
      %swap3A_198 = arith.constant 80 : index
      %swap3A_199 = tpu.vector_load %arg18[%swap3A_197, %swap3A_198] {strides = array<i32>} : memref<64x128xf32, #tpu.memory_space<vmem>>, vector<1x16xf32>,
      %swap3A_200 = vector.shape_cast %swap3A_199 : vector<1x16xf32> to vector<16xf32>
      %swap3A_201 = vector.shape_cast %broadcast_in_dim3A_5 : vector<16xf32> to vector<1x16xf32>
      tpu.vector_store %arg18[%swap3A_197, %swap3A_198], %swap3A_201 {strides = array<i32>} : memref<64x128xf32, #tpu.memory_space<vmem>>, vector<1x16xf32>,
      %swap3A_202 = arith.index_cast %scan3A_172 : i32 to index
      %swap3A_203 = arith.constant 96 : index
      %swap3A_204 = tpu.vector_load %arg18[%swap3A_202, %swap3A_203] {strides = array<i32>} : memref<64x128xf32, #tpu.memory_space<vmem>>, vector<1x16xf32>,
      %swap3A_205 = vector.shape_cast %swap3A_204 : vector<1x16xf32> to vector<16xf32>
      %swap3A_206 = vector.shape_cast %broadcast_in_dim3A_5 : vector<16xf32> to vector<1x16xf32>
      tpu.vector_store %arg18[%swap3A_202, %swap3A_203], %swap3A_206 {strides = array<i32>} : memref<64x128xf32, #tpu.memory_space<vmem>>, vector<1x16xf32>,
      %swap3A_207 = arith.index_cast %scan3A_172 : i32 to index
      %swap3A_208 = arith.constant 112 : index
      %swap3A_209 = tpu.vector_load %arg18[%swap3A_207, %swap3A_208] {strides = array<i32>} : memref<64x128xf32, #tpu.memory_space<vmem>>, vector<1x16xf32>,
      %swap3A_210 = vector.shape_cast %swap3A_209 : vector<1x16xf32> to vector<16xf32>
      %swap3A_211 = vector.shape_cast %broadcast_in_dim3A_5 : vector<16xf32> to vector<1x16xf32>
      tpu.vector_store %arg18[%swap3A_207, %swap3A_208], %swap3A_211 {strides = array<i32>} : memref<64x128xf32, #tpu.memory_space<vmem>>, vector<1x16xf32>,
    }
    %scan3A_10 = arith.constant 64 : i32
    %mul3A_11 = arith.constant 320 : i32
    %mul3A_12 = arith.muli %arg1, %mul3A_11 : i32
    %add3A_13 = arith.constant 0 : i32
    %add3A_14 = arith.addi %mul3A_12, %add3A_13 : i32
    "tpu.region"() ({
      %run_scoped3A = tpu.sem_alloc : memref<!tpu.dma_semaphore, #tpu.memory_space<semaphore_mem>>
      %dma_start3A_172 = arith.constant 0 : i32
      %dma_start3A_173 = tpu.memref_slice %arg19[%add3A_14, %dma_start3A_172] : memref<5120x128xf32, #tpu.memory_space<vmem_shared>> -> memref<64x128xf32, #tpu.memory_space<vmem_shared>>
      %dma_start3A_174 = arith.constant 0 : i32
      %dma_start3A_175 = tpu.memref_slice %arg19[%add3A_14, %dma_start3A_174] : memref<5120x128xf32, #tpu.memory_space<vmem_shared>> -> memref<64x128xf32, #tpu.memory_space<vmem_shared>>
      tpu.enqueue_dma source(%arg18 : memref<64x128xf32, #tpu.memory_space<vmem>>) target(%dma_start3A_175 : memref<64x128xf32, #tpu.memory_space<vmem_shared>>) target_semaphore(%run_scoped3A : memref<!tpu.dma_semaphore, #tpu.memory_space<semaphore_mem>>)
      %dma_wait3A_176 = arith.constant 0 : i32
      %dma_wait3A_177 = tpu.memref_slice %arg19[%add3A_14, %dma_wait3A_176] : memref<5120x128xf32, #tpu.memory_space<vmem_shared>> -> memref<64x128xf32, #tpu.memory_space<vmem_shared>>
      %dma_wait3A_178 = arith.constant 0 : i32
      %dma_wait3A_179 = tpu.memref_slice %arg19[%add3A_14, %dma_wait3A_178] : memref<5120x128xf32, #tpu.memory_space<vmem_shared>> -> memref<64x128xf32, #tpu.memory_space<vmem_shared>>
      tpu.wait_dma2 semaphore(%run_scoped3A : memref<!tpu.dma_semaphore, #tpu.memory_space<semaphore_mem>>) src(%arg18 : memref<64x128xf32, #tpu.memory_space<vmem>>) dst(%dma_wait3A_179 : memref<64x128xf32, #tpu.memory_space<vmem_shared>>)
      tpu.yield
    }) : () -> ()
    %mul3A_15 = arith.constant 320 : i32
    %mul3A_16 = arith.muli %arg1, %mul3A_15 : i32
    %add3A_17 = arith.constant 64 : i32
    %add3A_18 = arith.addi %mul3A_16, %add3A_17 : i32
    "tpu.region"() ({
      %run_scoped3A = tpu.sem_alloc : memref<!tpu.dma_semaphore, #tpu.memory_space<semaphore_mem>>
      %dma_start3A_172 = arith.constant 0 : i32
      %dma_start3A_173 = tpu.memref_slice %arg19[%add3A_18, %dma_start3A_172] : memref<5120x128xf32, #tpu.memory_space<vmem_shared>> -> memref<64x128xf32, #tpu.memory_space<vmem_shared>>
      %dma_start3A_174 = arith.constant 0 : i32
      %dma_start3A_175 = tpu.memref_slice %arg19[%add3A_18, %dma_start3A_174] : memref<5120x128xf32, #tpu.memory_space<vmem_shared>> -> memref<64x128xf32, #tpu.memory_space<vmem_shared>>
      tpu.enqueue_dma source(%arg18 : memref<64x128xf32, #tpu.memory_space<vmem>>) target(%dma_start3A_175 : memref<64x128xf32, #tpu.memory_space<vmem_shared>>) target_semaphore(%run_scoped3A : memref<!tpu.dma_semaphore, #tpu.memory_space<semaphore_mem>>)
      %dma_wait3A_176 = arith.constant 0 : i32
      %dma_wait3A_177 = tpu.memref_slice %arg19[%add3A_18, %dma_wait3A_176] : memref<5120x128xf32, #tpu.memory_space<vmem_shared>> -> memref<64x128xf32, #tpu.memory_space<vmem_shared>>
      %dma_wait3A_178 = arith.constant 0 : i32
      %dma_wait3A_179 = tpu.memref_slice %arg19[%add3A_18, %dma_wait3A_178] : memref<5120x128xf32, #tpu.memory_space<vmem_shared>> -> memref<64x128xf32, #tpu.memory_space<vmem_shared>>
      tpu.wait_dma2 semaphore(%run_scoped3A : memref<!tpu.dma_semaphore, #tpu.memory_space<semaphore_mem>>) src(%arg18 : memref<64x128xf32, #tpu.memory_space<vmem>>) dst(%dma_wait3A_179 : memref<64x128xf32, #tpu.memory_space<vmem_shared>>)
      tpu.yield
    }) : () -> ()
    %mul3A_19 = arith.constant 320 : i32
    %mul3A_20 = arith.muli %arg1, %mul3A_19 : i32
    %add3A_21 = arith.constant 128 : i32
    %add3A_22 = arith.addi %mul3A_20, %add3A_21 : i32
    "tpu.region"() ({
      %run_scoped3A = tpu.sem_alloc : memref<!tpu.dma_semaphore, #tpu.memory_space<semaphore_mem>>
      %dma_start3A_172 = arith.constant 0 : i32
      %dma_start3A_173 = tpu.memref_slice %arg19[%add3A_22, %dma_start3A_172] : memref<5120x128xf32, #tpu.memory_space<vmem_shared>> -> memref<64x128xf32, #tpu.memory_space<vmem_shared>>
      %dma_start3A_174 = arith.constant 0 : i32
      %dma_start3A_175 = tpu.memref_slice %arg19[%add3A_22, %dma_start3A_174] : memref<5120x128xf32, #tpu.memory_space<vmem_shared>> -> memref<64x128xf32, #tpu.memory_space<vmem_shared>>
      tpu.enqueue_dma source(%arg18 : memref<64x128xf32, #tpu.memory_space<vmem>>) target(%dma_start3A_175 : memref<64x128xf32, #tpu.memory_space<vmem_shared>>) target_semaphore(%run_scoped3A : memref<!tpu.dma_semaphore, #tpu.memory_space<semaphore_mem>>)
      %dma_wait3A_176 = arith.constant 0 : i32
      %dma_wait3A_177 = tpu.memref_slice %arg19[%add3A_22, %dma_wait3A_176] : memref<5120x128xf32, #tpu.memory_space<vmem_shared>> -> memref<64x128xf32, #tpu.memory_space<vmem_shared>>
      %dma_wait3A_178 = arith.constant 0 : i32
      %dma_wait3A_179 = tpu.memref_slice %arg19[%add3A_22, %dma_wait3A_178] : memref<5120x128xf32, #tpu.memory_space<vmem_shared>> -> memref<64x128xf32, #tpu.memory_space<vmem_shared>>
      tpu.wait_dma2 semaphore(%run_scoped3A : memref<!tpu.dma_semaphore, #tpu.memory_space<semaphore_mem>>) src(%arg18 : memref<64x128xf32, #tpu.memory_space<vmem>>) dst(%dma_wait3A_179 : memref<64x128xf32, #tpu.memory_space<vmem_shared>>)
      tpu.yield
    }) : () -> ()
    %mul3A_23 = arith.constant 320 : i32
    %mul3A_24 = arith.muli %arg1, %mul3A_23 : i32
    %add3A_25 = arith.constant 192 : i32
    %add3A_26 = arith.addi %mul3A_24, %add3A_25 : i32
    "tpu.region"() ({
      %run_scoped3A = tpu.sem_alloc : memref<!tpu.dma_semaphore, #tpu.memory_space<semaphore_mem>>
      %dma_start3A_172 = arith.constant 0 : i32
      %dma_start3A_173 = tpu.memref_slice %arg19[%add3A_26, %dma_start3A_172] : memref<5120x128xf32, #tpu.memory_space<vmem_shared>> -> memref<64x128xf32, #tpu.memory_space<vmem_shared>>
      %dma_start3A_174 = arith.constant 0 : i32
      %dma_start3A_175 = tpu.memref_slice %arg19[%add3A_26, %dma_start3A_174] : memref<5120x128xf32, #tpu.memory_space<vmem_shared>> -> memref<64x128xf32, #tpu.memory_space<vmem_shared>>
      tpu.enqueue_dma source(%arg18 : memref<64x128xf32, #tpu.memory_space<vmem>>) target(%dma_start3A_175 : memref<64x128xf32, #tpu.memory_space<vmem_shared>>) target_semaphore(%run_scoped3A : memref<!tpu.dma_semaphore, #tpu.memory_space<semaphore_mem>>)
      %dma_wait3A_176 = arith.constant 0 : i32
      %dma_wait3A_177 = tpu.memref_slice %arg19[%add3A_26, %dma_wait3A_176] : memref<5120x128xf32, #tpu.memory_space<vmem_shared>> -> memref<64x128xf32, #tpu.memory_space<vmem_shared>>
      %dma_wait3A_178 = arith.constant 0 : i32
      %dma_wait3A_179 = tpu.memref_slice %arg19[%add3A_26, %dma_wait3A_178] : memref<5120x128xf32, #tpu.memory_space<vmem_shared>> -> memref<64x128xf32, #tpu.memory_space<vmem_shared>>
      tpu.wait_dma2 semaphore(%run_scoped3A : memref<!tpu.dma_semaphore, #tpu.memory_space<semaphore_mem>>) src(%arg18 : memref<64x128xf32, #tpu.memory_space<vmem>>) dst(%dma_wait3A_179 : memref<64x128xf32, #tpu.memory_space<vmem_shared>>)
      tpu.yield
    }) : () -> ()
    %mul3A_27 = arith.constant 320 : i32
    %mul3A_28 = arith.muli %arg1, %mul3A_27 : i32
    %add3A_29 = arith.constant 256 : i32
    %add3A_30 = arith.addi %mul3A_28, %add3A_29 : i32
    "tpu.region"() ({
      %run_scoped3A = tpu.sem_alloc : memref<!tpu.dma_semaphore, #tpu.memory_space<semaphore_mem>>
      %dma_start3A_172 = arith.constant 0 : i32
      %dma_start3A_173 = tpu.memref_slice %arg19[%add3A_30, %dma_start3A_172] : memref<5120x128xf32, #tpu.memory_space<vmem_shared>> -> memref<64x128xf32, #tpu.memory_space<vmem_shared>>
      %dma_start3A_174 = arith.constant 0 : i32
      %dma_start3A_175 = tpu.memref_slice %arg19[%add3A_30, %dma_start3A_174] : memref<5120x128xf32, #tpu.memory_space<vmem_shared>> -> memref<64x128xf32, #tpu.memory_space<vmem_shared>>
      tpu.enqueue_dma source(%arg18 : memref<64x128xf32, #tpu.memory_space<vmem>>) target(%dma_start3A_175 : memref<64x128xf32, #tpu.memory_space<vmem_shared>>) target_semaphore(%run_scoped3A : memref<!tpu.dma_semaphore, #tpu.memory_space<semaphore_mem>>)
      %dma_wait3A_176 = arith.constant 0 : i32
      %dma_wait3A_177 = tpu.memref_slice %arg19[%add3A_30, %dma_wait3A_176] : memref<5120x128xf32, #tpu.memory_space<vmem_shared>> -> memref<64x128xf32, #tpu.memory_space<vmem_shared>>
      %dma_wait3A_178 = arith.constant 0 : i32
      %dma_wait3A_179 = tpu.memref_slice %arg19[%add3A_30, %dma_wait3A_178] : memref<5120x128xf32, #tpu.memory_space<vmem_shared>> -> memref<64x128xf32, #tpu.memory_space<vmem_shared>>
      tpu.wait_dma2 semaphore(%run_scoped3A : memref<!tpu.dma_semaphore, #tpu.memory_space<semaphore_mem>>) src(%arg18 : memref<64x128xf32, #tpu.memory_space<vmem>>) dst(%dma_wait3A_179 : memref<64x128xf32, #tpu.memory_space<vmem_shared>>)
      tpu.yield
    }) : () -> ()
    %dma_start3A = arith.constant 0 : i32
    %dma_start3A_31 = tpu.memref_slice %arg9[%dma_start3A] : memref<10240xi32, #tpu.memory_space<vmem>> -> memref<64xi32, #tpu.memory_space<vmem>>
    %dma_start3A_32 = arith.constant 0 : i32
    %dma_start3A_33 = arith.constant 0 : i32
    %dma_start3A_34 = tpu.memref_slice %arg2[%dma_start3A_32, %dma_start3A_33] : memref<10240x128xf32, #tpu.memory_space<hbm>> -> memref<10240x128xf32, #tpu.memory_space<hbm>>
    tpu.enqueue_indirect_dma source(%dma_start3A_34 : memref<10240x128xf32, #tpu.memory_space<hbm>>) target(%arg11 : memref<64x128xf32, #tpu.memory_space<vmem>>) offsets(%dma_start3A_31 : memref<64xi32, #tpu.memory_space<vmem>>) semaphore(%arg22 : memref<!tpu.dma_semaphore, #tpu.memory_space<semaphore_mem>>)
    %dma_start3A_35 = arith.constant 64 : i32
    %dma_start3A_36 = tpu.memref_slice %arg9[%dma_start3A_35] : memref<10240xi32, #tpu.memory_space<vmem>> -> memref<64xi32, #tpu.memory_space<vmem>>
    %dma_start3A_37 = arith.constant 0 : i32
    %dma_start3A_38 = arith.constant 0 : i32
    %dma_start3A_39 = tpu.memref_slice %arg2[%dma_start3A_37, %dma_start3A_38] : memref<10240x128xf32, #tpu.memory_space<hbm>> -> memref<10240x128xf32, #tpu.memory_space<hbm>>
    tpu.enqueue_indirect_dma source(%dma_start3A_39 : memref<10240x128xf32, #tpu.memory_space<hbm>>) target(%arg12 : memref<64x128xf32, #tpu.memory_space<vmem>>) offsets(%dma_start3A_36 : memref<64xi32, #tpu.memory_space<vmem>>) semaphore(%arg23 : memref<!tpu.dma_semaphore, #tpu.memory_space<semaphore_mem>>)
    %dma_start3A_40 = arith.constant 128 : i32
    %dma_start3A_41 = tpu.memref_slice %arg9[%dma_start3A_40] : memref<10240xi32, #tpu.memory_space<vmem>> -> memref<64xi32, #tpu.memory_space<vmem>>
    %dma_start3A_42 = arith.constant 0 : i32
    %dma_start3A_43 = arith.constant 0 : i32
    %dma_start3A_44 = tpu.memref_slice %arg2[%dma_start3A_42, %dma_start3A_43] : memref<10240x128xf32, #tpu.memory_space<hbm>> -> memref<10240x128xf32, #tpu.memory_space<hbm>>
    tpu.enqueue_indirect_dma source(%dma_start3A_44 : memref<10240x128xf32, #tpu.memory_space<hbm>>) target(%arg13 : memref<64x128xf32, #tpu.memory_space<vmem>>) offsets(%dma_start3A_41 : memref<64xi32, #tpu.memory_space<vmem>>) semaphore(%arg24 : memref<!tpu.dma_semaphore, #tpu.memory_space<semaphore_mem>>)
    %dma_start3A_45 = arith.constant 192 : i32
    %dma_start3A_46 = tpu.memref_slice %arg9[%dma_start3A_45] : memref<10240xi32, #tpu.memory_space<vmem>> -> memref<64xi32, #tpu.memory_space<vmem>>
    %dma_start3A_47 = arith.constant 0 : i32
    %dma_start3A_48 = arith.constant 0 : i32
    %dma_start3A_49 = tpu.memref_slice %arg2[%dma_start3A_47, %dma_start3A_48] : memref<10240x128xf32, #tpu.memory_space<hbm>> -> memref<10240x128xf32, #tpu.memory_space<hbm>>
    tpu.enqueue_indirect_dma source(%dma_start3A_49 : memref<10240x128xf32, #tpu.memory_space<hbm>>) target(%arg14 : memref<64x128xf32, #tpu.memory_space<vmem>>) offsets(%dma_start3A_46 : memref<64xi32, #tpu.memory_space<vmem>>) semaphore(%arg25 : memref<!tpu.dma_semaphore, #tpu.memory_space<semaphore_mem>>)
    %dma_start3A_50 = arith.constant 0 : i32
    %dma_start3A_51 = tpu.memref_slice %arg8[%dma_start3A_50] : memref<320xi32, #tpu.memory_space<vmem>> -> memref<64xi32, #tpu.memory_space<vmem>>
    %dma_start3A_52 = arith.constant 0 : i32
    %dma_start3A_53 = arith.constant 0 : i32
    %dma_start3A_54 = tpu.memref_slice %arg2[%dma_start3A_52, %dma_start3A_53] : memref<10240x128xf32, #tpu.memory_space<hbm>> -> memref<10240x128xf32, #tpu.memory_space<hbm>>
    tpu.enqueue_indirect_dma source(%dma_start3A_54 : memref<10240x128xf32, #tpu.memory_space<hbm>>) target(%arg16 : memref<64x128xf32, #tpu.memory_space<vmem>>) offsets(%dma_start3A_51 : memref<64xi32, #tpu.memory_space<vmem>>) semaphore(%arg20 : memref<!tpu.dma_semaphore, #tpu.memory_space<semaphore_mem>>)
    %dma_wait3A = arith.constant 0 : i32
    %dma_wait3A_55 = tpu.memref_slice %arg8[%dma_wait3A] : memref<320xi32, #tpu.memory_space<vmem>> -> memref<64xi32, #tpu.memory_space<vmem>>
    %dma_wait3A_56 = arith.constant 0 : i32
    %dma_wait3A_57 = arith.constant 0 : i32
    %dma_wait3A_58 = tpu.memref_slice %arg2[%dma_wait3A_56, %dma_wait3A_57] : memref<10240x128xf32, #tpu.memory_space<hbm>> -> memref<10240x128xf32, #tpu.memory_space<hbm>>
    tpu.wait_indirect_dma semaphore(%arg20 : memref<!tpu.dma_semaphore, #tpu.memory_space<semaphore_mem>>) src(%dma_wait3A_58 : memref<10240x128xf32, #tpu.memory_space<hbm>>) dst(%arg16 : memref<64x128xf32, #tpu.memory_space<vmem>>)
    %add3A_59 = arith.constant 0 : i32
    %add3A_60 = arith.addi %mul3A_2, %add3A_59 : i32
    %dma_start3A_61 = arith.constant 0 : i32
    %dma_start3A_62 = tpu.memref_slice %arg6[%add3A_60, %dma_start3A_61] : memref<10240x128xf32, #tpu.memory_space<hbm>> -> memref<64x128xf32, #tpu.memory_space<hbm>>
    %dma_start3A_63 = arith.constant 0 : i32
    %dma_start3A_64 = tpu.memref_slice %arg6[%add3A_60, %dma_start3A_63] : memref<10240x128xf32, #tpu.memory_space<hbm>> -> memref<64x128xf32, #tpu.memory_space<hbm>>
    tpu.enqueue_dma source(%arg16 : memref<64x128xf32, #tpu.memory_space<vmem>>) target(%dma_start3A_64 : memref<64x128xf32, #tpu.memory_space<hbm>>) target_semaphore(%arg21 : memref<!tpu.dma_semaphore, #tpu.memory_space<semaphore_mem>>)
    %dma_start3A_65 = arith.constant 64 : i32
    %dma_start3A_66 = tpu.memref_slice %arg8[%dma_start3A_65] : memref<320xi32, #tpu.memory_space<vmem>> -> memref<64xi32, #tpu.memory_space<vmem>>
    %dma_start3A_67 = arith.constant 0 : i32
    %dma_start3A_68 = arith.constant 0 : i32
    %dma_start3A_69 = tpu.memref_slice %arg2[%dma_start3A_67, %dma_start3A_68] : memref<10240x128xf32, #tpu.memory_space<hbm>> -> memref<10240x128xf32, #tpu.memory_space<hbm>>
    tpu.enqueue_indirect_dma source(%dma_start3A_69 : memref<10240x128xf32, #tpu.memory_space<hbm>>) target(%arg17 : memref<64x128xf32, #tpu.memory_space<vmem>>) offsets(%dma_start3A_66 : memref<64xi32, #tpu.memory_space<vmem>>) semaphore(%arg20 : memref<!tpu.dma_semaphore, #tpu.memory_space<semaphore_mem>>)
    %dma_wait3A_70 = arith.constant 64 : i32
    %dma_wait3A_71 = tpu.memref_slice %arg8[%dma_wait3A_70] : memref<320xi32, #tpu.memory_space<vmem>> -> memref<64xi32, #tpu.memory_space<vmem>>
    %dma_wait3A_72 = arith.constant 0 : i32
    %dma_wait3A_73 = arith.constant 0 : i32
    %dma_wait3A_74 = tpu.memref_slice %arg2[%dma_wait3A_72, %dma_wait3A_73] : memref<10240x128xf32, #tpu.memory_space<hbm>> -> memref<10240x128xf32, #tpu.memory_space<hbm>>
    tpu.wait_indirect_dma semaphore(%arg20 : memref<!tpu.dma_semaphore, #tpu.memory_space<semaphore_mem>>) src(%dma_wait3A_74 : memref<10240x128xf32, #tpu.memory_space<hbm>>) dst(%arg17 : memref<64x128xf32, #tpu.memory_space<vmem>>)
    %add3A_75 = arith.constant 64 : i32
    %add3A_76 = arith.addi %mul3A_2, %add3A_75 : i32
    %dma_start3A_77 = arith.constant 0 : i32
    %dma_start3A_78 = tpu.memref_slice %arg6[%add3A_76, %dma_start3A_77] : memref<10240x128xf32, #tpu.memory_space<hbm>> -> memref<64x128xf32, #tpu.memory_space<hbm>>
    %dma_start3A_79 = arith.constant 0 : i32
    %dma_start3A_80 = tpu.memref_slice %arg6[%add3A_76, %dma_start3A_79] : memref<10240x128xf32, #tpu.memory_space<hbm>> -> memref<64x128xf32, #tpu.memory_space<hbm>>
    tpu.enqueue_dma source(%arg17 : memref<64x128xf32, #tpu.memory_space<vmem>>) target(%dma_start3A_80 : memref<64x128xf32, #tpu.memory_space<hbm>>) target_semaphore(%arg21 : memref<!tpu.dma_semaphore, #tpu.memory_space<semaphore_mem>>)
    %add3A_81 = arith.constant 0 : i32
    %add3A_82 = arith.addi %mul3A_2, %add3A_81 : i32
    %dma_wait3A_83 = arith.constant 0 : i32
    %dma_wait3A_84 = tpu.memref_slice %arg6[%add3A_82, %dma_wait3A_83] : memref<10240x128xf32, #tpu.memory_space<hbm>> -> memref<64x128xf32, #tpu.memory_space<hbm>>
    %dma_wait3A_85 = arith.constant 0 : i32
    %dma_wait3A_86 = tpu.memref_slice %arg6[%add3A_82, %dma_wait3A_85] : memref<10240x128xf32, #tpu.memory_space<hbm>> -> memref<64x128xf32, #tpu.memory_space<hbm>>
    tpu.wait_dma2 semaphore(%arg21 : memref<!tpu.dma_semaphore, #tpu.memory_space<semaphore_mem>>) src(%arg16 : memref<64x128xf32, #tpu.memory_space<vmem>>) dst(%dma_wait3A_86 : memref<64x128xf32, #tpu.memory_space<hbm>>)
    %dma_start3A_87 = arith.constant 128 : i32
    %dma_start3A_88 = tpu.memref_slice %arg8[%dma_start3A_87] : memref<320xi32, #tpu.memory_space<vmem>> -> memref<64xi32, #tpu.memory_space<vmem>>
    %dma_start3A_89 = arith.constant 0 : i32
    %dma_start3A_90 = arith.constant 0 : i32
    %dma_start3A_91 = tpu.memref_slice %arg2[%dma_start3A_89, %dma_start3A_90] : memref<10240x128xf32, #tpu.memory_space<hbm>> -> memref<10240x128xf32, #tpu.memory_space<hbm>>
    tpu.enqueue_indirect_dma source(%dma_start3A_91 : memref<10240x128xf32, #tpu.memory_space<hbm>>) target(%arg16 : memref<64x128xf32, #tpu.memory_space<vmem>>) offsets(%dma_start3A_88 : memref<64xi32, #tpu.memory_space<vmem>>) semaphore(%arg20 : memref<!tpu.dma_semaphore, #tpu.memory_space<semaphore_mem>>)
    %dma_wait3A_92 = arith.constant 128 : i32
    %dma_wait3A_93 = tpu.memref_slice %arg8[%dma_wait3A_92] : memref<320xi32, #tpu.memory_space<vmem>> -> memref<64xi32, #tpu.memory_space<vmem>>
    %dma_wait3A_94 = arith.constant 0 : i32
    %dma_wait3A_95 = arith.constant 0 : i32
    %dma_wait3A_96 = tpu.memref_slice %arg2[%dma_wait3A_94, %dma_wait3A_95] : memref<10240x128xf32, #tpu.memory_space<hbm>> -> memref<10240x128xf32, #tpu.memory_space<hbm>>
    tpu.wait_indirect_dma semaphore(%arg20 : memref<!tpu.dma_semaphore, #tpu.memory_space<semaphore_mem>>) src(%dma_wait3A_96 : memref<10240x128xf32, #tpu.memory_space<hbm>>) dst(%arg16 : memref<64x128xf32, #tpu.memory_space<vmem>>)
    %add3A_97 = arith.constant 128 : i32
    %add3A_98 = arith.addi %mul3A_2, %add3A_97 : i32
    %dma_start3A_99 = arith.constant 0 : i32
    %dma_start3A_100 = tpu.memref_slice %arg6[%add3A_98, %dma_start3A_99] : memref<10240x128xf32, #tpu.memory_space<hbm>> -> memref<64x128xf32, #tpu.memory_space<hbm>>
    %dma_start3A_101 = arith.constant 0 : i32
    %dma_start3A_102 = tpu.memref_slice %arg6[%add3A_98, %dma_start3A_101] : memref<10240x128xf32, #tpu.memory_space<hbm>> -> memref<64x128xf32, #tpu.memory_space<hbm>>
    tpu.enqueue_dma source(%arg16 : memref<64x128xf32, #tpu.memory_space<vmem>>) target(%dma_start3A_102 : memref<64x128xf32, #tpu.memory_space<hbm>>) target_semaphore(%arg21 : memref<!tpu.dma_semaphore, #tpu.memory_space<semaphore_mem>>)
    %add3A_103 = arith.constant 64 : i32
    %add3A_104 = arith.addi %mul3A_2, %add3A_103 : i32
    %dma_wait3A_105 = arith.constant 0 : i32
    %dma_wait3A_106 = tpu.memref_slice %arg6[%add3A_104, %dma_wait3A_105] : memref<10240x128xf32, #tpu.memory_space<hbm>> -> memref<64x128xf32, #tpu.memory_space<hbm>>
    %dma_wait3A_107 = arith.constant 0 : i32
    %dma_wait3A_108 = tpu.memref_slice %arg6[%add3A_104, %dma_wait3A_107] : memref<10240x128xf32, #tpu.memory_space<hbm>> -> memref<64x128xf32, #tpu.memory_space<hbm>>
    tpu.wait_dma2 semaphore(%arg21 : memref<!tpu.dma_semaphore, #tpu.memory_space<semaphore_mem>>) src(%arg17 : memref<64x128xf32, #tpu.memory_space<vmem>>) dst(%dma_wait3A_108 : memref<64x128xf32, #tpu.memory_space<hbm>>)
    %dma_start3A_109 = arith.constant 192 : i32
    %dma_start3A_110 = tpu.memref_slice %arg8[%dma_start3A_109] : memref<320xi32, #tpu.memory_space<vmem>> -> memref<64xi32, #tpu.memory_space<vmem>>
    %dma_start3A_111 = arith.constant 0 : i32
    %dma_start3A_112 = arith.constant 0 : i32
    %dma_start3A_113 = tpu.memref_slice %arg2[%dma_start3A_111, %dma_start3A_112] : memref<10240x128xf32, #tpu.memory_space<hbm>> -> memref<10240x128xf32, #tpu.memory_space<hbm>>
    tpu.enqueue_indirect_dma source(%dma_start3A_113 : memref<10240x128xf32, #tpu.memory_space<hbm>>) target(%arg17 : memref<64x128xf32, #tpu.memory_space<vmem>>) offsets(%dma_start3A_110 : memref<64xi32, #tpu.memory_space<vmem>>) semaphore(%arg20 : memref<!tpu.dma_semaphore, #tpu.memory_space<semaphore_mem>>)
    %dma_wait3A_114 = arith.constant 192 : i32
    %dma_wait3A_115 = tpu.memref_slice %arg8[%dma_wait3A_114] : memref<320xi32, #tpu.memory_space<vmem>> -> memref<64xi32, #tpu.memory_space<vmem>>
    %dma_wait3A_116 = arith.constant 0 : i32
    %dma_wait3A_117 = arith.constant 0 : i32
    %dma_wait3A_118 = tpu.memref_slice %arg2[%dma_wait3A_116, %dma_wait3A_117] : memref<10240x128xf32, #tpu.memory_space<hbm>> -> memref<10240x128xf32, #tpu.memory_space<hbm>>
    tpu.wait_indirect_dma semaphore(%arg20 : memref<!tpu.dma_semaphore, #tpu.memory_space<semaphore_mem>>) src(%dma_wait3A_118 : memref<10240x128xf32, #tpu.memory_space<hbm>>) dst(%arg17 : memref<64x128xf32, #tpu.memory_space<vmem>>)
    %add3A_119 = arith.constant 192 : i32
    %add3A_120 = arith.addi %mul3A_2, %add3A_119 : i32
    %dma_start3A_121 = arith.constant 0 : i32
    %dma_start3A_122 = tpu.memref_slice %arg6[%add3A_120, %dma_start3A_121] : memref<10240x128xf32, #tpu.memory_space<hbm>> -> memref<64x128xf32, #tpu.memory_space<hbm>>
    %dma_start3A_123 = arith.constant 0 : i32
    %dma_start3A_124 = tpu.memref_slice %arg6[%add3A_120, %dma_start3A_123] : memref<10240x128xf32, #tpu.memory_space<hbm>> -> memref<64x128xf32, #tpu.memory_space<hbm>>
    tpu.enqueue_dma source(%arg17 : memref<64x128xf32, #tpu.memory_space<vmem>>) target(%dma_start3A_124 : memref<64x128xf32, #tpu.memory_space<hbm>>) target_semaphore(%arg21 : memref<!tpu.dma_semaphore, #tpu.memory_space<semaphore_mem>>)
    %add3A_125 = arith.constant 128 : i32
    %add3A_126 = arith.addi %mul3A_2, %add3A_125 : i32
    %dma_wait3A_127 = arith.constant 0 : i32
    %dma_wait3A_128 = tpu.memref_slice %arg6[%add3A_126, %dma_wait3A_127] : memref<10240x128xf32, #tpu.memory_space<hbm>> -> memref<64x128xf32, #tpu.memory_space<hbm>>
    %dma_wait3A_129 = arith.constant 0 : i32
    %dma_wait3A_130 = tpu.memref_slice %arg6[%add3A_126, %dma_wait3A_129] : memref<10240x128xf32, #tpu.memory_space<hbm>> -> memref<64x128xf32, #tpu.memory_space<hbm>>
    tpu.wait_dma2 semaphore(%arg21 : memref<!tpu.dma_semaphore, #tpu.memory_space<semaphore_mem>>) src(%arg16 : memref<64x128xf32, #tpu.memory_space<vmem>>) dst(%dma_wait3A_130 : memref<64x128xf32, #tpu.memory_space<hbm>>)
    %dma_start3A_131 = arith.constant 256 : i32
    %dma_start3A_132 = tpu.memref_slice %arg8[%dma_start3A_131] : memref<320xi32, #tpu.memory_space<vmem>> -> memref<64xi32, #tpu.memory_space<vmem>>
    %dma_start3A_133 = arith.constant 0 : i32
    %dma_start3A_134 = arith.constant 0 : i32
    %dma_start3A_135 = tpu.memref_slice %arg2[%dma_start3A_133, %dma_start3A_134] : memref<10240x128xf32, #tpu.memory_space<hbm>> -> memref<10240x128xf32, #tpu.memory_space<hbm>>
    tpu.enqueue_indirect_dma source(%dma_start3A_135 : memref<10240x128xf32, #tpu.memory_space<hbm>>) target(%arg16 : memref<64x128xf32, #tpu.memory_space<vmem>>) offsets(%dma_start3A_132 : memref<64xi32, #tpu.memory_space<vmem>>) semaphore(%arg20 : memref<!tpu.dma_semaphore, #tpu.memory_space<semaphore_mem>>)
    %dma_wait3A_136 = arith.constant 256 : i32
    %dma_wait3A_137 = tpu.memref_slice %arg8[%dma_wait3A_136] : memref<320xi32, #tpu.memory_space<vmem>> -> memref<64xi32, #tpu.memory_space<vmem>>
    %dma_wait3A_138 = arith.constant 0 : i32
    %dma_wait3A_139 = arith.constant 0 : i32
    %dma_wait3A_140 = tpu.memref_slice %arg2[%dma_wait3A_138, %dma_wait3A_139] : memref<10240x128xf32, #tpu.memory_space<hbm>> -> memref<10240x128xf32, #tpu.memory_space<hbm>>
    tpu.wait_indirect_dma semaphore(%arg20 : memref<!tpu.dma_semaphore, #tpu.memory_space<semaphore_mem>>) src(%dma_wait3A_140 : memref<10240x128xf32, #tpu.memory_space<hbm>>) dst(%arg16 : memref<64x128xf32, #tpu.memory_space<vmem>>)
    %add3A_141 = arith.constant 256 : i32
    %add3A_142 = arith.addi %mul3A_2, %add3A_141 : i32
    %dma_start3A_143 = arith.constant 0 : i32
    %dma_start3A_144 = tpu.memref_slice %arg6[%add3A_142, %dma_start3A_143] : memref<10240x128xf32, #tpu.memory_space<hbm>> -> memref<64x128xf32, #tpu.memory_space<hbm>>
    %dma_start3A_145 = arith.constant 0 : i32
    %dma_start3A_146 = tpu.memref_slice %arg6[%add3A_142, %dma_start3A_145] : memref<10240x128xf32, #tpu.memory_space<hbm>> -> memref<64x128xf32, #tpu.memory_space<hbm>>
    tpu.enqueue_dma source(%arg16 : memref<64x128xf32, #tpu.memory_space<vmem>>) target(%dma_start3A_146 : memref<64x128xf32, #tpu.memory_space<hbm>>) target_semaphore(%arg21 : memref<!tpu.dma_semaphore, #tpu.memory_space<semaphore_mem>>)
    %scan3A_147 = arith.constant 0 : i32
    %scan3A_148 = arith.constant 0 : i32
    %scan3A_149 = arith.constant 32 : i32
    %scan3A_150 = arith.addi %scan3A_148, %scan3A_149 : i32
    %scan3A_151 = arith.constant 1 : i32
    scf.for %scan3A_172 = %scan3A_148 to %scan3A_150 step %scan3A_151  : i32 {
      %mul3A_173 = arith.constant 5 : i32
      %mul3A_174 = arith.muli %mul3A_173, %scan3A_172 : i32
      %add3A_175 = arith.constant 0 : i32
      %add3A_176 = arith.addi %mul3A_174, %add3A_175 : i32
      %ge3A = arith.constant 1 : i32
      %ge3A_177 = arith.cmpi sge, %add3A_176, %ge3A : i32
      %convert_element_type3A = arith.extui %ge3A_177 : i1 to i32
      %cond3A = arith.constant 0 : i32
      %cond3A_178 = arith.cmpi ne, %convert_element_type3A, %cond3A : i32
      scf.if %cond3A_178 {
        %sub3A = arith.constant 1 : i32
        %sub3A_309 = arith.subi %add3A_176, %sub3A : i32
        %mul3A_310 = arith.constant 64 : i32
        %mul3A_311 = arith.muli %sub3A_309, %mul3A_310 : i32
        %dma_wait3A_312 = tpu.memref_slice %arg10[%mul3A_311] : memref<10240xi32, #tpu.memory_space<vmem>> -> memref<64xi32, #tpu.memory_space<vmem>>
        %dma_wait3A_313 = arith.constant 0 : i32
        %dma_wait3A_314 = arith.constant 0 : i32
        %dma_wait3A_315 = tpu.memref_slice %arg19[%dma_wait3A_313, %dma_wait3A_314] : memref<5120x128xf32, #tpu.memory_space<vmem_shared>> -> memref<5120x128xf32, #tpu.memory_space<vmem_shared>>
        tpu.wait_indirect_dma semaphore(%arg31 : memref<!tpu.dma_semaphore, #tpu.memory_space<semaphore_mem>>) src(%arg15 : memref<64x128xf32, #tpu.memory_space<vmem>>) dst(%dma_wait3A_315 : memref<5120x128xf32, #tpu.memory_space<vmem_shared>>)
      } else {
      }
      %mul3A_179 = arith.constant 64 : i32
      %mul3A_180 = arith.muli %add3A_176, %mul3A_179 : i32
      %dma_wait3A_181 = tpu.memref_slice %arg9[%mul3A_180] : memref<10240xi32, #tpu.memory_space<vmem>> -> memref<64xi32, #tpu.memory_space<vmem>>
      %dma_wait3A_182 = arith.constant 0 : i32
      %dma_wait3A_183 = arith.constant 0 : i32
      %dma_wait3A_184 = tpu.memref_slice %arg2[%dma_wait3A_182, %dma_wait3A_183] : memref<10240x128xf32, #tpu.memory_space<hbm>> -> memref<10240x128xf32, #tpu.memory_space<hbm>>
      tpu.wait_indirect_dma semaphore(%arg22 : memref<!tpu.dma_semaphore, #tpu.memory_space<semaphore_mem>>) src(%dma_wait3A_184 : memref<10240x128xf32, #tpu.memory_space<hbm>>) dst(%arg11 : memref<64x128xf32, #tpu.memory_space<vmem>>)
      %mul3A_185 = arith.constant 64 : i32
      %mul3A_186 = arith.muli %add3A_176, %mul3A_185 : i32
      %dma_start3A_187 = tpu.memref_slice %arg10[%mul3A_186] : memref<10240xi32, #tpu.memory_space<vmem>> -> memref<64xi32, #tpu.memory_space<vmem>>
      %dma_start3A_188 = arith.constant 0 : i32
      %dma_start3A_189 = arith.constant 0 : i32
      %dma_start3A_190 = tpu.memref_slice %arg19[%dma_start3A_188, %dma_start3A_189] : memref<5120x128xf32, #tpu.memory_space<vmem_shared>> -> memref<5120x128xf32, #tpu.memory_space<vmem_shared>>
      tpu.enqueue_indirect_dma source(%arg11 : memref<64x128xf32, #tpu.memory_space<vmem>>) target(%dma_start3A_190 : memref<5120x128xf32, #tpu.memory_space<vmem_shared>>) offsets(%dma_start3A_187 : memref<64xi32, #tpu.memory_space<vmem>>) semaphore(%arg27 : memref<!tpu.dma_semaphore, #tpu.memory_space<semaphore_mem>>) {add = true}
      %add3A_191 = arith.constant 4 : i32
      %add3A_192 = arith.addi %add3A_176, %add3A_191 : i32
      %lt3A = arith.constant 160 : i32
      %lt3A_193 = arith.cmpi slt, %add3A_192, %lt3A : i32
      %convert_element_type3A_194 = arith.extui %lt3A_193 : i1 to i32
      %cond3A_195 = arith.constant 0 : i32
      %cond3A_196 = arith.cmpi ne, %convert_element_type3A_194, %cond3A_195 : i32
      scf.if %cond3A_196 {
        %add3A_309 = arith.constant 4 : i32
        %add3A_310 = arith.addi %add3A_176, %add3A_309 : i32
        %mul3A_311 = arith.constant 64 : i32
        %mul3A_312 = arith.muli %add3A_310, %mul3A_311 : i32
        %dma_start3A_313 = tpu.memref_slice %arg9[%mul3A_312] : memref<10240xi32, #tpu.memory_space<vmem>> -> memref<64xi32, #tpu.memory_space<vmem>>
        %dma_start3A_314 = arith.constant 0 : i32
        %dma_start3A_315 = arith.constant 0 : i32
        %dma_start3A_316 = tpu.memref_slice %arg2[%dma_start3A_314, %dma_start3A_315] : memref<10240x128xf32, #tpu.memory_space<hbm>> -> memref<10240x128xf32, #tpu.memory_space<hbm>>
        tpu.enqueue_indirect_dma source(%dma_start3A_316 : memref<10240x128xf32, #tpu.memory_space<hbm>>) target(%arg15 : memref<64x128xf32, #tpu.memory_space<vmem>>) offsets(%dma_start3A_313 : memref<64xi32, #tpu.memory_space<vmem>>) semaphore(%arg26 : memref<!tpu.dma_semaphore, #tpu.memory_space<semaphore_mem>>)
      } else {
      }
      %mul3A_197 = arith.constant 5 : i32
      %mul3A_198 = arith.muli %mul3A_197, %scan3A_172 : i32
      %add3A_199 = arith.constant 1 : i32
      %add3A_200 = arith.addi %mul3A_198, %add3A_199 : i32
      %ge3A_201 = arith.constant 1 : i32
      %ge3A_202 = arith.cmpi sge, %add3A_200, %ge3A_201 : i32
      %convert_element_type3A_203 = arith.extui %ge3A_202 : i1 to i32
      %cond3A_204 = arith.constant 0 : i32
      %cond3A_205 = arith.cmpi ne, %convert_element_type3A_203, %cond3A_204 : i32
      scf.if %cond3A_205 {
        %sub3A = arith.constant 1 : i32
        %sub3A_309 = arith.subi %add3A_200, %sub3A : i32
        %mul3A_310 = arith.constant 64 : i32
        %mul3A_311 = arith.muli %sub3A_309, %mul3A_310 : i32
        %dma_wait3A_312 = tpu.memref_slice %arg10[%mul3A_311] : memref<10240xi32, #tpu.memory_space<vmem>> -> memref<64xi32, #tpu.memory_space<vmem>>
        %dma_wait3A_313 = arith.constant 0 : i32
        %dma_wait3A_314 = arith.constant 0 : i32
        %dma_wait3A_315 = tpu.memref_slice %arg19[%dma_wait3A_313, %dma_wait3A_314] : memref<5120x128xf32, #tpu.memory_space<vmem_shared>> -> memref<5120x128xf32, #tpu.memory_space<vmem_shared>>
        tpu.wait_indirect_dma semaphore(%arg27 : memref<!tpu.dma_semaphore, #tpu.memory_space<semaphore_mem>>) src(%arg11 : memref<64x128xf32, #tpu.memory_space<vmem>>) dst(%dma_wait3A_315 : memref<5120x128xf32, #tpu.memory_space<vmem_shared>>)
      } else {
      }
      %mul3A_206 = arith.constant 64 : i32
      %mul3A_207 = arith.muli %add3A_200, %mul3A_206 : i32
      %dma_wait3A_208 = tpu.memref_slice %arg9[%mul3A_207] : memref<10240xi32, #tpu.memory_space<vmem>> -> memref<64xi32, #tpu.memory_space<vmem>>
      %dma_wait3A_209 = arith.constant 0 : i32
      %dma_wait3A_210 = arith.constant 0 : i32
      %dma_wait3A_211 = tpu.memref_slice %arg2[%dma_wait3A_209, %dma_wait3A_210] : memref<10240x128xf32, #tpu.memory_space<hbm>> -> memref<10240x128xf32, #tpu.memory_space<hbm>>
      tpu.wait_indirect_dma semaphore(%arg23 : memref<!tpu.dma_semaphore, #tpu.memory_space<semaphore_mem>>) src(%dma_wait3A_211 : memref<10240x128xf32, #tpu.memory_space<hbm>>) dst(%arg12 : memref<64x128xf32, #tpu.memory_space<vmem>>)
      %mul3A_212 = arith.constant 64 : i32
      %mul3A_213 = arith.muli %add3A_200, %mul3A_212 : i32
      %dma_start3A_214 = tpu.memref_slice %arg10[%mul3A_213] : memref<10240xi32, #tpu.memory_space<vmem>> -> memref<64xi32, #tpu.memory_space<vmem>>
      %dma_start3A_215 = arith.constant 0 : i32
      %dma_start3A_216 = arith.constant 0 : i32
      %dma_start3A_217 = tpu.memref_slice %arg19[%dma_start3A_215, %dma_start3A_216] : memref<5120x128xf32, #tpu.memory_space<vmem_shared>> -> memref<5120x128xf32, #tpu.memory_space<vmem_shared>>
      tpu.enqueue_indirect_dma source(%arg12 : memref<64x128xf32, #tpu.memory_space<vmem>>) target(%dma_start3A_217 : memref<5120x128xf32, #tpu.memory_space<vmem_shared>>) offsets(%dma_start3A_214 : memref<64xi32, #tpu.memory_space<vmem>>) semaphore(%arg28 : memref<!tpu.dma_semaphore, #tpu.memory_space<semaphore_mem>>) {add = true}
      %add3A_218 = arith.constant 4 : i32
      %add3A_219 = arith.addi %add3A_200, %add3A_218 : i32
      %lt3A_220 = arith.constant 160 : i32
      %lt3A_221 = arith.cmpi slt, %add3A_219, %lt3A_220 : i32
      %convert_element_type3A_222 = arith.extui %lt3A_221 : i1 to i32
      %cond3A_223 = arith.constant 0 : i32
      %cond3A_224 = arith.cmpi ne, %convert_element_type3A_222, %cond3A_223 : i32
      scf.if %cond3A_224 {
        %add3A_309 = arith.constant 4 : i32
        %add3A_310 = arith.addi %add3A_200, %add3A_309 : i32
        %mul3A_311 = arith.constant 64 : i32
        %mul3A_312 = arith.muli %add3A_310, %mul3A_311 : i32
        %dma_start3A_313 = tpu.memref_slice %arg9[%mul3A_312] : memref<10240xi32, #tpu.memory_space<vmem>> -> memref<64xi32, #tpu.memory_space<vmem>>
        %dma_start3A_314 = arith.constant 0 : i32
        %dma_start3A_315 = arith.constant 0 : i32
        %dma_start3A_316 = tpu.memref_slice %arg2[%dma_start3A_314, %dma_start3A_315] : memref<10240x128xf32, #tpu.memory_space<hbm>> -> memref<10240x128xf32, #tpu.memory_space<hbm>>
        tpu.enqueue_indirect_dma source(%dma_start3A_316 : memref<10240x128xf32, #tpu.memory_space<hbm>>) target(%arg11 : memref<64x128xf32, #tpu.memory_space<vmem>>) offsets(%dma_start3A_313 : memref<64xi32, #tpu.memory_space<vmem>>) semaphore(%arg22 : memref<!tpu.dma_semaphore, #tpu.memory_space<semaphore_mem>>)
      } else {
      }
      %mul3A_225 = arith.constant 5 : i32
      %mul3A_226 = arith.muli %mul3A_225, %scan3A_172 : i32
      %add3A_227 = arith.constant 2 : i32
      %add3A_228 = arith.addi %mul3A_226, %add3A_227 : i32
      %ge3A_229 = arith.constant 1 : i32
      %ge3A_230 = arith.cmpi sge, %add3A_228, %ge3A_229 : i32
      %convert_element_type3A_231 = arith.extui %ge3A_230 : i1 to i32
      %cond3A_232 = arith.constant 0 : i32
      %cond3A_233 = arith.cmpi ne, %convert_element_type3A_231, %cond3A_232 : i32
      scf.if %cond3A_233 {
        %sub3A = arith.constant 1 : i32
        %sub3A_309 = arith.subi %add3A_228, %sub3A : i32
        %mul3A_310 = arith.constant 64 : i32
        %mul3A_311 = arith.muli %sub3A_309, %mul3A_310 : i32
        %dma_wait3A_312 = tpu.memref_slice %arg10[%mul3A_311] : memref<10240xi32, #tpu.memory_space<vmem>> -> memref<64xi32, #tpu.memory_space<vmem>>
        %dma_wait3A_313 = arith.constant 0 : i32
        %dma_wait3A_314 = arith.constant 0 : i32
        %dma_wait3A_315 = tpu.memref_slice %arg19[%dma_wait3A_313, %dma_wait3A_314] : memref<5120x128xf32, #tpu.memory_space<vmem_shared>> -> memref<5120x128xf32, #tpu.memory_space<vmem_shared>>
        tpu.wait_indirect_dma semaphore(%arg28 : memref<!tpu.dma_semaphore, #tpu.memory_space<semaphore_mem>>) src(%arg12 : memref<64x128xf32, #tpu.memory_space<vmem>>) dst(%dma_wait3A_315 : memref<5120x128xf32, #tpu.memory_space<vmem_shared>>)
      } else {
      }
      %mul3A_234 = arith.constant 64 : i32
      %mul3A_235 = arith.muli %add3A_228, %mul3A_234 : i32
      %dma_wait3A_236 = tpu.memref_slice %arg9[%mul3A_235] : memref<10240xi32, #tpu.memory_space<vmem>> -> memref<64xi32, #tpu.memory_space<vmem>>
      %dma_wait3A_237 = arith.constant 0 : i32
      %dma_wait3A_238 = arith.constant 0 : i32
      %dma_wait3A_239 = tpu.memref_slice %arg2[%dma_wait3A_237, %dma_wait3A_238] : memref<10240x128xf32, #tpu.memory_space<hbm>> -> memref<10240x128xf32, #tpu.memory_space<hbm>>
      tpu.wait_indirect_dma semaphore(%arg24 : memref<!tpu.dma_semaphore, #tpu.memory_space<semaphore_mem>>) src(%dma_wait3A_239 : memref<10240x128xf32, #tpu.memory_space<hbm>>) dst(%arg13 : memref<64x128xf32, #tpu.memory_space<vmem>>)
      %mul3A_240 = arith.constant 64 : i32
      %mul3A_241 = arith.muli %add3A_228, %mul3A_240 : i32
      %dma_start3A_242 = tpu.memref_slice %arg10[%mul3A_241] : memref<10240xi32, #tpu.memory_space<vmem>> -> memref<64xi32, #tpu.memory_space<vmem>>
      %dma_start3A_243 = arith.constant 0 : i32
      %dma_start3A_244 = arith.constant 0 : i32
      %dma_start3A_245 = tpu.memref_slice %arg19[%dma_start3A_243, %dma_start3A_244] : memref<5120x128xf32, #tpu.memory_space<vmem_shared>> -> memref<5120x128xf32, #tpu.memory_space<vmem_shared>>
      tpu.enqueue_indirect_dma source(%arg13 : memref<64x128xf32, #tpu.memory_space<vmem>>) target(%dma_start3A_245 : memref<5120x128xf32, #tpu.memory_space<vmem_shared>>) offsets(%dma_start3A_242 : memref<64xi32, #tpu.memory_space<vmem>>) semaphore(%arg29 : memref<!tpu.dma_semaphore, #tpu.memory_space<semaphore_mem>>) {add = true}
      %add3A_246 = arith.constant 4 : i32
      %add3A_247 = arith.addi %add3A_228, %add3A_246 : i32
      %lt3A_248 = arith.constant 160 : i32
      %lt3A_249 = arith.cmpi slt, %add3A_247, %lt3A_248 : i32
      %convert_element_type3A_250 = arith.extui %lt3A_249 : i1 to i32
      %cond3A_251 = arith.constant 0 : i32
      %cond3A_252 = arith.cmpi ne, %convert_element_type3A_250, %cond3A_251 : i32
      scf.if %cond3A_252 {
        %add3A_309 = arith.constant 4 : i32
        %add3A_310 = arith.addi %add3A_228, %add3A_309 : i32
        %mul3A_311 = arith.constant 64 : i32
        %mul3A_312 = arith.muli %add3A_310, %mul3A_311 : i32
        %dma_start3A_313 = tpu.memref_slice %arg9[%mul3A_312] : memref<10240xi32, #tpu.memory_space<vmem>> -> memref<64xi32, #tpu.memory_space<vmem>>
        %dma_start3A_314 = arith.constant 0 : i32
        %dma_start3A_315 = arith.constant 0 : i32
        %dma_start3A_316 = tpu.memref_slice %arg2[%dma_start3A_314, %dma_start3A_315] : memref<10240x128xf32, #tpu.memory_space<hbm>> -> memref<10240x128xf32, #tpu.memory_space<hbm>>
        tpu.enqueue_indirect_dma source(%dma_start3A_316 : memref<10240x128xf32, #tpu.memory_space<hbm>>) target(%arg12 : memref<64x128xf32, #tpu.memory_space<vmem>>) offsets(%dma_start3A_313 : memref<64xi32, #tpu.memory_space<vmem>>) semaphore(%arg23 : memref<!tpu.dma_semaphore, #tpu.memory_space<semaphore_mem>>)
      } else {
      }
      %mul3A_253 = arith.constant 5 : i32
      %mul3A_254 = arith.muli %mul3A_253, %scan3A_172 : i32
      %add3A_255 = arith.constant 3 : i32
      %add3A_256 = arith.addi %mul3A_254, %add3A_255 : i32
      %ge3A_257 = arith.constant 1 : i32
      %ge3A_258 = arith.cmpi sge, %add3A_256, %ge3A_257 : i32
      %convert_element_type3A_259 = arith.extui %ge3A_258 : i1 to i32
      %cond3A_260 = arith.constant 0 : i32
      %cond3A_261 = arith.cmpi ne, %convert_element_type3A_259, %cond3A_260 : i32
      scf.if %cond3A_261 {
        %sub3A = arith.constant 1 : i32
        %sub3A_309 = arith.subi %add3A_256, %sub3A : i32
        %mul3A_310 = arith.constant 64 : i32
        %mul3A_311 = arith.muli %sub3A_309, %mul3A_310 : i32
        %dma_wait3A_312 = tpu.memref_slice %arg10[%mul3A_311] : memref<10240xi32, #tpu.memory_space<vmem>> -> memref<64xi32, #tpu.memory_space<vmem>>
        %dma_wait3A_313 = arith.constant 0 : i32
        %dma_wait3A_314 = arith.constant 0 : i32
        %dma_wait3A_315 = tpu.memref_slice %arg19[%dma_wait3A_313, %dma_wait3A_314] : memref<5120x128xf32, #tpu.memory_space<vmem_shared>> -> memref<5120x128xf32, #tpu.memory_space<vmem_shared>>
        tpu.wait_indirect_dma semaphore(%arg29 : memref<!tpu.dma_semaphore, #tpu.memory_space<semaphore_mem>>) src(%arg13 : memref<64x128xf32, #tpu.memory_space<vmem>>) dst(%dma_wait3A_315 : memref<5120x128xf32, #tpu.memory_space<vmem_shared>>)
      } else {
      }
      %mul3A_262 = arith.constant 64 : i32
      %mul3A_263 = arith.muli %add3A_256, %mul3A_262 : i32
      %dma_wait3A_264 = tpu.memref_slice %arg9[%mul3A_263] : memref<10240xi32, #tpu.memory_space<vmem>> -> memref<64xi32, #tpu.memory_space<vmem>>
      %dma_wait3A_265 = arith.constant 0 : i32
      %dma_wait3A_266 = arith.constant 0 : i32
      %dma_wait3A_267 = tpu.memref_slice %arg2[%dma_wait3A_265, %dma_wait3A_266] : memref<10240x128xf32, #tpu.memory_space<hbm>> -> memref<10240x128xf32, #tpu.memory_space<hbm>>
      tpu.wait_indirect_dma semaphore(%arg25 : memref<!tpu.dma_semaphore, #tpu.memory_space<semaphore_mem>>) src(%dma_wait3A_267 : memref<10240x128xf32, #tpu.memory_space<hbm>>) dst(%arg14 : memref<64x128xf32, #tpu.memory_space<vmem>>)
      %mul3A_268 = arith.constant 64 : i32
      %mul3A_269 = arith.muli %add3A_256, %mul3A_268 : i32
      %dma_start3A_270 = tpu.memref_slice %arg10[%mul3A_269] : memref<10240xi32, #tpu.memory_space<vmem>> -> memref<64xi32, #tpu.memory_space<vmem>>
      %dma_start3A_271 = arith.constant 0 : i32
      %dma_start3A_272 = arith.constant 0 : i32
      %dma_start3A_273 = tpu.memref_slice %arg19[%dma_start3A_271, %dma_start3A_272] : memref<5120x128xf32, #tpu.memory_space<vmem_shared>> -> memref<5120x128xf32, #tpu.memory_space<vmem_shared>>
      tpu.enqueue_indirect_dma source(%arg14 : memref<64x128xf32, #tpu.memory_space<vmem>>) target(%dma_start3A_273 : memref<5120x128xf32, #tpu.memory_space<vmem_shared>>) offsets(%dma_start3A_270 : memref<64xi32, #tpu.memory_space<vmem>>) semaphore(%arg30 : memref<!tpu.dma_semaphore, #tpu.memory_space<semaphore_mem>>) {add = true}
      %add3A_274 = arith.constant 4 : i32
      %add3A_275 = arith.addi %add3A_256, %add3A_274 : i32
      %lt3A_276 = arith.constant 160 : i32
      %lt3A_277 = arith.cmpi slt, %add3A_275, %lt3A_276 : i32
      %convert_element_type3A_278 = arith.extui %lt3A_277 : i1 to i32
      %cond3A_279 = arith.constant 0 : i32
      %cond3A_280 = arith.cmpi ne, %convert_element_type3A_278, %cond3A_279 : i32
      scf.if %cond3A_280 {
        %add3A_309 = arith.constant 4 : i32
        %add3A_310 = arith.addi %add3A_256, %add3A_309 : i32
        %mul3A_311 = arith.constant 64 : i32
        %mul3A_312 = arith.muli %add3A_310, %mul3A_311 : i32
        %dma_start3A_313 = tpu.memref_slice %arg9[%mul3A_312] : memref<10240xi32, #tpu.memory_space<vmem>> -> memref<64xi32, #tpu.memory_space<vmem>>
        %dma_start3A_314 = arith.constant 0 : i32
        %dma_start3A_315 = arith.constant 0 : i32
        %dma_start3A_316 = tpu.memref_slice %arg2[%dma_start3A_314, %dma_start3A_315] : memref<10240x128xf32, #tpu.memory_space<hbm>> -> memref<10240x128xf32, #tpu.memory_space<hbm>>
        tpu.enqueue_indirect_dma source(%dma_start3A_316 : memref<10240x128xf32, #tpu.memory_space<hbm>>) target(%arg13 : memref<64x128xf32, #tpu.memory_space<vmem>>) offsets(%dma_start3A_313 : memref<64xi32, #tpu.memory_space<vmem>>) semaphore(%arg24 : memref<!tpu.dma_semaphore, #tpu.memory_space<semaphore_mem>>)
      } else {
      }
      %mul3A_281 = arith.constant 5 : i32
      %mul3A_282 = arith.muli %mul3A_281, %scan3A_172 : i32
      %add3A_283 = arith.constant 4 : i32
      %add3A_284 = arith.addi %mul3A_282, %add3A_283 : i32
      %ge3A_285 = arith.constant 1 : i32
      %ge3A_286 = arith.cmpi sge, %add3A_284, %ge3A_285 : i32
      %convert_element_type3A_287 = arith.extui %ge3A_286 : i1 to i32
      %cond3A_288 = arith.constant 0 : i32
      %cond3A_289 = arith.cmpi ne, %convert_element_type3A_287, %cond3A_288 : i32
      scf.if %cond3A_289 {
        %sub3A = arith.constant 1 : i32
        %sub3A_309 = arith.subi %add3A_284, %sub3A : i32
        %mul3A_310 = arith.constant 64 : i32
        %mul3A_311 = arith.muli %sub3A_309, %mul3A_310 : i32
        %dma_wait3A_312 = tpu.memref_slice %arg10[%mul3A_311] : memref<10240xi32, #tpu.memory_space<vmem>> -> memref<64xi32, #tpu.memory_space<vmem>>
        %dma_wait3A_313 = arith.constant 0 : i32
        %dma_wait3A_314 = arith.constant 0 : i32
        %dma_wait3A_315 = tpu.memref_slice %arg19[%dma_wait3A_313, %dma_wait3A_314] : memref<5120x128xf32, #tpu.memory_space<vmem_shared>> -> memref<5120x128xf32, #tpu.memory_space<vmem_shared>>
        tpu.wait_indirect_dma semaphore(%arg30 : memref<!tpu.dma_semaphore, #tpu.memory_space<semaphore_mem>>) src(%arg14 : memref<64x128xf32, #tpu.memory_space<vmem>>) dst(%dma_wait3A_315 : memref<5120x128xf32, #tpu.memory_space<vmem_shared>>)
      } else {
      }
      %mul3A_290 = arith.constant 64 : i32
      %mul3A_291 = arith.muli %add3A_284, %mul3A_290 : i32
      %dma_wait3A_292 = tpu.memref_slice %arg9[%mul3A_291] : memref<10240xi32, #tpu.memory_space<vmem>> -> memref<64xi32, #tpu.memory_space<vmem>>
      %dma_wait3A_293 = arith.constant 0 : i32
      %dma_wait3A_294 = arith.constant 0 : i32
      %dma_wait3A_295 = tpu.memref_slice %arg2[%dma_wait3A_293, %dma_wait3A_294] : memref<10240x128xf32, #tpu.memory_space<hbm>> -> memref<10240x128xf32, #tpu.memory_space<hbm>>
      tpu.wait_indirect_dma semaphore(%arg26 : memref<!tpu.dma_semaphore, #tpu.memory_space<semaphore_mem>>) src(%dma_wait3A_295 : memref<10240x128xf32, #tpu.memory_space<hbm>>) dst(%arg15 : memref<64x128xf32, #tpu.memory_space<vmem>>)
      %mul3A_296 = arith.constant 64 : i32
      %mul3A_297 = arith.muli %add3A_284, %mul3A_296 : i32
      %dma_start3A_298 = tpu.memref_slice %arg10[%mul3A_297] : memref<10240xi32, #tpu.memory_space<vmem>> -> memref<64xi32, #tpu.memory_space<vmem>>
      %dma_start3A_299 = arith.constant 0 : i32
      %dma_start3A_300 = arith.constant 0 : i32
      %dma_start3A_301 = tpu.memref_slice %arg19[%dma_start3A_299, %dma_start3A_300] : memref<5120x128xf32, #tpu.memory_space<vmem_shared>> -> memref<5120x128xf32, #tpu.memory_space<vmem_shared>>
      tpu.enqueue_indirect_dma source(%arg15 : memref<64x128xf32, #tpu.memory_space<vmem>>) target(%dma_start3A_301 : memref<5120x128xf32, #tpu.memory_space<vmem_shared>>) offsets(%dma_start3A_298 : memref<64xi32, #tpu.memory_space<vmem>>) semaphore(%arg31 : memref<!tpu.dma_semaphore, #tpu.memory_space<semaphore_mem>>) {add = true}
      %add3A_302 = arith.constant 4 : i32
      %add3A_303 = arith.addi %add3A_284, %add3A_302 : i32
      %lt3A_304 = arith.constant 160 : i32
      %lt3A_305 = arith.cmpi slt, %add3A_303, %lt3A_304 : i32
      %convert_element_type3A_306 = arith.extui %lt3A_305 : i1 to i32
      %cond3A_307 = arith.constant 0 : i32
      %cond3A_308 = arith.cmpi ne, %convert_element_type3A_306, %cond3A_307 : i32
      scf.if %cond3A_308 {
        %add3A_309 = arith.constant 4 : i32
        %add3A_310 = arith.addi %add3A_284, %add3A_309 : i32
        %mul3A_311 = arith.constant 64 : i32
        %mul3A_312 = arith.muli %add3A_310, %mul3A_311 : i32
        %dma_start3A_313 = tpu.memref_slice %arg9[%mul3A_312] : memref<10240xi32, #tpu.memory_space<vmem>> -> memref<64xi32, #tpu.memory_space<vmem>>
        %dma_start3A_314 = arith.constant 0 : i32
        %dma_start3A_315 = arith.constant 0 : i32
        %dma_start3A_316 = tpu.memref_slice %arg2[%dma_start3A_314, %dma_start3A_315] : memref<10240x128xf32, #tpu.memory_space<hbm>> -> memref<10240x128xf32, #tpu.memory_space<hbm>>
        tpu.enqueue_indirect_dma source(%dma_start3A_316 : memref<10240x128xf32, #tpu.memory_space<hbm>>) target(%arg14 : memref<64x128xf32, #tpu.memory_space<vmem>>) offsets(%dma_start3A_313 : memref<64xi32, #tpu.memory_space<vmem>>) semaphore(%arg25 : memref<!tpu.dma_semaphore, #tpu.memory_space<semaphore_mem>>)
      } else {
      }
    }
    %scan3A_152 = arith.constant 32 : i32
    %dma_wait3A_153 = arith.constant 10176 : i32
    %dma_wait3A_154 = tpu.memref_slice %arg10[%dma_wait3A_153] : memref<10240xi32, #tpu.memory_space<vmem>> -> memref<64xi32, #tpu.memory_space<vmem>>
    %dma_wait3A_155 = arith.constant 0 : i32
    %dma_wait3A_156 = arith.constant 0 : i32
    %dma_wait3A_157 = tpu.memref_slice %arg19[%dma_wait3A_155, %dma_wait3A_156] : memref<5120x128xf32, #tpu.memory_space<vmem_shared>> -> memref<5120x128xf32, #tpu.memory_space<vmem_shared>>
    tpu.wait_indirect_dma semaphore(%arg31 : memref<!tpu.dma_semaphore, #tpu.memory_space<semaphore_mem>>) src(%arg15 : memref<64x128xf32, #tpu.memory_space<vmem>>) dst(%dma_wait3A_157 : memref<5120x128xf32, #tpu.memory_space<vmem_shared>>)
    %add3A_158 = arith.constant 192 : i32
    %add3A_159 = arith.addi %mul3A_2, %add3A_158 : i32
    %dma_wait3A_160 = arith.constant 0 : i32
    %dma_wait3A_161 = tpu.memref_slice %arg6[%add3A_159, %dma_wait3A_160] : memref<10240x128xf32, #tpu.memory_space<hbm>> -> memref<64x128xf32, #tpu.memory_space<hbm>>
    %dma_wait3A_162 = arith.constant 0 : i32
    %dma_wait3A_163 = tpu.memref_slice %arg6[%add3A_159, %dma_wait3A_162] : memref<10240x128xf32, #tpu.memory_space<hbm>> -> memref<64x128xf32, #tpu.memory_space<hbm>>
    tpu.wait_dma2 semaphore(%arg21 : memref<!tpu.dma_semaphore, #tpu.memory_space<semaphore_mem>>) src(%arg17 : memref<64x128xf32, #tpu.memory_space<vmem>>) dst(%dma_wait3A_163 : memref<64x128xf32, #tpu.memory_space<hbm>>)
    %add3A_164 = arith.constant 256 : i32
    %add3A_165 = arith.addi %mul3A_2, %add3A_164 : i32
    %dma_wait3A_166 = arith.constant 0 : i32
    %dma_wait3A_167 = tpu.memref_slice %arg6[%add3A_165, %dma_wait3A_166] : memref<10240x128xf32, #tpu.memory_space<hbm>> -> memref<64x128xf32, #tpu.memory_space<hbm>>
    %dma_wait3A_168 = arith.constant 0 : i32
    %dma_wait3A_169 = tpu.memref_slice %arg6[%add3A_165, %dma_wait3A_168] : memref<10240x128xf32, #tpu.memory_space<hbm>> -> memref<64x128xf32, #tpu.memory_space<hbm>>
    tpu.wait_dma2 semaphore(%arg21 : memref<!tpu.dma_semaphore, #tpu.memory_space<semaphore_mem>>) src(%arg16 : memref<64x128xf32, #tpu.memory_space<vmem>>) dst(%dma_wait3A_169 : memref<64x128xf32, #tpu.memory_space<hbm>>)
    %mul3A_170 = arith.constant 320 : i32
    %mul3A_171 = arith.muli %arg1, %mul3A_170 : i32
    "tpu.region"() ({
      %run_scoped3A = tpu.sem_alloc : memref<!tpu.dma_semaphore, #tpu.memory_space<semaphore_mem>>
      %dma_start3A_172 = arith.constant 0 : i32
      %dma_start3A_173 = tpu.memref_slice %arg7[%mul3A_2, %dma_start3A_172] : memref<10240x128xf32, #tpu.memory_space<hbm>> -> memref<320x128xf32, #tpu.memory_space<hbm>>
      %dma_start3A_174 = arith.constant 0 : i32
      %dma_start3A_175 = tpu.memref_slice %arg19[%mul3A_171, %dma_start3A_174] : memref<5120x128xf32, #tpu.memory_space<vmem_shared>> -> memref<320x128xf32, #tpu.memory_space<vmem_shared>>
      tpu.enqueue_dma source(%dma_start3A_175 : memref<320x128xf32, #tpu.memory_space<vmem_shared>>) target(%dma_start3A_173 : memref<320x128xf32, #tpu.memory_space<hbm>>) target_semaphore(%run_scoped3A : memref<!tpu.dma_semaphore, #tpu.memory_space<semaphore_mem>>)
      %dma_wait3A_176 = arith.constant 0 : i32
      %dma_wait3A_177 = tpu.memref_slice %arg7[%mul3A_2, %dma_wait3A_176] : memref<10240x128xf32, #tpu.memory_space<hbm>> -> memref<320x128xf32, #tpu.memory_space<hbm>>
      %dma_wait3A_178 = arith.constant 0 : i32
      %dma_wait3A_179 = tpu.memref_slice %arg19[%mul3A_171, %dma_wait3A_178] : memref<5120x128xf32, #tpu.memory_space<vmem_shared>> -> memref<320x128xf32, #tpu.memory_space<vmem_shared>>
      tpu.wait_dma2 semaphore(%run_scoped3A : memref<!tpu.dma_semaphore, #tpu.memory_space<semaphore_mem>>) src(%dma_wait3A_179 : memref<320x128xf32, #tpu.memory_space<vmem_shared>>) dst(%dma_wait3A_177 : memref<320x128xf32, #tpu.memory_space<hbm>>)
      tpu.yield
    }) : () -> ()
    return
  }
}

module attributes {stable_mosaic.version = 14 : i64} {
  func.func @_fc_body(%arg0: i32, %arg1: memref<1024x128xf32, #tpu.memory_space<vmem>>, %arg2: memref<128x128xf32, #tpu.memory_space<vmem>>, %arg3: memref<1x128xf32, #tpu.memory_space<vmem>>, %arg4: memref<1024x128xf32, #tpu.memory_space<vmem>>) attributes {dimension_semantics = [#tpu.dimension_semantics<arbitrary>], iteration_bounds = array<i64: 10>, scalar_prefetch = 0 : i64, scratch_operands = 0 : i64, tpu.core_type = #tpu.core_type<tc>, window_params = [{transform_indices = @transform_0, window_bounds = array<i64: 1024, 128>}, {pipeline_mode = #tpu.pipeline_mode<synchronous>, transform_indices = @transform_1, window_bounds = array<i64: 128, 128>}, {pipeline_mode = #tpu.pipeline_mode<synchronous>, transform_indices = @transform_2, window_bounds = array<i64: 1, 128>}, {transform_indices = @transform_3, window_bounds = array<i64: 1024, 128>}]} {
    %get3A = arith.constant 0 : index
    %get3A_0 = arith.constant 0 : index
    %get3A_1 = vector.load %arg1[%get3A, %get3A_0] : memref<1024x128xf32, #tpu.memory_space<vmem>>, vector<1024x128xf32>
    %get3A_2 = arith.constant 0 : index
    %get3A_3 = arith.constant 0 : index
    %get3A_4 = vector.load %arg2[%get3A_2, %get3A_3] : memref<128x128xf32, #tpu.memory_space<vmem>>, vector<128x128xf32>
    %dot_general3A = arith.constant dense<0.000000e+00> : vector<1024x128xf32>
    %dot_general3A_5 = tpu.matmul %get3A_1, %get3A_4, %dot_general3A {dimension_numbers = #tpu.dot_dimension_numbers<[1], [0], [0], [1], [0, 0, 1, 1], [], []>, transpose_lhs_hint = false} : vector<1024x128xf32>, vector<128x128xf32>, vector<1024x128xf32> -> vector<1024x128xf32>
    %get3A_6 = arith.constant 0 : index
    %get3A_7 = arith.constant 0 : index
    %get3A_8 = vector.load %arg3[%get3A_6, %get3A_7] : memref<1x128xf32, #tpu.memory_space<vmem>>, vector<1x128xf32>
    %add3A = vector.broadcast %get3A_8 : vector<1x128xf32> to vector<1024x128xf32>
    %add3A_9 = arith.addf %dot_general3A_5, %add3A : vector<1024x128xf32>
    %swap3A = arith.constant 0 : index
    %swap3A_10 = arith.constant 0 : index
    %swap3A_11 = vector.load %arg4[%swap3A, %swap3A_10] : memref<1024x128xf32, #tpu.memory_space<vmem>>, vector<1024x128xf32>
    tpu.vector_store %arg4[%swap3A, %swap3A_10], %add3A_9 {strides = array<i32>} : memref<1024x128xf32, #tpu.memory_space<vmem>>, vector<1024x128xf32>,
    return
  }
  func.func @transform_0(%arg0: i32) -> (i32, i32) {
    %c0_i32 = arith.constant 0 : i32
    %c0_i32_0 = arith.constant 0 : i32
    return %arg0, %c0_i32 : i32, i32
  }
  func.func @transform_1(%arg0: i32) -> (i32, i32) {
    %c0_i32 = arith.constant 0 : i32
    %c0_i32_0 = arith.constant 0 : i32
    %c0_i32_1 = arith.constant 0 : i32
    return %c0_i32, %c0_i32_0 : i32, i32
  }
  func.func @transform_2(%arg0: i32) -> (i32, i32) {
    %c0_i32 = arith.constant 0 : i32
    %c0_i32_0 = arith.constant 0 : i32
    %c0_i32_1 = arith.constant 0 : i32
    return %c0_i32, %c0_i32_0 : i32, i32
  }
  func.func @transform_3(%arg0: i32) -> (i32, i32) {
    %c0_i32 = arith.constant 0 : i32
    %c0_i32_0 = arith.constant 0 : i32
    return %arg0, %c0_i32 : i32, i32
  }
}

module attributes {stable_mosaic.version = 14 : i64} {
  func.func @_update_body(%arg0: i32, %arg1: memref<1024x128xf32, #tpu.memory_space<vmem>>, %arg2: memref<1024x128xf32, #tpu.memory_space<vmem>>, %arg3: memref<1024x128xf32, #tpu.memory_space<vmem>>, %arg4: memref<256x128xf32, #tpu.memory_space<vmem>>, %arg5: memref<1x128xf32, #tpu.memory_space<vmem>>, %arg6: memref<128x384xf32, #tpu.memory_space<vmem>>, %arg7: memref<1x384xf32, #tpu.memory_space<vmem>>, %arg8: memref<128x384xf32, #tpu.memory_space<vmem>>, %arg9: memref<1x384xf32, #tpu.memory_space<vmem>>, %arg10: memref<1024x128xf32, #tpu.memory_space<vmem>>) attributes {dimension_semantics = [#tpu.dimension_semantics<arbitrary>], iteration_bounds = array<i64: 10>, scalar_prefetch = 0 : i64, scratch_operands = 0 : i64, tpu.core_type = #tpu.core_type<tc>, window_params = [{transform_indices = @transform_0, window_bounds = array<i64: 1024, 128>}, {transform_indices = @transform_1, window_bounds = array<i64: 1024, 128>}, {transform_indices = @transform_2, window_bounds = array<i64: 1024, 128>}, {pipeline_mode = #tpu.pipeline_mode<synchronous>, transform_indices = @transform_3, window_bounds = array<i64: 256, 128>}, {pipeline_mode = #tpu.pipeline_mode<synchronous>, transform_indices = @transform_4, window_bounds = array<i64: 1, 128>}, {pipeline_mode = #tpu.pipeline_mode<synchronous>, transform_indices = @transform_5, window_bounds = array<i64: 128, 384>}, {pipeline_mode = #tpu.pipeline_mode<synchronous>, transform_indices = @transform_6, window_bounds = array<i64: 1, 384>}, {pipeline_mode = #tpu.pipeline_mode<synchronous>, transform_indices = @transform_7, window_bounds = array<i64: 128, 384>}, {pipeline_mode = #tpu.pipeline_mode<synchronous>, transform_indices = @transform_8, window_bounds = array<i64: 1, 384>}, {transform_indices = @transform_9, window_bounds = array<i64: 1024, 128>}]} {
    %get3A = arith.constant 0 : index
    %get3A_0 = arith.constant 0 : index
    %get3A_1 = vector.load %arg1[%get3A, %get3A_0] : memref<1024x128xf32, #tpu.memory_space<vmem>>, vector<1024x128xf32>
    %get3A_2 = arith.constant 0 : index
    %get3A_3 = arith.constant 0 : index
    %get3A_4 = vector.load %arg2[%get3A_2, %get3A_3] : memref<1024x128xf32, #tpu.memory_space<vmem>>, vector<1024x128xf32>
    %get3A_5 = arith.constant 0 : index
    %get3A_6 = arith.constant 0 : index
    %get3A_7 = vector.load %arg3[%get3A_5, %get3A_6] : memref<1024x128xf32, #tpu.memory_space<vmem>>, vector<1024x128xf32>
    %mul3A = arith.constant 3.125000e-02 : f32
    %mul3A_8 = vector.broadcast %mul3A : f32 to vector<1024x128xf32>
    %mul3A_9 = arith.mulf %get3A_7, %mul3A_8 : vector<1024x128xf32>
    %concatenate3A = tpu.concatenate %get3A_4, %mul3A_9 in 1 : vector<1024x128xf32>, vector<1024x128xf32> -> vector<1024x256xf32>
    %get3A_10 = arith.constant 0 : index
    %get3A_11 = arith.constant 0 : index
    %get3A_12 = vector.load %arg4[%get3A_10, %get3A_11] : memref<256x128xf32, #tpu.memory_space<vmem>>, vector<256x128xf32>
    %dot_general3A = arith.constant dense<0.000000e+00> : vector<1024x128xf32>
    %dot_general3A_13 = tpu.matmul %concatenate3A, %get3A_12, %dot_general3A {dimension_numbers = #tpu.dot_dimension_numbers<[1], [0], [0], [1], [0, 0, 1, 1], [], []>, transpose_lhs_hint = false} : vector<1024x256xf32>, vector<256x128xf32>, vector<1024x128xf32> -> vector<1024x128xf32>
    %get3A_14 = arith.constant 0 : index
    %get3A_15 = arith.constant 0 : index
    %get3A_16 = vector.load %arg5[%get3A_14, %get3A_15] : memref<1x128xf32, #tpu.memory_space<vmem>>, vector<1x128xf32>
    %add3A = vector.broadcast %get3A_16 : vector<1x128xf32> to vector<1024x128xf32>
    %add3A_17 = arith.addf %dot_general3A_13, %add3A : vector<1024x128xf32>
    %get3A_18 = arith.constant 0 : index
    %get3A_19 = arith.constant 0 : index
    %get3A_20 = vector.load %arg6[%get3A_18, %get3A_19] : memref<128x384xf32, #tpu.memory_space<vmem>>, vector<128x384xf32>
    %dot_general3A_21 = arith.constant dense<0.000000e+00> : vector<1024x384xf32>
    %dot_general3A_22 = tpu.matmul %get3A_1, %get3A_20, %dot_general3A_21 {dimension_numbers = #tpu.dot_dimension_numbers<[1], [0], [0], [1], [0, 0, 1, 1], [], []>, transpose_lhs_hint = false} : vector<1024x128xf32>, vector<128x384xf32>, vector<1024x384xf32> -> vector<1024x384xf32>
    %get3A_23 = arith.constant 0 : index
    %get3A_24 = arith.constant 0 : index
    %get3A_25 = vector.load %arg7[%get3A_23, %get3A_24] : memref<1x384xf32, #tpu.memory_space<vmem>>, vector<1x384xf32>
    %add3A_26 = vector.broadcast %get3A_25 : vector<1x384xf32> to vector<1024x384xf32>
    %add3A_27 = arith.addf %dot_general3A_22, %add3A_26 : vector<1024x384xf32>
    %get3A_28 = arith.constant 0 : index
    %get3A_29 = arith.constant 0 : index
    %get3A_30 = vector.load %arg8[%get3A_28, %get3A_29] : memref<128x384xf32, #tpu.memory_space<vmem>>, vector<128x384xf32>
    %dot_general3A_31 = arith.constant dense<0.000000e+00> : vector<1024x384xf32>
    %dot_general3A_32 = tpu.matmul %add3A_17, %get3A_30, %dot_general3A_31 {dimension_numbers = #tpu.dot_dimension_numbers<[1], [0], [0], [1], [0, 0, 1, 1], [], []>, transpose_lhs_hint = false} : vector<1024x128xf32>, vector<128x384xf32>, vector<1024x384xf32> -> vector<1024x384xf32>
    %get3A_33 = arith.constant 0 : index
    %get3A_34 = arith.constant 0 : index
    %get3A_35 = vector.load %arg9[%get3A_33, %get3A_34] : memref<1x384xf32, #tpu.memory_space<vmem>>, vector<1x384xf32>
    %add3A_36 = vector.broadcast %get3A_35 : vector<1x384xf32> to vector<1024x384xf32>
    %add3A_37 = arith.addf %dot_general3A_32, %add3A_36 : vector<1024x384xf32>
    %slice3A = vector.extract_strided_slice %add3A_27 {offsets = [0, 0], sizes = [1024, 128], strides = [1, 1]} : vector<1024x384xf32> to vector<1024x128xf32>
    %slice3A_38 = vector.extract_strided_slice %add3A_37 {offsets = [0, 0], sizes = [1024, 128], strides = [1, 1]} : vector<1024x384xf32> to vector<1024x128xf32>
    %add3A_39 = arith.addf %slice3A, %slice3A_38 : vector<1024x128xf32>
    %logistic3A = arith.negf %add3A_39 : vector<1024x128xf32>
    %logistic3A_40 = math.exp %logistic3A : vector<1024x128xf32>
    %logistic3A_41 = arith.constant 1.000000e+00 : f32
    %logistic3A_42 = vector.broadcast %logistic3A_41 : f32 to vector<1024x128xf32>
    %logistic3A_43 = arith.addf %logistic3A_42, %logistic3A_40 : vector<1024x128xf32>
    %logistic3A_44 = arith.divf %logistic3A_42, %logistic3A_43 : vector<1024x128xf32>
    %slice3A_45 = vector.extract_strided_slice %add3A_27 {offsets = [0, 128], sizes = [1024, 128], strides = [1, 1]} : vector<1024x384xf32> to vector<1024x128xf32>
    %slice3A_46 = vector.extract_strided_slice %add3A_37 {offsets = [0, 128], sizes = [1024, 128], strides = [1, 1]} : vector<1024x384xf32> to vector<1024x128xf32>
    %add3A_47 = arith.addf %slice3A_45, %slice3A_46 : vector<1024x128xf32>
    %logistic3A_48 = arith.negf %add3A_47 : vector<1024x128xf32>
    %logistic3A_49 = math.exp %logistic3A_48 : vector<1024x128xf32>
    %logistic3A_50 = arith.constant 1.000000e+00 : f32
    %logistic3A_51 = vector.broadcast %logistic3A_50 : f32 to vector<1024x128xf32>
    %logistic3A_52 = arith.addf %logistic3A_51, %logistic3A_49 : vector<1024x128xf32>
    %logistic3A_53 = arith.divf %logistic3A_51, %logistic3A_52 : vector<1024x128xf32>
    %slice3A_54 = vector.extract_strided_slice %add3A_27 {offsets = [0, 256], sizes = [1024, 128], strides = [1, 1]} : vector<1024x384xf32> to vector<1024x128xf32>
    %slice3A_55 = vector.extract_strided_slice %add3A_37 {offsets = [0, 256], sizes = [1024, 128], strides = [1, 1]} : vector<1024x384xf32> to vector<1024x128xf32>
    %mul3A_56 = arith.mulf %logistic3A_44, %slice3A_55 : vector<1024x128xf32>
    %add3A_57 = arith.addf %slice3A_54, %mul3A_56 : vector<1024x128xf32>
    %tanh3A = math.tanh %add3A_57 : vector<1024x128xf32>
    %sub3A = arith.constant 1.000000e+00 : f32
    %sub3A_58 = vector.broadcast %sub3A : f32 to vector<1024x128xf32>
    %sub3A_59 = arith.subf %sub3A_58, %logistic3A_53 : vector<1024x128xf32>
    %mul3A_60 = arith.mulf %sub3A_59, %tanh3A : vector<1024x128xf32>
    %mul3A_61 = arith.mulf %logistic3A_53, %add3A_17 : vector<1024x128xf32>
    %add3A_62 = arith.addf %mul3A_60, %mul3A_61 : vector<1024x128xf32>
    %swap3A = arith.constant 0 : index
    %swap3A_63 = arith.constant 0 : index
    %swap3A_64 = vector.load %arg10[%swap3A, %swap3A_63] : memref<1024x128xf32, #tpu.memory_space<vmem>>, vector<1024x128xf32>
    tpu.vector_store %arg10[%swap3A, %swap3A_63], %add3A_62 {strides = array<i32>} : memref<1024x128xf32, #tpu.memory_space<vmem>>, vector<1024x128xf32>,
    return
  }
  func.func @transform_0(%arg0: i32) -> (i32, i32) {
    %c0_i32 = arith.constant 0 : i32
    %c0_i32_0 = arith.constant 0 : i32
    return %arg0, %c0_i32 : i32, i32
  }
  func.func @transform_1(%arg0: i32) -> (i32, i32) {
    %c0_i32 = arith.constant 0 : i32
    %c0_i32_0 = arith.constant 0 : i32
    return %arg0, %c0_i32 : i32, i32
  }
  func.func @transform_2(%arg0: i32) -> (i32, i32) {
    %c0_i32 = arith.constant 0 : i32
    %c0_i32_0 = arith.constant 0 : i32
    return %arg0, %c0_i32 : i32, i32
  }
  func.func @transform_3(%arg0: i32) -> (i32, i32) {
    %c0_i32 = arith.constant 0 : i32
    %c0_i32_0 = arith.constant 0 : i32
    %c0_i32_1 = arith.constant 0 : i32
    return %c0_i32, %c0_i32_0 : i32, i32
  }
  func.func @transform_4(%arg0: i32) -> (i32, i32) {
    %c0_i32 = arith.constant 0 : i32
    %c0_i32_0 = arith.constant 0 : i32
    %c0_i32_1 = arith.constant 0 : i32
    return %c0_i32, %c0_i32_0 : i32, i32
  }
  func.func @transform_5(%arg0: i32) -> (i32, i32) {
    %c0_i32 = arith.constant 0 : i32
    %c0_i32_0 = arith.constant 0 : i32
    %c0_i32_1 = arith.constant 0 : i32
    return %c0_i32, %c0_i32_0 : i32, i32
  }
  func.func @transform_6(%arg0: i32) -> (i32, i32) {
    %c0_i32 = arith.constant 0 : i32
    %c0_i32_0 = arith.constant 0 : i32
    %c0_i32_1 = arith.constant 0 : i32
    return %c0_i32, %c0_i32_0 : i32, i32
  }
  func.func @transform_7(%arg0: i32) -> (i32, i32) {
    %c0_i32 = arith.constant 0 : i32
    %c0_i32_0 = arith.constant 0 : i32
    %c0_i32_1 = arith.constant 0 : i32
    return %c0_i32, %c0_i32_0 : i32, i32
  }
  func.func @transform_8(%arg0: i32) -> (i32, i32) {
    %c0_i32 = arith.constant 0 : i32
    %c0_i32_0 = arith.constant 0 : i32
    %c0_i32_1 = arith.constant 0 : i32
    return %c0_i32, %c0_i32_0 : i32, i32
  }
  func.func @transform_9(%arg0: i32) -> (i32, i32) {
    %c0_i32 = arith.constant 0 : i32
    %c0_i32_0 = arith.constant 0 : i32
    return %arg0, %c0_i32 : i32, i32
  }
}

</mosaic_0001>

<sc_bundles>
// kernel: kernel.12.cloned.1.call-start
scs
__scs_entry_jumppad:
0x0: {  	(pc) =	sbr.rel $0x88, $3  }
0x1: {  	(tag) =	ssettag $0x0;
	lr =	simm.s32 $0x1  }
0x2: {  	[smem:$0x3F94] =	sst lr;
	_ =	strace $0xD0000000  }
0x3: {  	_ = 	snop  }
0x4: {  	_ = 	snop  }
0x5: {  	_ = 	snop  }
0x6: {  	_ = 	snop  }
0x7: {  	_ = 	snop  }
__scs_overlays_trampoline_lowered:
0x8: {  	[smem:$0x3FA3] =	sst s0  }
0x9: {  	[smem:$0x3FA4] =	sst s1  }
0xa: {  	[smem:$0x3FA5] =	sst s2  }
0xb: {  	[smem:$0x3FA6] =	sst s3  }
0xc: {  	[smem:$0x3FA7] =	sst s4  }
0xd: {  	[smem:$0x3FA8] =	sst s5  }
0xe: {  	[smem:$0x3FA9] =	sst s6  }
0xf: {  	[smem:$0x3FAA] =	sst s7  }
0x10: {  	[smem:$0x3FAB] =	sst s8  }
0x11: {  	[smem:$0x3FAC] =	sst s9;
	s0 =	simm.s32 @!p0 $0x0  }
0x12: {  	s1 =	sld [smem:$0x3F92];
	s0 =	simm.s32 @p0 $0x1  }
0x13: {  	[smem:$0x3FAD] =	sst s0;
	s0 =	simm.s32 @!p1 $0x0  }
0x14: {  	s2 =	sld [smem:$0x3F91];
	s0 =	simm.s32 @p1 $0x1  }
0x15: {  	[smem:$0x3FAE] =	sst s0;
	s0 =	simm.s32 @!p2 $0x0  }
0x16: {  	s3 =	sld [smem:$0x3FDB];
	s0 =	simm.s32 @p2 $0x1  }
0x17: {  	s4 =	simm.s32 $0x1BF5;
	[smem:$0x3FB0] =	sst s0  }
0x18: {  	s0 =	sld [smem:$0x3F93];
	_ =	swait.ge [sflag:s4], $0x0  }
0x19: {  	s7 =	sld [smem:$0x3F94]  }
0x1a: {  	s8 =	sadd.s32 $0xFFFFE003, lr  }
0x1b: {  	s9 =	sadd.s32 $0xFFFFFEF7, lr;
	s5 =	simm.s32 $0xFFFFFFFF;
	p2 =	slt.u32 s8, $0xFFFFF086  }
0x1c: {  	p1 =	slt.u32 s9, $0xF7A;
	s5 =	simm.s32 @!p2 $0x0  }
0x1d: {  	s5 =	simm.s32 @p1 $0x1;
	p0 =	seq.s32 s7, s2  }
0x1e: {  	s7 =	smul.u32 @!p0 $0xF7A, s2;
	p2 =	seq.s32 @!p0 s5, $0x0  }
0x1f: {  	s9 =	smul.u32 $0xF7A, s1;
	s8 =	simm.s32 @!p0 $0x1BF5;
	p2 =	por !p2, p0  }
0x20: {  	[sflag:s8] =	ssyncset.s32 @!p0 $0xFFFFF086;
	s6 =	sadd.s32 @!p0 s3, s7;
	s7 =	simm.s32 @!p0 $0x108  }
0x21: {  	s3 =	sadd.s32 s3, s9;
	s6 =	sadd.s32 @!p0 $0x88, s6;
	s7 =	simm.s32 @p2 $0x1082  }
0x22: {  	[simem:s7], [sflag:s8] =	dma.local @!p0 [hbm:s6], $0xF7A  }
0x23: {  	s9 =	sor.u32 $0xD0000000, s2;
	s6 =	simm.s32 $0x108;
	_ =	swait.ge @!p0 [sflag:s8], $0x0  }
0x24: {  	s3 =	sadd.s32 $0x88, s3;
	s6 =	simm.s32 @!p1 $0x1082;
	[sflag:s4] =	ssyncset.s32 $0xFFFFF086  }
0x25: {  	[simem:s6], [sflag:s4] =	dma.local [hbm:s3], $0xF7A  }
0x26: {  	[smem:$0x3F94] =	sst s1;
	(tag) =	ssettag s2;
	_ =	strace s9  }
0x27: {  	s1 =	sld [smem:$0x3FA4]  }
0x28: {  	s2 =	sld [smem:$0x3FA5]  }
0x29: {  	s4 =	sld [smem:$0x3FA7]  }
0x2a: {  	p0 =	seq.s32 s5, $0x0;
	s5 =	sld [smem:$0x3FA8]  }
0x2b: {  	s6 =	sld [smem:$0x3FA9]  }
0x2c: {  	s7 =	sld [smem:$0x3FAA]  }
0x2d: {  	s3 =	simm.s32 $0x108;
	s8 =	sld [smem:$0x3FAB]  }
0x2e: {  	s3 =	simm.s32 @!p0 $0x1082;
	s9 =	sld [smem:$0x3FAC]  }
0x2f: {  	lr =	sadd.s32 s0, s3;
	s0 =	sld [smem:$0x3FA3]  }
0x30: {  	s3 =	sld [smem:$0x3FA6]  }
0x31: {  	[smem:$0x3FAF] =	sst s10  }
0x32: {  	s10 =	sld [smem:$0x3FAD];
	_ =	sdelay $0x3  }
0x33: {  	p0 =	seq.s32 s10, $0x1;
	s10 =	sld [smem:$0x3FAF];
	_ =	sdelay $0x3  }
0x34: {  	[smem:$0x3FAF] =	sst s10  }
0x35: {  	s10 =	sld [smem:$0x3FAE];
	_ =	sdelay $0x3  }
0x36: {  	p1 =	seq.s32 s10, $0x1;
	s10 =	sld [smem:$0x3FAF];
	_ =	sdelay $0x3  }
0x37: {  	[smem:$0x3FAF] =	sst s10  }
0x38: {  	s10 =	sld [smem:$0x3FB0]  }
0x39: {  	_ = 	snop;
	(pc) =	sbr.ind lr, $3  }
0x3a: {  	_ = 	snop  }
0x3b: {  	_ = 	snop  }
0x3c: {  	p2 =	seq.s32 s10, $0x1;
	s10 =	sld [smem:$0x3FAF]  }
0x3d: {  	_ =	shalt  }
0x3e: {  	_ =	shalt  }
0x3f: {  	_ =	shalt  }
0x40: {  	_ =	shalt  }
0x41: {  	_ =	shalt  }
0x42: {  	_ =	shalt  }
0x43: {  	_ =	shalt  }
0x44: {  	_ =	shalt  }
0x45: {  	_ =	shalt  }
0x46: {  	_ =	shalt  }
0x47: {  	_ =	shalt  }
0x48: {  	_ =	shalt  }
0x49: {  	_ =	shalt  }
0x4a: {  	_ =	shalt  }
0x4b: {  	_ =	shalt  }
0x4c: {  	_ =	shalt  }
0x4d: {  	_ =	shalt  }
0x4e: {  	_ =	shalt  }
0x4f: {  	_ =	shalt  }
0x50: {  	_ =	shalt  }
0x51: {  	_ =	shalt  }
0x52: {  	_ =	shalt  }
0x53: {  	_ =	shalt  }
0x54: {  	_ =	shalt  }
0x55: {  	_ =	shalt  }
0x56: {  	_ =	shalt  }
0x57: {  	_ =	shalt  }
0x58: {  	_ =	shalt  }
0x59: {  	_ =	shalt  }
0x5a: {  	_ =	shalt  }
0x5b: {  	_ =	shalt  }
0x5c: {  	_ =	shalt  }
0x5d: {  	_ =	shalt  }
0x5e: {  	_ =	shalt  }
0x5f: {  	_ =	shalt  }
0x60: {  	_ =	shalt  }
0x61: {  	_ =	shalt  }
0x62: {  	_ =	shalt  }
0x63: {  	_ =	shalt  }
0x64: {  	_ =	shalt  }
0x65: {  	_ =	shalt  }
0x66: {  	_ =	shalt  }
0x67: {  	_ =	shalt  }
0x68: {  	_ =	shalt  }
0x69: {  	_ =	shalt  }
0x6a: {  	_ =	shalt  }
0x6b: {  	_ =	shalt  }
0x6c: {  	_ =	shalt  }
0x6d: {  	_ =	shalt  }
0x6e: {  	_ =	shalt  }
0x6f: {  	_ =	shalt  }
0x70: {  	_ =	shalt  }
0x71: {  	_ =	shalt  }
0x72: {  	_ =	shalt  }
0x73: {  	_ =	shalt  }
0x74: {  	_ =	shalt  }
0x75: {  	_ =	shalt  }
0x76: {  	_ =	shalt  }
0x77: {  	_ =	shalt  }
0x78: {  	_ =	shalt  }
0x79: {  	_ =	shalt  }
0x7a: {  	_ =	shalt  }
0x7b: {  	_ =	shalt  }
0x7c: {  	_ =	shalt  }
0x7d: {  	_ =	shalt  }
0x7e: {  	_ =	shalt  }
0x7f: {  	_ =	shalt  }
0x80: {  	_ =	shalt  }
0x81: {  	_ =	shalt  }
0x82: {  	_ =	shalt  }
0x83: {  	_ =	shalt  }
0x84: {  	_ =	shalt  }
0x85: {  	_ =	shalt  }
0x86: {  	_ =	shalt  }
0x87: {  	_ =	shalt  }
.Lfunc_end0:
.L_simem_size_0:
called_computation.1_lowered:
.L_overlay_start_0:
0x88: {  	s2 =	sld [smem:$0x3FD9]  }
0x89: {  	s3 =	sld [smem:$0x3FFE];
	_ =	sdelay $0x1  }
0x8a: {  	s1 =	srdreg.scid  }
0x8b: {  	s0 =	sand.u32 $0x1, s1  }
0x8c: {  	s17 =	sshll.u32 s0, $0xA;
	s2 =	sadd.s32 s3, s2  }
0x8d: {  	s2 =	sadd.s32 s2, s17  }
0x8e: {  	[smem:$0x3FBB] =	sst s2  }
0x8f: {  	_ = 	snop  }
0x90: {  	s2 =	sld [smem:$0x3FD0];
	(tm) =	ssettm $0x1  }
0x91: {  	s18 =	sld [smem:$0x3FFB];
	_ =	sdelay $0x3  }
0x92: {  	_ =	strace s18  }
0x93: {  	s3 =	sld [smem:$0x3FFC];
	_ =	sdelay $0x3  }
0x94: {  	_ =	strace s3  }
0x95: {  	s3 =	sld [smem:$0x3FFD];
	_ =	sdelay $0x3  }
0x96: {  	_ =	strace s3  }
0x97: {  	_ =	strace $0x8FFFFFFF  }
0x98: {  	s19 =	sld [smem:$0x3FDB];
	_ =	sdelay $0x1  }
0x99: {  	s4 =	simm.s32 $_scs_section_size  }
0x9a: {  	s5 =	simm.s32 $_size__tile_overlayer_lowered;
	s6 =	simm.s32 $_tile_overlayer_lowered  }
0x9b: {  	s22 =	simm.s32 $0x1BFF;
	s21 =	sshll.u32 s6, $0x1;
	s3 =	sadd.s32 s4, s19  }
0x9c: {  	s7 =	simm.s32 $0x0;
	s20 =	sshll.u32 s5, $0x1;
	s5 =	sadd.s32 s21, s3  }
0x9d: {  	[timem:s7], [sflag:s22] =	dma.local [hbm:s5], s20  }
0x9e: {  	_ =	swait.ge [sflag:s22], s20  }
0x9f: {  	s4 =	ssub.s32 $0x0, s20;
	[sflag:s22] =	ssyncset.done $0x0  }
0xa0: {  	[sflag:s22] =	ssyncadd.s32 s4;
	_ =	sdelay $0x1  }
0xa1: {  	s23 =	simm.s32 $0x1B8B  }
0xa2: {  	_ =	swait.ge [sflag:s23], $0x1  }
0xa3: {  	[sflag:s23] =	ssyncset.done $0x0  }
0xa4: {  	s25 =	simm.s32 $0x1B8E;
	s24 =	sld [smem:$0x3FFE];
	[sflag:s23] =	ssyncadd.s32 $0xFFFFFFFF  }
0xa5: {  	s26 =	simm.s32 $execute0_lowered;
	[smem:$0x3FD2] =	sst s25  }
0xa6: {  	s5 =	sshll.u32 s26, $0x1;
	_ =	strace $0x80000049;
	[dreg:$0x1] =	wrdreg $0xFFFFFFFF  }
0xa7: {  	s28 =	simm.s32 $_size_execute0_lowered;
	s3 =	sadd.s32 s3, s5;
	[dreg:$0x0] =	wrdreg $0x0  }
0xa8: {  	s5 =	sshll.u32 s28, $0x1;
	[dreg:$0x2] =	wrdreg s3  }
0xa9: {  	[dreg:$0x3] =	wrdreg s5  }
0xaa: {  	[dreg:$0x4] =	wrdreg $0xC0  }
0xab: {  	_ =	task [dreg:s7], $0x5FFFF  }
0xac: {  	[dreg:$0x1] =	wrdreg $0xFFFFFFFF  }
0xad: {  	[dreg:$0x0] =	wrdreg $0x60  }
0xae: {  	[dreg:$0x2] =	wrdreg s24  }
0xaf: {  	[dreg:$0x3] =	wrdreg s2  }
0xb0: {  	[dreg:$0x4] =	wrdreg $0x151800  }
0xb1: {  	[dreg:$0x5] =	wrdreg $0x9  }
0xb2: {  	_ =	task.clear_ibuf [dreg:s7], $0x6FFFF;
	_ =	strace $0x90000049  }
0xb3: {  	s29 =	simm.s32 $0x9;
	_ =	strace $0x8000004B  }
0xb4: {  	_ =	swait.ge [sflag:s29], $0x1  }
0xb5: {  	[sflag:s29] =	ssyncadd.s32 $0xFFFFFFFF  }
0xb6: {  	_ =	strace $0x9000004B  }
0xb7: {  	_ =	sfence  }
0xb8: {  	s30 =	sld [smem:$0x0];
	_ =	sdelay $0x2  }
0xb9: {  	s31 =	sshll.u32 s1, $0xD;
	s1 =	sshrl.u32 s1, $0x2  }
0xba: {  	s3 =	sand.u32 $0x4000, s31;
	s1 =	sadd.s32 s1, s30  }
0xbb: {  	s0 =	sor.u32 s3, s0;
	s1 =	sshll.u32 s1, $0x11  }
0xbc: {  	s0 =	sor.u32 s1, s0  }
0xbd: {  	s0 =	sadd.s32 $0x8F2B, s0  }
0xbe: {  	[sflag:s0] =	ssyncadd.remote.s32 $0x1  }
0xbf: {  	_ =	sfence.sel $0xFFFF  }
0xc0: {  	[dreg:$0x0] =	wrdreg $0xFFFFFFFF;
	(pc) =	sbr.abs _section_cstart, $3  }
0xc1: {  	[dreg:$0x1] =	wrdreg $0xFFFFFFFF  }
0xc2: {  	_ =	task.clear_ibuf [dreg:s7], $0x2FFFF;
	_ =	strace $0x9FFFFFFF  }
0xc3: {  	(tm) =	ssettm $0x7FFFFFFF  }
tec
execute0_lowered:
.L_overlay_start_1:
0x0: {  	(tag) =	ssettag $0x1  }
0x1: {  	s0 =	rddreg [dreg:$0x0]  }
0x2: {  	s1 =	rddreg [dreg:$0x1]  }
0x3: {  	s2 =	rddreg [dreg:$0x2];
	s7 =	simm.s32 $0x0  }
0x4: {  	s3 =	srdreg.scid;
	s11 =	stileid.u32;
	s28 =	simm.s32 $0x5180  }
0x5: {  	s30 =	simm.s32 $0x7180;
	s29 =	simm.s32 $0xF180;
	s31 =	simm.s32 $0x1  }
0x6: {  	s3 =	sand.u32 $0x1, s3;
	s4 =	sshll.u32 s11, $0x1;
	s5 =	sshrl.u32 s11, $0x3  }
0x7: {  	s12 =	sshll.u32 s11, $0x7;
	[smem:$0x7FF] =	sst s7;
	s11 =	smul.u32 $0x28000, s11  }
0x8: {  	s6 =	sor.u32 s3, s4;
	s10 =	smul.u32 $0x14000, s5;
	s5 =	sand.u32 $0x380, s12  }
0x9: {  	_ =	strace $0x8000004A;
	s4 =	sadd.s32 $0x9A00, s0;
	s13 =	smul.u32 $0x28, s6  }
0xa: {  	s3 =	ssub.s32 $0x2, s3;
	s12 =	simm.s32 $0xA;
	s9 =	smul.u32 $0x1400, s6  }
0xb: {  	s8 =	sshrl.u32 s3, $0x1;
	s14 =	smul.u32 $0x500, s6;
	s15 =	sshrl.u32 s11, $0x2  }
0xc: {  	s6 =	smul.u32 $0xA000, s6;
	s11 =	simm.s32 $0x5;
	s5 =	sor.u32 s5, s10  }
0xd: {  	s10 =	sadd.s32 $0x31A00, s0;
	s3 =	ssub.s32 s3, s8;
	s8 =	sadd.s32 s15, s2  }
0xe: {  	s15 =	simm.s32 $0x7;
	s7 =	sadd.s32 s13, s0;
	s5 =	sshrl.u32 s5, $0x3  }
0xf: {  	s1 =	sadd.s32 s1, s14;
	s17 =	sadd.s32 $0x2000, s8;
	s18 =	sadd.s32 $0x4000, s8  }
0x10: {  	s19 =	sshrl.u32 s6, $0x3;
	s20 =	sadd.s32 $0x6000, s8;
	[dreg:$0x5] =	wrdreg s1  }
0x11: {  	s21 =	sadd.s32 $0x8000, s8;
	s22 =	sadd.s32 s10, s9;
	[dreg:$0x7] =	wrdreg s17  }
0x12: {  	s26 =	smax.u32 s3, $0x1;
	s3 =	simm.s32 $0x2;
	[dreg:$0x8] =	wrdreg s18  }
0x13: {  	s6 =	simm.s32 $0xD180;
	s13 =	simm.s32 $0x6;
	[dreg:$0x9] =	wrdreg s20  }
0x14: {  	s14 =	simm.s32 $0xB;
	s5 =	sadd.s32 s5, s0;
	[dreg:$0xa] =	wrdreg s21  }
0x15: {  	s0 =	sadd.s32 s9, s0;
	s7 =	sadd.s32 $0x4400, s7;
	[dreg:$0xb] =	wrdreg s22  }
0x16: {  	s1 =	sadd.s32 s10, s19;
	[dreg:$0x11] =	wrdreg s26;
	s20 =	simm.s32 $0xD  }
0x17: {  	s18 =	simm.s32 $0x180;
	[dreg:$0x4] =	wrdreg s7;
	s16 =	sadd.s32 $0x4A00, s5  }
0x18: {  	s19 =	simm.s32 $0x80;
	s23 =	sadd.s32 $0x400, s1;
	[dreg:$0x6] =	wrdreg s16  }
0x19: {  	s26 =	simm.s32 $0x40;
	s24 =	sadd.s32 $0x800, s1;
	[dreg:$0xc] =	wrdreg s23  }
0x1a: {  	s9 =	simm.s32 $0x4;
	s25 =	sadd.s32 $0xC00, s1;
	[dreg:$0xd] =	wrdreg s24  }
.Ltmp0:
0x1b: {  	s1 =	sadd.s32 $0x1000, s1;
	[dreg:$0xe] =	wrdreg s25;
	(pc) =	sbr.rel .LBB2_1-.Ltmp0, $4  }
0x1c: {  	s21 =	simm.s32 $0x0;
	s0 =	sadd.s32 $0x59A00, s0;
	[dreg:$0xf] =	wrdreg s1  }
0x1d: {  	s5 =	simm.s32 $0x3;
	s7 =	simm.s32 $0x8;
	[dreg:$0x10] =	wrdreg s0  }
0x1e: {  	s24 =	simm.s32 $0x2980;
	s25 =	simm.s32 $0x13180;
	s0 =	simm.s32 $0x9180  }
0x1f: {  	v0 =	vimm.f32 $0.0e+00;
	s23 =	simm.s32 $0xB180;
	s1 =	simm.s32 $0x11180;
	s16 =	simm.s32 $0xC  }
.LBB2_6:
0x20: {  	_ =	swait.ge [sflag:s14], $0x2000  }
0x21: {  	[sflag:s14] =	ssyncset.done $0x0  }
0x22: {  	[sflag:s14] =	ssyncadd.s32 $0xFFFFE000  }
0x23: {  	_ =	swait.ge [sflag:s15], $0x2000  }
0x24: {  	[sflag:s15] =	ssyncset.done $0x0  }
0x25: {  	s10 =	sadd.s32 $0x2BC0, s22;
	[sflag:s15] =	ssyncadd.s32 $0xFFFFE000  }
0x26: {  	[spmem:s2] =	stream.indirect.scatter.add.f32 [tilespmem:s6], [sflag:$0xC], $0x80, s10, s26, $0xb8;
	[tilespmem:$0x1F180] =	vst v63  }
0x27: {  	_ =	swait.ge [sflag:s16], $0x2000  }
0x28: {  	[sflag:s16] =	ssyncset.done $0x0  }
0x29: {  	[sflag:s16] =	ssyncadd.s32 $0xFFFFE000  }
0x2a: {  	_ =	swait.ge [sflag:s3], $0x2000  }
0x2b: {  	[sflag:s3] =	ssyncset.done $0x0  }
0x2c: {  	[sflag:s3] =	ssyncadd.s32 $0xFFFFE000  }
0x2d: {  	s22 =	stileid.u32;
	_ =	swait.ge [sflag:s3], $0x2000  }
0x2e: {  	s17 =	sshrl.u32 s8, $0x3;
	s10 =	sshll.u32 s22, $0x6;
	[sflag:s3] =	ssyncset.done $0x0  }
0x2f: {  	s10 =	sor.u32 $0x1C0D, s10;
	s18 =	rddreg [dreg:$0x10];
	[sflag:s3] =	ssyncadd.s32 $0xFFFFE000  }
0x30: {  	[hbm:s18], [sflag:s10] =	dma.local [spmem:s17], $0x1400  }
0x31: {  	_ =	swait.ge [sflag:s20], $0x1400  }
0x32: {  	s21 =	sadd.s32 $0x1, s21;
	s24 =	rddreg [dreg:$0x11]  }
0x33: {  	p0 =	sne.s32 s21, s24  }
.Ltmp1:
0x34: {  	_ = 	snop;
	(pc) =	sbr.rel @!p0 .LBB2_7-.Ltmp1, $3  }
0x35: {  	_ =	sdelay $0x1  }
0x36: {  	s19 =	simm.s32 $0x80;
	[sflag:s20] =	ssyncset.done $0x0  }
0x37: {  	s18 =	simm.s32 $0x180;
	[sflag:s20] =	ssyncadd.s32 $0xFFFFEC00;
	s24 =	simm.s32 $0x2980  }
.LBB2_1:
0x38: {  	s10 =	simm.s32 $0x0;
	s17 =	rddreg [dreg:$0x4]  }
0x39: {  	[tilespmem:s10], [sflag:$0xD] =	stream.linear.gather [hbm4b:s17+s10], $0x140, $0x38;
	[tilespmem:$0x1F180] =	vst v63  }
0x3a: {  	_ =	swait.ge [sflag:s20], $0x140  }
0x3b: {  	[sflag:s20] =	ssyncset.done $0x0  }
0x3c: {  	s22 =	rddreg [dreg:$0x5];
	[sflag:s20] =	ssyncadd.s32 $0xFFFFFEC0  }
0x3d: {  	[tilespmem:s18], [sflag:$0xD] =	stream.linear.gather [hbm4b:s22+s10], $0x2800, $0x38;
	[tilespmem:$0x1F180] =	vst v63  }
0x3e: {  	_ =	swait.ge [sflag:s20], $0x2800  }
0x3f: {  	[sflag:s20] =	ssyncset.done $0x0  }
0x40: {  	s22 =	simm.s32 $0x400;
	s17 =	rddreg [dreg:$0x6];
	[sflag:s20] =	ssyncadd.s32 $0xFFFFD800  }
0x41: {  	[tilespmem:s24], [sflag:$0xD] =	stream.strided.gather [hbm4b:s17+s19], $0x2800, s22, s19, $0x38;
	[tilespmem:$0x1F180] =	vst v63  }
0x42: {  	_ =	swait.ge [sflag:s20], $0x2800  }
0x43: {  	[sflag:s20] =	ssyncset.done $0x0  }
0x44: {  	s17 =	simm.s32 $0x0;
	s22 =	simm.s32 $0x200;
	[sflag:s20] =	ssyncadd.s32 $0xFFFFD800  }
.LBB2_2:
0x45: {  	p0 =	sne.s32 s22, $0x7E00;
	[tilespmem:s17+$0x131F0] =	vst v0  }
0x46: {  	[tilespmem:s17+$0x13180] =	vst v0  }
0x47: {  	[tilespmem:s17+$0x13190] =	vst v0  }
.Ltmp2:
0x48: {  	[tilespmem:s17+$0x131A0] =	vst v0;
	(pc) =	sbr.rel @p0 .LBB2_2-.Ltmp2, $4  }
0x49: {  	[tilespmem:s17+$0x131B0] =	vst v0  }
0x4a: {  	[tilespmem:s17+$0x131C0] =	vst v0  }
0x4b: {  	[tilespmem:s17+$0x131D0] =	vst v0  }
0x4c: {  	[tilespmem:s17+$0x131E0] =	vst v0;
	s17 =	sshra.s32 s22, $0x2;
	s22 =	sadd.s32 $0x200, s22  }
0x4d: {  	[tilespmem:s17+$0x131F0] =	vst v0  }
0x4e: {  	[tilespmem:s17+$0x13180] =	vst v0  }
0x4f: {  	[tilespmem:s17+$0x13190] =	vst v0  }
0x50: {  	[tilespmem:s17+$0x131A0] =	vst v0  }
0x51: {  	[tilespmem:s17+$0x131B0] =	vst v0  }
0x52: {  	[tilespmem:s17+$0x131C0] =	vst v0  }
0x53: {  	[tilespmem:s17+$0x131D0] =	vst v0  }
0x54: {  	[tilespmem:s17+$0x131E0] =	vst v0  }
0x55: {  	[spmem:s8] =	stream.linear.scatter [tilespmem:s25], [sflag:$0xD], $0x2000, $0x38;
	[tilespmem:$0x1F180] =	vst v63  }
0x56: {  	_ =	swait.ge [sflag:s20], $0x2000  }
0x57: {  	[sflag:s20] =	ssyncset.done $0x0  }
0x58: {  	s10 =	rddreg [dreg:$0x7];
	[sflag:s20] =	ssyncadd.s32 $0xFFFFE000  }
0x59: {  	[spmem:s10] =	stream.linear.scatter [tilespmem:s25], [sflag:$0xD], $0x2000, $0x38;
	[tilespmem:$0x1F180] =	vst v63  }
0x5a: {  	_ =	swait.ge [sflag:s20], $0x2000  }
0x5b: {  	[sflag:s20] =	ssyncset.done $0x0  }
0x5c: {  	s17 =	rddreg [dreg:$0x8];
	[sflag:s20] =	ssyncadd.s32 $0xFFFFE000  }
0x5d: {  	[spmem:s17] =	stream.linear.scatter [tilespmem:s25], [sflag:$0xD], $0x2000, $0x38;
	[tilespmem:$0x1F180] =	vst v63  }
0x5e: {  	_ =	swait.ge [sflag:s20], $0x2000  }
0x5f: {  	[sflag:s20] =	ssyncset.done $0x0  }
0x60: {  	s22 =	rddreg [dreg:$0x9];
	[sflag:s20] =	ssyncadd.s32 $0xFFFFE000  }
0x61: {  	[spmem:s22] =	stream.linear.scatter [tilespmem:s25], [sflag:$0xD], $0x2000, $0x38;
	[tilespmem:$0x1F180] =	vst v63  }
0x62: {  	_ =	swait.ge [sflag:s20], $0x2000  }
0x63: {  	[sflag:s20] =	ssyncset.done $0x0  }
0x64: {  	s17 =	rddreg [dreg:$0xa];
	[sflag:s20] =	ssyncadd.s32 $0xFFFFE000  }
0x65: {  	[spmem:s17] =	stream.linear.scatter [tilespmem:s25], [sflag:$0xD], $0x2000, $0x38;
	[tilespmem:$0x1F180] =	vst v63  }
0x66: {  	_ =	swait.ge [sflag:s20], $0x2000  }
0x67: {  	[sflag:s20] =	ssyncset.done $0x0  }
0x68: {  	[sflag:s20] =	ssyncadd.s32 $0xFFFFE000  }
0x69: {  	[tilespmem:s28], [sflag:$0x3] =	stream.indirect.gather [hbm4b:s4+s26], $0x80, s18, s26, $0xb8;
	[tilespmem:$0x1F180] =	vst v63  }
0x6a: {  	s18 =	simm.s32 $0x1C0  }
0x6b: {  	[tilespmem:s30], [sflag:$0x4] =	stream.indirect.gather [hbm4b:s4+s26], $0x80, s18, s26, $0xb8;
	[tilespmem:$0x1F180] =	vst v63  }
0x6c: {  	s22 =	simm.s32 $0x200  }
0x6d: {  	[tilespmem:s0], [sflag:$0x5] =	stream.indirect.gather [hbm4b:s4+s26], $0x80, s22, s26, $0xb8;
	[tilespmem:$0x1F180] =	vst v63  }
0x6e: {  	s17 =	simm.s32 $0x240  }
0x6f: {  	[tilespmem:s23], [sflag:$0x6] =	stream.indirect.gather [hbm4b:s4+s26], $0x80, s17, s26, $0xb8;
	[tilespmem:$0x1F180] =	vst v63  }
0x70: {  	s17 =	simm.s32 $0x0  }
0x71: {  	[tilespmem:s29], [sflag:$0x1] =	stream.indirect.gather [hbm4b:s4+s26], $0x80, s17, s26, $0xb8;
	[tilespmem:$0x1F180] =	vst v63  }
0x72: {  	_ =	swait.ge [sflag:s31], $0x2000  }
0x73: {  	[sflag:s31] =	ssyncset.done $0x0  }
0x74: {  	s18 =	rddreg [dreg:$0xb];
	[sflag:s31] =	ssyncadd.s32 $0xFFFFE000  }
0x75: {  	[hbm4b:s18+s17] =	stream.linear.scatter [tilespmem:s29], [sflag:$0x2], $0x2000, $0x38;
	[tilespmem:$0x1F180] =	vst v63  }
0x76: {  	_ = 	snop  }
0x77: {  	[tilespmem:s1], [sflag:$0x1] =	stream.indirect.gather [hbm4b:s4+s26], $0x80, s26, s26, $0xb8;
	[tilespmem:$0x1F180] =	vst v63  }
0x78: {  	_ =	swait.ge [sflag:s31], $0x2000  }
0x79: {  	[sflag:s31] =	ssyncset.done $0x0  }
0x7a: {  	s22 =	rddreg [dreg:$0xc];
	[sflag:s31] =	ssyncadd.s32 $0xFFFFE000  }
0x7b: {  	[hbm4b:s22+s17] =	stream.linear.scatter [tilespmem:s1], [sflag:$0x2], $0x2000, $0x38;
	[tilespmem:$0x1F180] =	vst v63  }
0x7c: {  	_ =	swait.ge [sflag:s3], $0x2000  }
0x7d: {  	[sflag:s3] =	ssyncset.done $0x0  }
0x7e: {  	[sflag:s3] =	ssyncadd.s32 $0xFFFFE000  }
0x7f: {  	[tilespmem:s29], [sflag:$0x1] =	stream.indirect.gather [hbm4b:s4+s26], $0x80, s19, s26, $0xb8;
	[tilespmem:$0x1F180] =	vst v63  }
0x80: {  	_ =	swait.ge [sflag:s31], $0x2000  }
0x81: {  	[sflag:s31] =	ssyncset.done $0x0  }
0x82: {  	s18 =	rddreg [dreg:$0xd];
	[sflag:s31] =	ssyncadd.s32 $0xFFFFE000  }
0x83: {  	[hbm4b:s18+s17] =	stream.linear.scatter [tilespmem:s29], [sflag:$0x2], $0x2000, $0x38;
	[tilespmem:$0x1F180] =	vst v63  }
0x84: {  	_ =	swait.ge [sflag:s3], $0x2000  }
0x85: {  	[sflag:s3] =	ssyncset.done $0x0  }
0x86: {  	s19 =	simm.s32 $0xC0;
	[sflag:s3] =	ssyncadd.s32 $0xFFFFE000  }
0x87: {  	[tilespmem:s1], [sflag:$0x1] =	stream.indirect.gather [hbm4b:s4+s26], $0x80, s19, s26, $0xb8;
	[tilespmem:$0x1F180] =	vst v63  }
0x88: {  	_ =	swait.ge [sflag:s31], $0x2000  }
0x89: {  	[sflag:s31] =	ssyncset.done $0x0  }
0x8a: {  	s22 =	rddreg [dreg:$0xe];
	[sflag:s31] =	ssyncadd.s32 $0xFFFFE000  }
0x8b: {  	[hbm4b:s22+s17] =	stream.linear.scatter [tilespmem:s1], [sflag:$0x2], $0x2000, $0x38;
	[tilespmem:$0x1F180] =	vst v63  }
0x8c: {  	_ =	swait.ge [sflag:s3], $0x2000  }
0x8d: {  	[sflag:s3] =	ssyncset.done $0x0  }
0x8e: {  	s18 =	simm.s32 $0x100;
	[sflag:s3] =	ssyncadd.s32 $0xFFFFE000  }
0x8f: {  	[tilespmem:s29], [sflag:$0x1] =	stream.indirect.gather [hbm4b:s4+s26], $0x80, s18, s26, $0xb8;
	[tilespmem:$0x1F180] =	vst v63  }
0x90: {  	_ =	swait.ge [sflag:s31], $0x2000  }
0x91: {  	[sflag:s31] =	ssyncset.done $0x0  }
0x92: {  	s19 =	rddreg [dreg:$0xf];
	[sflag:s31] =	ssyncadd.s32 $0xFFFFE000  }
0x93: {  	[hbm4b:s19+s17] =	stream.linear.scatter [tilespmem:s29], [sflag:$0x2], $0x2000, $0x38;
	[tilespmem:$0x1F180] =	vst v63  }
0x94: {  	_ =	swait.ge [sflag:s5], $0x2000  }
0x95: {  	[sflag:s5] =	ssyncset.done $0x0  }
0x96: {  	[sflag:s5] =	ssyncadd.s32 $0xFFFFE000  }
0x97: {  	[spmem:s2] =	stream.indirect.scatter.add.f32 [tilespmem:s28], [sflag:$0x8], $0x80, s24, s26, $0xb8;
	[tilespmem:$0x1F180] =	vst v63  }
0x98: {  	s22 =	simm.s32 $0x280  }
0x99: {  	[tilespmem:s6], [sflag:$0x7] =	stream.indirect.gather [hbm4b:s4+s26], $0x80, s22, s26, $0xb8;
	[tilespmem:$0x1F180] =	vst v63  }
0x9a: {  	_ =	swait.ge [sflag:s7], $0x2000  }
0x9b: {  	[sflag:s7] =	ssyncset.done $0x0  }
0x9c: {  	[sflag:s7] =	ssyncadd.s32 $0xFFFFE000  }
0x9d: {  	_ =	swait.ge [sflag:s9], $0x2000  }
0x9e: {  	[sflag:s9] =	ssyncset.done $0x0  }
0x9f: {  	s24 =	simm.s32 $0x29C0;
	[sflag:s9] =	ssyncadd.s32 $0xFFFFE000  }
0xa0: {  	[spmem:s2] =	stream.indirect.scatter.add.f32 [tilespmem:s30], [sflag:$0x9], $0x80, s24, s26, $0xb8;
	[tilespmem:$0x1F180] =	vst v63  }
0xa1: {  	s18 =	simm.s32 $0x2C0;
	s19 =	simm.s32 $0x9  }
0xa2: {  	[tilespmem:s28], [sflag:$0x3] =	stream.indirect.gather [hbm4b:s4+s26], $0x80, s18, s26, $0xb8;
	[tilespmem:$0x1F180] =	vst v63  }
0xa3: {  	_ =	swait.ge [sflag:s19], $0x2000  }
0xa4: {  	[sflag:s19] =	ssyncset.done $0x0  }
0xa5: {  	[sflag:s19] =	ssyncadd.s32 $0xFFFFE000  }
0xa6: {  	_ =	swait.ge [sflag:s11], $0x2000  }
0xa7: {  	[sflag:s11] =	ssyncset.done $0x0  }
0xa8: {  	s22 =	simm.s32 $0x2A00;
	[sflag:s11] =	ssyncadd.s32 $0xFFFFE000  }
0xa9: {  	[spmem:s2] =	stream.indirect.scatter.add.f32 [tilespmem:s0], [sflag:$0xA], $0x80, s22, s26, $0xb8;
	[tilespmem:$0x1F180] =	vst v63  }
0xaa: {  	s24 =	simm.s32 $0x300  }
0xab: {  	[tilespmem:s30], [sflag:$0x4] =	stream.indirect.gather [hbm4b:s4+s26], $0x80, s24, s26, $0xb8;
	[tilespmem:$0x1F180] =	vst v63  }
0xac: {  	_ =	swait.ge [sflag:s12], $0x2000  }
0xad: {  	[sflag:s12] =	ssyncset.done $0x0  }
0xae: {  	[sflag:s12] =	ssyncadd.s32 $0xFFFFE000  }
0xaf: {  	_ =	swait.ge [sflag:s13], $0x2000  }
0xb0: {  	[sflag:s13] =	ssyncset.done $0x0  }
0xb1: {  	s18 =	simm.s32 $0x2A40;
	[sflag:s13] =	ssyncadd.s32 $0xFFFFE000  }
0xb2: {  	[spmem:s2] =	stream.indirect.scatter.add.f32 [tilespmem:s23], [sflag:$0xB], $0x80, s18, s26, $0xb8;
	[tilespmem:$0x1F180] =	vst v63  }
0xb3: {  	s19 =	simm.s32 $0x340  }
0xb4: {  	[tilespmem:s0], [sflag:$0x5] =	stream.indirect.gather [hbm4b:s4+s26], $0x80, s19, s26, $0xb8;
	[tilespmem:$0x1F180] =	vst v63  }
0xb5: {  	_ =	swait.ge [sflag:s14], $0x2000  }
0xb6: {  	[sflag:s14] =	ssyncset.done $0x0  }
0xb7: {  	[sflag:s14] =	ssyncadd.s32 $0xFFFFE000  }
0xb8: {  	_ =	swait.ge [sflag:s15], $0x2000  }
0xb9: {  	[sflag:s15] =	ssyncset.done $0x0  }
0xba: {  	s22 =	simm.s32 $0x2A80;
	[sflag:s15] =	ssyncadd.s32 $0xFFFFE000  }
0xbb: {  	[spmem:s2] =	stream.indirect.scatter.add.f32 [tilespmem:s6], [sflag:$0xC], $0x80, s22, s26, $0xb8;
	[tilespmem:$0x1F180] =	vst v63  }
0xbc: {  	s24 =	simm.s32 $0x380  }
0xbd: {  	[tilespmem:s23], [sflag:$0x6] =	stream.indirect.gather [hbm4b:s4+s26], $0x80, s24, s26, $0xb8;
	[tilespmem:$0x1F180] =	vst v63  }
.LBB2_4:
0xbe: {  	_ =	swait.ge [sflag:s16], $0x2000  }
0xbf: {  	[sflag:s16] =	ssyncset.done $0x0  }
0xc0: {  	[sflag:s16] =	ssyncadd.s32 $0xFFFFE000  }
0xc1: {  	_ =	swait.ge [sflag:s5], $0x2000  }
0xc2: {  	s22 =	sshra.s32 s17, $0x2;
	[sflag:s5] =	ssyncset.done $0x0  }
0xc3: {  	s18 =	sadd.s32 $0x2AC0, s22;
	[sflag:s5] =	ssyncadd.s32 $0xFFFFE000  }
0xc4: {  	[spmem:s2] =	stream.indirect.scatter.add.f32 [tilespmem:s28], [sflag:$0x8], $0x80, s18, s26, $0xb8;
	[tilespmem:$0x1F180] =	vst v63  }
0xc5: {  	s10 =	sadd.s32 $0x3C0, s22  }
0xc6: {  	[tilespmem:s6], [sflag:$0x7] =	stream.indirect.gather [hbm4b:s4+s26], $0x80, s10, s26, $0xb8;
	[tilespmem:$0x1F180] =	vst v63  }
0xc7: {  	_ =	swait.ge [sflag:s7], $0x2000  }
0xc8: {  	[sflag:s7] =	ssyncset.done $0x0  }
0xc9: {  	[sflag:s7] =	ssyncadd.s32 $0xFFFFE000  }
0xca: {  	_ =	swait.ge [sflag:s9], $0x2000  }
0xcb: {  	p0 =	seq.s32 s17, $0x9600;
	[sflag:s9] =	ssyncset.done $0x0  }
0xcc: {  	s19 =	sadd.s32 $0x2B00, s22;
	s18 =	simm.s32 @p0 $0x9;
	[sflag:s9] =	ssyncadd.s32 $0xFFFFE000  }
0xcd: {  	[spmem:s2] =	stream.indirect.scatter.add.f32 [tilespmem:s30], [sflag:$0x9], $0x80, s19, s26, $0xb8;
	[tilespmem:$0x1F180] =	vst v63  }
0xce: {  	_ =	swait.ge @p0 [sflag:s18], $0x2000  }
0xcf: {  	[sflag:s18] =	ssyncset.done @p0 $0x0  }
0xd0: {  	[sflag:s18] =	ssyncadd.s32 @p0 $0xFFFFE000;
	s18 =	simm.s32 @p0 $0x5  }
0xd1: {  	_ =	swait.ge @p0 [sflag:s18], $0x2000  }
0xd2: {  	[sflag:s18] =	ssyncset.done @p0 $0x0  }
0xd3: {  	[sflag:s18] =	ssyncadd.s32 @p0 $0xFFFFE000;
	s18 =	sshra.s32 @p0 s17, $0x2  }
0xd4: {  	s24 =	simm.s32 @p0 $0x9180;
	s19 =	simm.s32 @p0 $0x40;
	s18 =	sadd.s32 @p0 $0x2B40, s18  }
0xd5: {  	[spmem:s2] =	stream.indirect.scatter.add.f32 @p0 [tilespmem:s24], [sflag:$0xA], $0x80, s18, s19, $0xb8;
	[tilespmem:$0x1F180] =	vst v63  }
0xd6: {  	s18 =	sshra.s32 @!p0 s17, $0x2  }
0xd7: {  	s10 =	simm.s32 @!p0 $0x5180;
	s24 =	simm.s32 @!p0 $0x40;
	s19 =	sadd.s32 @!p0 $0x400, s18  }
0xd8: {  	[tilespmem:s10], [sflag:$0x3] =	stream.indirect.gather @!p0 [hbm4b:s4+s24], $0x80, s19, s24, $0xb8;
	[tilespmem:$0x1F180] =	vst v63  }
0xd9: {  	s10 =	simm.s32 @!p0 $0x9  }
0xda: {  	_ =	swait.ge @!p0 [sflag:s10], $0x2000  }
0xdb: {  	[sflag:s10] =	ssyncset.done @!p0 $0x0  }
0xdc: {  	[sflag:s10] =	ssyncadd.s32 @!p0 $0xFFFFE000;
	s10 =	simm.s32 @!p0 $0x5  }
0xdd: {  	_ =	swait.ge @!p0 [sflag:s10], $0x2000  }
0xde: {  	[sflag:s10] =	ssyncset.done @!p0 $0x0  }
0xdf: {  	s19 =	simm.s32 @!p0 $0x9180;
	[sflag:s10] =	ssyncadd.s32 @!p0 $0xFFFFE000;
	s10 =	sadd.s32 @!p0 $0x2B40, s18  }
0xe0: {  	[spmem:s2] =	stream.indirect.scatter.add.f32 @!p0 [tilespmem:s19], [sflag:$0xA], $0x80, s10, s24, $0xb8;
	[tilespmem:$0x1F180] =	vst v63  }
0xe1: {  	s10 =	sadd.s32 @!p0 $0x440, s18;
	s18 =	simm.s32 @!p0 $0x7180  }
0xe2: {  	[tilespmem:s18], [sflag:$0x4] =	stream.indirect.gather @!p0 [hbm4b:s4+s24], $0x80, s10, s24, $0xb8;
	[tilespmem:$0x1F180] =	vst v63  }
0xe3: {  	_ =	swait.ge [sflag:s12], $0x2000  }
0xe4: {  	[sflag:s12] =	ssyncset.done $0x0  }
.Ltmp3:
0xe5: {  	[sflag:s12] =	ssyncadd.s32 $0xFFFFE000;
	(pc) =	sbr.rel @p0 .LBB2_6-.Ltmp3, $4  }
0xe6: {  	_ =	swait.ge [sflag:s13], $0x2000  }
0xe7: {  	[sflag:s13] =	ssyncset.done $0x0  }
0xe8: {  	s24 =	sadd.s32 $0x2B80, s22;
	[sflag:s13] =	ssyncadd.s32 $0xFFFFE000  }
0xe9: {  	[spmem:s2] =	stream.indirect.scatter.add.f32 [tilespmem:s23], [sflag:$0xB], $0x80, s24, s26, $0xb8;
	[tilespmem:$0x1F180] =	vst v63  }
0xea: {  	s10 =	sadd.s32 $0x480, s22  }
0xeb: {  	[tilespmem:s0], [sflag:$0x5] =	stream.indirect.gather [hbm4b:s4+s26], $0x80, s10, s26, $0xb8;
	[tilespmem:$0x1F180] =	vst v63  }
0xec: {  	_ =	swait.ge [sflag:s14], $0x2000  }
0xed: {  	[sflag:s14] =	ssyncset.done $0x0  }
0xee: {  	[sflag:s14] =	ssyncadd.s32 $0xFFFFE000  }
0xef: {  	_ =	swait.ge [sflag:s15], $0x2000  }
.Ltmp4:
0xf0: {  	[sflag:s15] =	ssyncset.done $0x0;
	(pc) =	sbr.rel .LBB2_4-.Ltmp4, $4  }
0xf1: {  	s19 =	sadd.s32 $0x2BC0, s22;
	[sflag:s15] =	ssyncadd.s32 $0xFFFFE000  }
0xf2: {  	[spmem:s2] =	stream.indirect.scatter.add.f32 [tilespmem:s6], [sflag:$0xC], $0x80, s19, s26, $0xb8;
	[tilespmem:$0x1F180] =	vst v63  }
0xf3: {  	s24 =	sadd.s32 $0x4C0, s22;
	s17 =	sadd.s32 $0x500, s17  }
0xf4: {  	[tilespmem:s23], [sflag:$0x6] =	stream.indirect.gather [hbm4b:s4+s26], $0x80, s24, s26, $0xb8;
	[tilespmem:$0x1F180] =	vst v63  }
.LBB2_7:
0xf5: {  	_ =	sfence.sel $0x180000  }
0xf6: {  	[bflag:$0x0] =	sbarrier.arrive $0xFFFF  }
0xf7: {  	_ =	strace $0x9000004A  }
0xf8: {  	s0 =	stileid.u32;
	[bflag:$0x2] =	sbarrier.arrive $0xFFFF  }
0xf9: {  	p0 =	sne.s32 s0, $0x0;
	s0 =	rddreg [dreg:$0x3]  }
0xfa: {  	s0 =	sadd.s32 @!p0 $0x100000, s0  }
0xfb: {  	[sflag:s0] =	ssyncadd.tile.s32 @!p0 $0x1;
	_ =	shalt  }
.Lfunc_end2:
_tile_overlayer_lowered:
.L_overlay_start_2:
0xfc: {  	(tag) =	ssettag $0x2  }
0xfd: {  	s0 =	rddreg [dreg:$0x0];
	s2 =	stileid.u32  }
0xfe: {  	s1 =	rddreg [dreg:$0x1];
	p0 =	sne.s32 s2, $0x0  }
0xff: {  	s3 =	rddreg [dreg:$0x2];
	[bflag:$0x3] =	sbarrier.arrive $0xFFFF;
	s2 =	simm.s32 @!p0 $0x1C0D  }
0x100: {  	[timem:s3], [sflag:s2] =	dma.local @!p0 [hbm:s0], s1  }
0x101: {  	s0 =	simm.s32 @!p0 $0xD  }
0x102: {  	_ =	swait.ge @!p0 [sflag:s0], s1  }
0x103: {  	s1 =	ssub.s32 @!p0 $0x0, s1;
	[sflag:s0] =	ssyncset.done @!p0 $0x0  }
0x104: {  	[sflag:s0] =	ssyncadd.s32 @!p0 s1  }
0x105: {  	[bflag:$0x3] =	sbarrier.arrive $0xFFFF  }
0x106: {  	_ =	shalt  }

// kernel: kernel.15.cloned.1.call-start
scs
__scs_entry_jumppad:
0x0: {  	(pc) =	sbr.rel $0x88, $3  }
0x1: {  	(tag) =	ssettag $0x0;
	lr =	simm.s32 $0x1  }
0x2: {  	[smem:$0x3F94] =	sst lr;
	_ =	strace $0xD0000000  }
0x3: {  	_ = 	snop  }
0x4: {  	_ = 	snop  }
0x5: {  	_ = 	snop  }
0x6: {  	_ = 	snop  }
0x7: {  	_ = 	snop  }
__scs_overlays_trampoline_lowered:
0x8: {  	[smem:$0x3FA3] =	sst s0  }
0x9: {  	[smem:$0x3FA4] =	sst s1  }
0xa: {  	[smem:$0x3FA5] =	sst s2  }
0xb: {  	[smem:$0x3FA6] =	sst s3  }
0xc: {  	[smem:$0x3FA7] =	sst s4  }
0xd: {  	[smem:$0x3FA8] =	sst s5  }
0xe: {  	[smem:$0x3FA9] =	sst s6  }
0xf: {  	[smem:$0x3FAA] =	sst s7  }
0x10: {  	[smem:$0x3FAB] =	sst s8  }
0x11: {  	[smem:$0x3FAC] =	sst s9;
	s0 =	simm.s32 @!p0 $0x0  }
0x12: {  	s1 =	sld [smem:$0x3F92];
	s0 =	simm.s32 @p0 $0x1  }
0x13: {  	[smem:$0x3FAD] =	sst s0;
	s0 =	simm.s32 @!p1 $0x0  }
0x14: {  	s2 =	sld [smem:$0x3F91];
	s0 =	simm.s32 @p1 $0x1  }
0x15: {  	[smem:$0x3FAE] =	sst s0;
	s0 =	simm.s32 @!p2 $0x0  }
0x16: {  	s3 =	sld [smem:$0x3FDB];
	s0 =	simm.s32 @p2 $0x1  }
0x17: {  	s4 =	simm.s32 $0x1BF5;
	[smem:$0x3FB0] =	sst s0  }
0x18: {  	s0 =	sld [smem:$0x3F93];
	_ =	swait.ge [sflag:s4], $0x0  }
0x19: {  	s7 =	sld [smem:$0x3F94]  }
0x1a: {  	s8 =	sadd.s32 $0xFFFFE003, lr  }
0x1b: {  	s9 =	sadd.s32 $0xFFFFFEF7, lr;
	s5 =	simm.s32 $0xFFFFFFFF;
	p2 =	slt.u32 s8, $0xFFFFF086  }
0x1c: {  	p1 =	slt.u32 s9, $0xF7A;
	s5 =	simm.s32 @!p2 $0x0  }
0x1d: {  	s5 =	simm.s32 @p1 $0x1;
	p0 =	seq.s32 s7, s2  }
0x1e: {  	s7 =	smul.u32 @!p0 $0xF7A, s2;
	p2 =	seq.s32 @!p0 s5, $0x0  }
0x1f: {  	s9 =	smul.u32 $0xF7A, s1;
	s8 =	simm.s32 @!p0 $0x1BF5;
	p2 =	por !p2, p0  }
0x20: {  	[sflag:s8] =	ssyncset.s32 @!p0 $0xFFFFF086;
	s6 =	sadd.s32 @!p0 s3, s7;
	s7 =	simm.s32 @!p0 $0x108  }
0x21: {  	s3 =	sadd.s32 s3, s9;
	s6 =	sadd.s32 @!p0 $0x88, s6;
	s7 =	simm.s32 @p2 $0x1082  }
0x22: {  	[simem:s7], [sflag:s8] =	dma.local @!p0 [hbm:s6], $0xF7A  }
0x23: {  	s9 =	sor.u32 $0xD0000000, s2;
	s6 =	simm.s32 $0x108;
	_ =	swait.ge @!p0 [sflag:s8], $0x0  }
0x24: {  	s3 =	sadd.s32 $0x88, s3;
	s6 =	simm.s32 @!p1 $0x1082;
	[sflag:s4] =	ssyncset.s32 $0xFFFFF086  }
0x25: {  	[simem:s6], [sflag:s4] =	dma.local [hbm:s3], $0xF7A  }
0x26: {  	[smem:$0x3F94] =	sst s1;
	(tag) =	ssettag s2;
	_ =	strace s9  }
0x27: {  	s1 =	sld [smem:$0x3FA4]  }
0x28: {  	s2 =	sld [smem:$0x3FA5]  }
0x29: {  	s4 =	sld [smem:$0x3FA7]  }
0x2a: {  	p0 =	seq.s32 s5, $0x0;
	s5 =	sld [smem:$0x3FA8]  }
0x2b: {  	s6 =	sld [smem:$0x3FA9]  }
0x2c: {  	s7 =	sld [smem:$0x3FAA]  }
0x2d: {  	s3 =	simm.s32 $0x108;
	s8 =	sld [smem:$0x3FAB]  }
0x2e: {  	s3 =	simm.s32 @!p0 $0x1082;
	s9 =	sld [smem:$0x3FAC]  }
0x2f: {  	lr =	sadd.s32 s0, s3;
	s0 =	sld [smem:$0x3FA3]  }
0x30: {  	s3 =	sld [smem:$0x3FA6]  }
0x31: {  	[smem:$0x3FAF] =	sst s10  }
0x32: {  	s10 =	sld [smem:$0x3FAD];
	_ =	sdelay $0x3  }
0x33: {  	p0 =	seq.s32 s10, $0x1;
	s10 =	sld [smem:$0x3FAF];
	_ =	sdelay $0x3  }
0x34: {  	[smem:$0x3FAF] =	sst s10  }
0x35: {  	s10 =	sld [smem:$0x3FAE];
	_ =	sdelay $0x3  }
0x36: {  	p1 =	seq.s32 s10, $0x1;
	s10 =	sld [smem:$0x3FAF];
	_ =	sdelay $0x3  }
0x37: {  	[smem:$0x3FAF] =	sst s10  }
0x38: {  	s10 =	sld [smem:$0x3FB0]  }
0x39: {  	_ = 	snop;
	(pc) =	sbr.ind lr, $3  }
0x3a: {  	_ = 	snop  }
0x3b: {  	_ = 	snop  }
0x3c: {  	p2 =	seq.s32 s10, $0x1;
	s10 =	sld [smem:$0x3FAF]  }
0x3d: {  	_ =	shalt  }
0x3e: {  	_ =	shalt  }
0x3f: {  	_ =	shalt  }
0x40: {  	_ =	shalt  }
0x41: {  	_ =	shalt  }
0x42: {  	_ =	shalt  }
0x43: {  	_ =	shalt  }
0x44: {  	_ =	shalt  }
0x45: {  	_ =	shalt  }
0x46: {  	_ =	shalt  }
0x47: {  	_ =	shalt  }
0x48: {  	_ =	shalt  }
0x49: {  	_ =	shalt  }
0x4a: {  	_ =	shalt  }
0x4b: {  	_ =	shalt  }
0x4c: {  	_ =	shalt  }
0x4d: {  	_ =	shalt  }
0x4e: {  	_ =	shalt  }
0x4f: {  	_ =	shalt  }
0x50: {  	_ =	shalt  }
0x51: {  	_ =	shalt  }
0x52: {  	_ =	shalt  }
0x53: {  	_ =	shalt  }
0x54: {  	_ =	shalt  }
0x55: {  	_ =	shalt  }
0x56: {  	_ =	shalt  }
0x57: {  	_ =	shalt  }
0x58: {  	_ =	shalt  }
0x59: {  	_ =	shalt  }
0x5a: {  	_ =	shalt  }
0x5b: {  	_ =	shalt  }
0x5c: {  	_ =	shalt  }
0x5d: {  	_ =	shalt  }
0x5e: {  	_ =	shalt  }
0x5f: {  	_ =	shalt  }
0x60: {  	_ =	shalt  }
0x61: {  	_ =	shalt  }
0x62: {  	_ =	shalt  }
0x63: {  	_ =	shalt  }
0x64: {  	_ =	shalt  }
0x65: {  	_ =	shalt  }
0x66: {  	_ =	shalt  }
0x67: {  	_ =	shalt  }
0x68: {  	_ =	shalt  }
0x69: {  	_ =	shalt  }
0x6a: {  	_ =	shalt  }
0x6b: {  	_ =	shalt  }
0x6c: {  	_ =	shalt  }
0x6d: {  	_ =	shalt  }
0x6e: {  	_ =	shalt  }
0x6f: {  	_ =	shalt  }
0x70: {  	_ =	shalt  }
0x71: {  	_ =	shalt  }
0x72: {  	_ =	shalt  }
0x73: {  	_ =	shalt  }
0x74: {  	_ =	shalt  }
0x75: {  	_ =	shalt  }
0x76: {  	_ =	shalt  }
0x77: {  	_ =	shalt  }
0x78: {  	_ =	shalt  }
0x79: {  	_ =	shalt  }
0x7a: {  	_ =	shalt  }
0x7b: {  	_ =	shalt  }
0x7c: {  	_ =	shalt  }
0x7d: {  	_ =	shalt  }
0x7e: {  	_ =	shalt  }
0x7f: {  	_ =	shalt  }
0x80: {  	_ =	shalt  }
0x81: {  	_ =	shalt  }
0x82: {  	_ =	shalt  }
0x83: {  	_ =	shalt  }
0x84: {  	_ =	shalt  }
0x85: {  	_ =	shalt  }
0x86: {  	_ =	shalt  }
0x87: {  	_ =	shalt  }
.Lfunc_end0:
.L_simem_size_0:
called_computation.2_lowered:
.L_overlay_start_0:
0x88: {  	s2 =	sld [smem:$0x3FD9]  }
0x89: {  	s3 =	sld [smem:$0x3FFE];
	_ =	sdelay $0x1  }
0x8a: {  	s1 =	srdreg.scid  }
0x8b: {  	s0 =	sand.u32 $0x1, s1  }
0x8c: {  	s17 =	sshll.u32 s0, $0xA;
	s2 =	sadd.s32 s3, s2  }
0x8d: {  	s2 =	sadd.s32 s2, s17  }
0x8e: {  	[smem:$0x3FBB] =	sst s2  }
0x8f: {  	_ = 	snop  }
0x90: {  	s2 =	sld [smem:$0x3FD0];
	(tm) =	ssettm $0x1  }
0x91: {  	s18 =	sld [smem:$0x3FFB];
	_ =	sdelay $0x3  }
0x92: {  	_ =	strace s18  }
0x93: {  	s3 =	sld [smem:$0x3FFC];
	_ =	sdelay $0x3  }
0x94: {  	_ =	strace s3  }
0x95: {  	s3 =	sld [smem:$0x3FFD];
	_ =	sdelay $0x3  }
0x96: {  	_ =	strace s3  }
0x97: {  	_ =	strace $0x8FFFFFFF  }
0x98: {  	s19 =	sld [smem:$0x3FDB];
	_ =	sdelay $0x1  }
0x99: {  	s4 =	simm.s32 $_scs_section_size  }
0x9a: {  	s5 =	simm.s32 $_size__tile_overlayer_lowered;
	s6 =	simm.s32 $_tile_overlayer_lowered  }
0x9b: {  	s22 =	simm.s32 $0x1BFF;
	s21 =	sshll.u32 s6, $0x1;
	s3 =	sadd.s32 s4, s19  }
0x9c: {  	s7 =	simm.s32 $0x0;
	s20 =	sshll.u32 s5, $0x1;
	s5 =	sadd.s32 s21, s3  }
0x9d: {  	[timem:s7], [sflag:s22] =	dma.local [hbm:s5], s20  }
0x9e: {  	_ =	swait.ge [sflag:s22], s20  }
0x9f: {  	s4 =	ssub.s32 $0x0, s20;
	[sflag:s22] =	ssyncset.done $0x0  }
0xa0: {  	[sflag:s22] =	ssyncadd.s32 s4;
	_ =	sdelay $0x1  }
0xa1: {  	s23 =	simm.s32 $0x1B8B  }
0xa2: {  	_ =	swait.ge [sflag:s23], $0x1  }
0xa3: {  	[sflag:s23] =	ssyncset.done $0x0  }
0xa4: {  	s25 =	simm.s32 $0x1B8E;
	s24 =	sld [smem:$0x3FFE];
	[sflag:s23] =	ssyncadd.s32 $0xFFFFFFFF  }
0xa5: {  	s26 =	simm.s32 $execute0_lowered;
	[smem:$0x3FD2] =	sst s25  }
0xa6: {  	s5 =	sshll.u32 s26, $0x1;
	_ =	strace $0x8000004C;
	[dreg:$0x1] =	wrdreg $0xFFFFFFFF  }
0xa7: {  	s28 =	simm.s32 $_size_execute0_lowered;
	s3 =	sadd.s32 s3, s5;
	[dreg:$0x0] =	wrdreg $0x0  }
0xa8: {  	s5 =	sshll.u32 s28, $0x1;
	[dreg:$0x2] =	wrdreg s3  }
0xa9: {  	[dreg:$0x3] =	wrdreg s5  }
0xaa: {  	[dreg:$0x4] =	wrdreg $0xC0  }
0xab: {  	_ =	task [dreg:s7], $0x5FFFF  }
0xac: {  	[dreg:$0x1] =	wrdreg $0xFFFFFFFF  }
0xad: {  	[dreg:$0x0] =	wrdreg $0x60  }
0xae: {  	[dreg:$0x2] =	wrdreg s24  }
0xaf: {  	[dreg:$0x3] =	wrdreg s2  }
0xb0: {  	[dreg:$0x4] =	wrdreg $0x151800  }
0xb1: {  	[dreg:$0x5] =	wrdreg $0x9  }
0xb2: {  	_ =	task.clear_ibuf [dreg:s7], $0x6FFFF;
	_ =	strace $0x9000004C  }
0xb3: {  	s29 =	simm.s32 $0x9;
	_ =	strace $0x8000004E  }
0xb4: {  	_ =	swait.ge [sflag:s29], $0x1  }
0xb5: {  	[sflag:s29] =	ssyncadd.s32 $0xFFFFFFFF  }
0xb6: {  	_ =	strace $0x9000004E  }
0xb7: {  	_ =	sfence  }
0xb8: {  	s30 =	sld [smem:$0x0];
	_ =	sdelay $0x2  }
0xb9: {  	s31 =	sshll.u32 s1, $0xD;
	s1 =	sshrl.u32 s1, $0x2  }
0xba: {  	s3 =	sand.u32 $0x4000, s31;
	s1 =	sadd.s32 s1, s30  }
0xbb: {  	s0 =	sor.u32 s3, s0;
	s1 =	sshll.u32 s1, $0x11  }
0xbc: {  	s0 =	sor.u32 s1, s0  }
0xbd: {  	s0 =	sadd.s32 $0x8F2B, s0  }
0xbe: {  	[sflag:s0] =	ssyncadd.remote.s32 $0x1  }
0xbf: {  	_ =	sfence.sel $0xFFFF  }
0xc0: {  	[dreg:$0x0] =	wrdreg $0xFFFFFFFF;
	(pc) =	sbr.abs _section_cstart, $3  }
0xc1: {  	[dreg:$0x1] =	wrdreg $0xFFFFFFFF  }
0xc2: {  	_ =	task.clear_ibuf [dreg:s7], $0x2FFFF;
	_ =	strace $0x9FFFFFFF  }
0xc3: {  	(tm) =	ssettm $0x7FFFFFFF  }
tec
execute0_lowered:
.L_overlay_start_1:
0x0: {  	(tag) =	ssettag $0x1  }
0x1: {  	s0 =	rddreg [dreg:$0x0]  }
0x2: {  	s1 =	rddreg [dreg:$0x1]  }
0x3: {  	s2 =	rddreg [dreg:$0x2];
	s7 =	simm.s32 $0x0  }
0x4: {  	s3 =	srdreg.scid;
	s11 =	stileid.u32;
	s28 =	simm.s32 $0x5180  }
0x5: {  	s30 =	simm.s32 $0x7180;
	s29 =	simm.s32 $0xF180;
	s31 =	simm.s32 $0x1  }
0x6: {  	s3 =	sand.u32 $0x1, s3;
	s4 =	sshll.u32 s11, $0x1;
	s5 =	sshrl.u32 s11, $0x3  }
0x7: {  	s12 =	sshll.u32 s11, $0x7;
	[smem:$0x7FF] =	sst s7;
	s11 =	smul.u32 $0x28000, s11  }
0x8: {  	s6 =	sor.u32 s3, s4;
	s10 =	smul.u32 $0x14000, s5;
	s5 =	sand.u32 $0x380, s12  }
0x9: {  	_ =	strace $0x8000004D;
	s4 =	sadd.s32 $0x9A00, s0;
	s13 =	smul.u32 $0x28, s6  }
0xa: {  	s3 =	ssub.s32 $0x2, s3;
	s12 =	simm.s32 $0xA;
	s9 =	smul.u32 $0x1400, s6  }
0xb: {  	s8 =	sshrl.u32 s3, $0x1;
	s14 =	smul.u32 $0x500, s6;
	s15 =	sshrl.u32 s11, $0x2  }
0xc: {  	s6 =	smul.u32 $0xA000, s6;
	s11 =	simm.s32 $0x5;
	s5 =	sor.u32 s5, s10  }
0xd: {  	s10 =	sadd.s32 $0x31A00, s0;
	s3 =	ssub.s32 s3, s8;
	s8 =	sadd.s32 s15, s2  }
0xe: {  	s15 =	simm.s32 $0x7;
	s7 =	sadd.s32 s13, s0;
	s5 =	sshrl.u32 s5, $0x3  }
0xf: {  	s1 =	sadd.s32 s1, s14;
	s17 =	sadd.s32 $0x2000, s8;
	s18 =	sadd.s32 $0x4000, s8  }
0x10: {  	s19 =	sshrl.u32 s6, $0x3;
	s20 =	sadd.s32 $0x6000, s8;
	[dreg:$0x5] =	wrdreg s1  }
0x11: {  	s21 =	sadd.s32 $0x8000, s8;
	s22 =	sadd.s32 s10, s9;
	[dreg:$0x7] =	wrdreg s17  }
0x12: {  	s26 =	smax.u32 s3, $0x1;
	s3 =	simm.s32 $0x2;
	[dreg:$0x8] =	wrdreg s18  }
0x13: {  	s6 =	simm.s32 $0xD180;
	s13 =	simm.s32 $0x6;
	[dreg:$0x9] =	wrdreg s20  }
0x14: {  	s14 =	simm.s32 $0xB;
	s5 =	sadd.s32 s5, s0;
	[dreg:$0xa] =	wrdreg s21  }
0x15: {  	s0 =	sadd.s32 s9, s0;
	s7 =	sadd.s32 $0x4400, s7;
	[dreg:$0xb] =	wrdreg s22  }
0x16: {  	s1 =	sadd.s32 s10, s19;
	[dreg:$0x11] =	wrdreg s26;
	s20 =	simm.s32 $0xD  }
0x17: {  	s18 =	simm.s32 $0x180;
	[dreg:$0x4] =	wrdreg s7;
	s16 =	sadd.s32 $0x4A00, s5  }
0x18: {  	s19 =	simm.s32 $0x80;
	s23 =	sadd.s32 $0x400, s1;
	[dreg:$0x6] =	wrdreg s16  }
0x19: {  	s26 =	simm.s32 $0x40;
	s24 =	sadd.s32 $0x800, s1;
	[dreg:$0xc] =	wrdreg s23  }
0x1a: {  	s9 =	simm.s32 $0x4;
	s25 =	sadd.s32 $0xC00, s1;
	[dreg:$0xd] =	wrdreg s24  }
.Ltmp0:
0x1b: {  	s1 =	sadd.s32 $0x1000, s1;
	[dreg:$0xe] =	wrdreg s25;
	(pc) =	sbr.rel .LBB2_1-.Ltmp0, $4  }
0x1c: {  	s21 =	simm.s32 $0x0;
	s0 =	sadd.s32 $0x59A00, s0;
	[dreg:$0xf] =	wrdreg s1  }
0x1d: {  	s5 =	simm.s32 $0x3;
	s7 =	simm.s32 $0x8;
	[dreg:$0x10] =	wrdreg s0  }
0x1e: {  	s24 =	simm.s32 $0x2980;
	s25 =	simm.s32 $0x13180;
	s0 =	simm.s32 $0x9180  }
0x1f: {  	v0 =	vimm.f32 $0.0e+00;
	s23 =	simm.s32 $0xB180;
	s1 =	simm.s32 $0x11180;
	s16 =	simm.s32 $0xC  }
.LBB2_6:
0x20: {  	_ =	swait.ge [sflag:s14], $0x2000  }
0x21: {  	[sflag:s14] =	ssyncset.done $0x0  }
0x22: {  	[sflag:s14] =	ssyncadd.s32 $0xFFFFE000  }
0x23: {  	_ =	swait.ge [sflag:s15], $0x2000  }
0x24: {  	[sflag:s15] =	ssyncset.done $0x0  }
0x25: {  	s10 =	sadd.s32 $0x2BC0, s22;
	[sflag:s15] =	ssyncadd.s32 $0xFFFFE000  }
0x26: {  	[spmem:s2] =	stream.indirect.scatter.add.f32 [tilespmem:s6], [sflag:$0xC], $0x80, s10, s26, $0xb8;
	[tilespmem:$0x1F180] =	vst v63  }
0x27: {  	_ =	swait.ge [sflag:s16], $0x2000  }
0x28: {  	[sflag:s16] =	ssyncset.done $0x0  }
0x29: {  	[sflag:s16] =	ssyncadd.s32 $0xFFFFE000  }
0x2a: {  	_ =	swait.ge [sflag:s3], $0x2000  }
0x2b: {  	[sflag:s3] =	ssyncset.done $0x0  }
0x2c: {  	[sflag:s3] =	ssyncadd.s32 $0xFFFFE000  }
0x2d: {  	s22 =	stileid.u32;
	_ =	swait.ge [sflag:s3], $0x2000  }
0x2e: {  	s17 =	sshrl.u32 s8, $0x3;
	s10 =	sshll.u32 s22, $0x6;
	[sflag:s3] =	ssyncset.done $0x0  }
0x2f: {  	s10 =	sor.u32 $0x1C0D, s10;
	s18 =	rddreg [dreg:$0x10];
	[sflag:s3] =	ssyncadd.s32 $0xFFFFE000  }
0x30: {  	[hbm:s18], [sflag:s10] =	dma.local [spmem:s17], $0x1400  }
0x31: {  	_ =	swait.ge [sflag:s20], $0x1400  }
0x32: {  	s21 =	sadd.s32 $0x1, s21;
	s24 =	rddreg [dreg:$0x11]  }
0x33: {  	p0 =	sne.s32 s21, s24  }
.Ltmp1:
0x34: {  	_ = 	snop;
	(pc) =	sbr.rel @!p0 .LBB2_7-.Ltmp1, $3  }
0x35: {  	_ =	sdelay $0x1  }
0x36: {  	s19 =	simm.s32 $0x80;
	[sflag:s20] =	ssyncset.done $0x0  }
0x37: {  	s18 =	simm.s32 $0x180;
	[sflag:s20] =	ssyncadd.s32 $0xFFFFEC00;
	s24 =	simm.s32 $0x2980  }
.LBB2_1:
0x38: {  	s10 =	simm.s32 $0x0;
	s17 =	rddreg [dreg:$0x4]  }
0x39: {  	[tilespmem:s10], [sflag:$0xD] =	stream.linear.gather [hbm4b:s17+s10], $0x140, $0x38;
	[tilespmem:$0x1F180] =	vst v63  }
0x3a: {  	_ =	swait.ge [sflag:s20], $0x140  }
0x3b: {  	[sflag:s20] =	ssyncset.done $0x0  }
0x3c: {  	s22 =	rddreg [dreg:$0x5];
	[sflag:s20] =	ssyncadd.s32 $0xFFFFFEC0  }
0x3d: {  	[tilespmem:s18], [sflag:$0xD] =	stream.linear.gather [hbm4b:s22+s10], $0x2800, $0x38;
	[tilespmem:$0x1F180] =	vst v63  }
0x3e: {  	_ =	swait.ge [sflag:s20], $0x2800  }
0x3f: {  	[sflag:s20] =	ssyncset.done $0x0  }
0x40: {  	s22 =	simm.s32 $0x400;
	s17 =	rddreg [dreg:$0x6];
	[sflag:s20] =	ssyncadd.s32 $0xFFFFD800  }
0x41: {  	[tilespmem:s24], [sflag:$0xD] =	stream.strided.gather [hbm4b:s17+s19], $0x2800, s22, s19, $0x38;
	[tilespmem:$0x1F180] =	vst v63  }
0x42: {  	_ =	swait.ge [sflag:s20], $0x2800  }
0x43: {  	[sflag:s20] =	ssyncset.done $0x0  }
0x44: {  	s17 =	simm.s32 $0x0;
	s22 =	simm.s32 $0x200;
	[sflag:s20] =	ssyncadd.s32 $0xFFFFD800  }
.LBB2_2:
0x45: {  	p0 =	sne.s32 s22, $0x7E00;
	[tilespmem:s17+$0x131F0] =	vst v0  }
0x46: {  	[tilespmem:s17+$0x13180] =	vst v0  }
0x47: {  	[tilespmem:s17+$0x13190] =	vst v0  }
.Ltmp2:
0x48: {  	[tilespmem:s17+$0x131A0] =	vst v0;
	(pc) =	sbr.rel @p0 .LBB2_2-.Ltmp2, $4  }
0x49: {  	[tilespmem:s17+$0x131B0] =	vst v0  }
0x4a: {  	[tilespmem:s17+$0x131C0] =	vst v0  }
0x4b: {  	[tilespmem:s17+$0x131D0] =	vst v0  }
0x4c: {  	[tilespmem:s17+$0x131E0] =	vst v0;
	s17 =	sshra.s32 s22, $0x2;
	s22 =	sadd.s32 $0x200, s22  }
0x4d: {  	[tilespmem:s17+$0x131F0] =	vst v0  }
0x4e: {  	[tilespmem:s17+$0x13180] =	vst v0  }
0x4f: {  	[tilespmem:s17+$0x13190] =	vst v0  }
0x50: {  	[tilespmem:s17+$0x131A0] =	vst v0  }
0x51: {  	[tilespmem:s17+$0x131B0] =	vst v0  }
0x52: {  	[tilespmem:s17+$0x131C0] =	vst v0  }
0x53: {  	[tilespmem:s17+$0x131D0] =	vst v0  }
0x54: {  	[tilespmem:s17+$0x131E0] =	vst v0  }
0x55: {  	[spmem:s8] =	stream.linear.scatter [tilespmem:s25], [sflag:$0xD], $0x2000, $0x38;
	[tilespmem:$0x1F180] =	vst v63  }
0x56: {  	_ =	swait.ge [sflag:s20], $0x2000  }
0x57: {  	[sflag:s20] =	ssyncset.done $0x0  }
0x58: {  	s10 =	rddreg [dreg:$0x7];
	[sflag:s20] =	ssyncadd.s32 $0xFFFFE000  }
0x59: {  	[spmem:s10] =	stream.linear.scatter [tilespmem:s25], [sflag:$0xD], $0x2000, $0x38;
	[tilespmem:$0x1F180] =	vst v63  }
0x5a: {  	_ =	swait.ge [sflag:s20], $0x2000  }
0x5b: {  	[sflag:s20] =	ssyncset.done $0x0  }
0x5c: {  	s17 =	rddreg [dreg:$0x8];
	[sflag:s20] =	ssyncadd.s32 $0xFFFFE000  }
0x5d: {  	[spmem:s17] =	stream.linear.scatter [tilespmem:s25], [sflag:$0xD], $0x2000, $0x38;
	[tilespmem:$0x1F180] =	vst v63  }
0x5e: {  	_ =	swait.ge [sflag:s20], $0x2000  }
0x5f: {  	[sflag:s20] =	ssyncset.done $0x0  }
0x60: {  	s22 =	rddreg [dreg:$0x9];
	[sflag:s20] =	ssyncadd.s32 $0xFFFFE000  }
0x61: {  	[spmem:s22] =	stream.linear.scatter [tilespmem:s25], [sflag:$0xD], $0x2000, $0x38;
	[tilespmem:$0x1F180] =	vst v63  }
0x62: {  	_ =	swait.ge [sflag:s20], $0x2000  }
0x63: {  	[sflag:s20] =	ssyncset.done $0x0  }
0x64: {  	s17 =	rddreg [dreg:$0xa];
	[sflag:s20] =	ssyncadd.s32 $0xFFFFE000  }
0x65: {  	[spmem:s17] =	stream.linear.scatter [tilespmem:s25], [sflag:$0xD], $0x2000, $0x38;
	[tilespmem:$0x1F180] =	vst v63  }
0x66: {  	_ =	swait.ge [sflag:s20], $0x2000  }
0x67: {  	[sflag:s20] =	ssyncset.done $0x0  }
0x68: {  	[sflag:s20] =	ssyncadd.s32 $0xFFFFE000  }
0x69: {  	[tilespmem:s28], [sflag:$0x3] =	stream.indirect.gather [hbm4b:s4+s26], $0x80, s18, s26, $0xb8;
	[tilespmem:$0x1F180] =	vst v63  }
0x6a: {  	s18 =	simm.s32 $0x1C0  }
0x6b: {  	[tilespmem:s30], [sflag:$0x4] =	stream.indirect.gather [hbm4b:s4+s26], $0x80, s18, s26, $0xb8;
	[tilespmem:$0x1F180] =	vst v63  }
0x6c: {  	s22 =	simm.s32 $0x200  }
0x6d: {  	[tilespmem:s0], [sflag:$0x5] =	stream.indirect.gather [hbm4b:s4+s26], $0x80, s22, s26, $0xb8;
	[tilespmem:$0x1F180] =	vst v63  }
0x6e: {  	s17 =	simm.s32 $0x240  }
0x6f: {  	[tilespmem:s23], [sflag:$0x6] =	stream.indirect.gather [hbm4b:s4+s26], $0x80, s17, s26, $0xb8;
	[tilespmem:$0x1F180] =	vst v63  }
0x70: {  	s17 =	simm.s32 $0x0  }
0x71: {  	[tilespmem:s29], [sflag:$0x1] =	stream.indirect.gather [hbm4b:s4+s26], $0x80, s17, s26, $0xb8;
	[tilespmem:$0x1F180] =	vst v63  }
0x72: {  	_ =	swait.ge [sflag:s31], $0x2000  }
0x73: {  	[sflag:s31] =	ssyncset.done $0x0  }
0x74: {  	s18 =	rddreg [dreg:$0xb];
	[sflag:s31] =	ssyncadd.s32 $0xFFFFE000  }
0x75: {  	[hbm4b:s18+s17] =	stream.linear.scatter [tilespmem:s29], [sflag:$0x2], $0x2000, $0x38;
	[tilespmem:$0x1F180] =	vst v63  }
0x76: {  	_ = 	snop  }
0x77: {  	[tilespmem:s1], [sflag:$0x1] =	stream.indirect.gather [hbm4b:s4+s26], $0x80, s26, s26, $0xb8;
	[tilespmem:$0x1F180] =	vst v63  }
0x78: {  	_ =	swait.ge [sflag:s31], $0x2000  }
0x79: {  	[sflag:s31] =	ssyncset.done $0x0  }
0x7a: {  	s22 =	rddreg [dreg:$0xc];
	[sflag:s31] =	ssyncadd.s32 $0xFFFFE000  }
0x7b: {  	[hbm4b:s22+s17] =	stream.linear.scatter [tilespmem:s1], [sflag:$0x2], $0x2000, $0x38;
	[tilespmem:$0x1F180] =	vst v63  }
0x7c: {  	_ =	swait.ge [sflag:s3], $0x2000  }
0x7d: {  	[sflag:s3] =	ssyncset.done $0x0  }
0x7e: {  	[sflag:s3] =	ssyncadd.s32 $0xFFFFE000  }
0x7f: {  	[tilespmem:s29], [sflag:$0x1] =	stream.indirect.gather [hbm4b:s4+s26], $0x80, s19, s26, $0xb8;
	[tilespmem:$0x1F180] =	vst v63  }
0x80: {  	_ =	swait.ge [sflag:s31], $0x2000  }
0x81: {  	[sflag:s31] =	ssyncset.done $0x0  }
0x82: {  	s18 =	rddreg [dreg:$0xd];
	[sflag:s31] =	ssyncadd.s32 $0xFFFFE000  }
0x83: {  	[hbm4b:s18+s17] =	stream.linear.scatter [tilespmem:s29], [sflag:$0x2], $0x2000, $0x38;
	[tilespmem:$0x1F180] =	vst v63  }
0x84: {  	_ =	swait.ge [sflag:s3], $0x2000  }
0x85: {  	[sflag:s3] =	ssyncset.done $0x0  }
0x86: {  	s19 =	simm.s32 $0xC0;
	[sflag:s3] =	ssyncadd.s32 $0xFFFFE000  }
0x87: {  	[tilespmem:s1], [sflag:$0x1] =	stream.indirect.gather [hbm4b:s4+s26], $0x80, s19, s26, $0xb8;
	[tilespmem:$0x1F180] =	vst v63  }
0x88: {  	_ =	swait.ge [sflag:s31], $0x2000  }
0x89: {  	[sflag:s31] =	ssyncset.done $0x0  }
0x8a: {  	s22 =	rddreg [dreg:$0xe];
	[sflag:s31] =	ssyncadd.s32 $0xFFFFE000  }
0x8b: {  	[hbm4b:s22+s17] =	stream.linear.scatter [tilespmem:s1], [sflag:$0x2], $0x2000, $0x38;
	[tilespmem:$0x1F180] =	vst v63  }
0x8c: {  	_ =	swait.ge [sflag:s3], $0x2000  }
0x8d: {  	[sflag:s3] =	ssyncset.done $0x0  }
0x8e: {  	s18 =	simm.s32 $0x100;
	[sflag:s3] =	ssyncadd.s32 $0xFFFFE000  }
0x8f: {  	[tilespmem:s29], [sflag:$0x1] =	stream.indirect.gather [hbm4b:s4+s26], $0x80, s18, s26, $0xb8;
	[tilespmem:$0x1F180] =	vst v63  }
0x90: {  	_ =	swait.ge [sflag:s31], $0x2000  }
0x91: {  	[sflag:s31] =	ssyncset.done $0x0  }
0x92: {  	s19 =	rddreg [dreg:$0xf];
	[sflag:s31] =	ssyncadd.s32 $0xFFFFE000  }
0x93: {  	[hbm4b:s19+s17] =	stream.linear.scatter [tilespmem:s29], [sflag:$0x2], $0x2000, $0x38;
	[tilespmem:$0x1F180] =	vst v63  }
0x94: {  	_ =	swait.ge [sflag:s5], $0x2000  }
0x95: {  	[sflag:s5] =	ssyncset.done $0x0  }
0x96: {  	[sflag:s5] =	ssyncadd.s32 $0xFFFFE000  }
0x97: {  	[spmem:s2] =	stream.indirect.scatter.add.f32 [tilespmem:s28], [sflag:$0x8], $0x80, s24, s26, $0xb8;
	[tilespmem:$0x1F180] =	vst v63  }
0x98: {  	s22 =	simm.s32 $0x280  }
0x99: {  	[tilespmem:s6], [sflag:$0x7] =	stream.indirect.gather [hbm4b:s4+s26], $0x80, s22, s26, $0xb8;
	[tilespmem:$0x1F180] =	vst v63  }
0x9a: {  	_ =	swait.ge [sflag:s7], $0x2000  }
0x9b: {  	[sflag:s7] =	ssyncset.done $0x0  }
0x9c: {  	[sflag:s7] =	ssyncadd.s32 $0xFFFFE000  }
0x9d: {  	_ =	swait.ge [sflag:s9], $0x2000  }
0x9e: {  	[sflag:s9] =	ssyncset.done $0x0  }
0x9f: {  	s24 =	simm.s32 $0x29C0;
	[sflag:s9] =	ssyncadd.s32 $0xFFFFE000  }
0xa0: {  	[spmem:s2] =	stream.indirect.scatter.add.f32 [tilespmem:s30], [sflag:$0x9], $0x80, s24, s26, $0xb8;
	[tilespmem:$0x1F180] =	vst v63  }
0xa1: {  	s18 =	simm.s32 $0x2C0;
	s19 =	simm.s32 $0x9  }
0xa2: {  	[tilespmem:s28], [sflag:$0x3] =	stream.indirect.gather [hbm4b:s4+s26], $0x80, s18, s26, $0xb8;
	[tilespmem:$0x1F180] =	vst v63  }
0xa3: {  	_ =	swait.ge [sflag:s19], $0x2000  }
0xa4: {  	[sflag:s19] =	ssyncset.done $0x0  }
0xa5: {  	[sflag:s19] =	ssyncadd.s32 $0xFFFFE000  }
0xa6: {  	_ =	swait.ge [sflag:s11], $0x2000  }
0xa7: {  	[sflag:s11] =	ssyncset.done $0x0  }
0xa8: {  	s22 =	simm.s32 $0x2A00;
	[sflag:s11] =	ssyncadd.s32 $0xFFFFE000  }
0xa9: {  	[spmem:s2] =	stream.indirect.scatter.add.f32 [tilespmem:s0], [sflag:$0xA], $0x80, s22, s26, $0xb8;
	[tilespmem:$0x1F180] =	vst v63  }
0xaa: {  	s24 =	simm.s32 $0x300  }
0xab: {  	[tilespmem:s30], [sflag:$0x4] =	stream.indirect.gather [hbm4b:s4+s26], $0x80, s24, s26, $0xb8;
	[tilespmem:$0x1F180] =	vst v63  }
0xac: {  	_ =	swait.ge [sflag:s12], $0x2000  }
0xad: {  	[sflag:s12] =	ssyncset.done $0x0  }
0xae: {  	[sflag:s12] =	ssyncadd.s32 $0xFFFFE000  }
0xaf: {  	_ =	swait.ge [sflag:s13], $0x2000  }
0xb0: {  	[sflag:s13] =	ssyncset.done $0x0  }
0xb1: {  	s18 =	simm.s32 $0x2A40;
	[sflag:s13] =	ssyncadd.s32 $0xFFFFE000  }
0xb2: {  	[spmem:s2] =	stream.indirect.scatter.add.f32 [tilespmem:s23], [sflag:$0xB], $0x80, s18, s26, $0xb8;
	[tilespmem:$0x1F180] =	vst v63  }
0xb3: {  	s19 =	simm.s32 $0x340  }
0xb4: {  	[tilespmem:s0], [sflag:$0x5] =	stream.indirect.gather [hbm4b:s4+s26], $0x80, s19, s26, $0xb8;
	[tilespmem:$0x1F180] =	vst v63  }
0xb5: {  	_ =	swait.ge [sflag:s14], $0x2000  }
0xb6: {  	[sflag:s14] =	ssyncset.done $0x0  }
0xb7: {  	[sflag:s14] =	ssyncadd.s32 $0xFFFFE000  }
0xb8: {  	_ =	swait.ge [sflag:s15], $0x2000  }
0xb9: {  	[sflag:s15] =	ssyncset.done $0x0  }
0xba: {  	s22 =	simm.s32 $0x2A80;
	[sflag:s15] =	ssyncadd.s32 $0xFFFFE000  }
0xbb: {  	[spmem:s2] =	stream.indirect.scatter.add.f32 [tilespmem:s6], [sflag:$0xC], $0x80, s22, s26, $0xb8;
	[tilespmem:$0x1F180] =	vst v63  }
0xbc: {  	s24 =	simm.s32 $0x380  }
0xbd: {  	[tilespmem:s23], [sflag:$0x6] =	stream.indirect.gather [hbm4b:s4+s26], $0x80, s24, s26, $0xb8;
	[tilespmem:$0x1F180] =	vst v63  }
.LBB2_4:
0xbe: {  	_ =	swait.ge [sflag:s16], $0x2000  }
0xbf: {  	[sflag:s16] =	ssyncset.done $0x0  }
0xc0: {  	[sflag:s16] =	ssyncadd.s32 $0xFFFFE000  }
0xc1: {  	_ =	swait.ge [sflag:s5], $0x2000  }
0xc2: {  	s22 =	sshra.s32 s17, $0x2;
	[sflag:s5] =	ssyncset.done $0x0  }
0xc3: {  	s18 =	sadd.s32 $0x2AC0, s22;
	[sflag:s5] =	ssyncadd.s32 $0xFFFFE000  }
0xc4: {  	[spmem:s2] =	stream.indirect.scatter.add.f32 [tilespmem:s28], [sflag:$0x8], $0x80, s18, s26, $0xb8;
	[tilespmem:$0x1F180] =	vst v63  }
0xc5: {  	s10 =	sadd.s32 $0x3C0, s22  }
0xc6: {  	[tilespmem:s6], [sflag:$0x7] =	stream.indirect.gather [hbm4b:s4+s26], $0x80, s10, s26, $0xb8;
	[tilespmem:$0x1F180] =	vst v63  }
0xc7: {  	_ =	swait.ge [sflag:s7], $0x2000  }
0xc8: {  	[sflag:s7] =	ssyncset.done $0x0  }
0xc9: {  	[sflag:s7] =	ssyncadd.s32 $0xFFFFE000  }
0xca: {  	_ =	swait.ge [sflag:s9], $0x2000  }
0xcb: {  	p0 =	seq.s32 s17, $0x9600;
	[sflag:s9] =	ssyncset.done $0x0  }
0xcc: {  	s19 =	sadd.s32 $0x2B00, s22;
	s18 =	simm.s32 @p0 $0x9;
	[sflag:s9] =	ssyncadd.s32 $0xFFFFE000  }
0xcd: {  	[spmem:s2] =	stream.indirect.scatter.add.f32 [tilespmem:s30], [sflag:$0x9], $0x80, s19, s26, $0xb8;
	[tilespmem:$0x1F180] =	vst v63  }
0xce: {  	_ =	swait.ge @p0 [sflag:s18], $0x2000  }
0xcf: {  	[sflag:s18] =	ssyncset.done @p0 $0x0  }
0xd0: {  	[sflag:s18] =	ssyncadd.s32 @p0 $0xFFFFE000;
	s18 =	simm.s32 @p0 $0x5  }
0xd1: {  	_ =	swait.ge @p0 [sflag:s18], $0x2000  }
0xd2: {  	[sflag:s18] =	ssyncset.done @p0 $0x0  }
0xd3: {  	[sflag:s18] =	ssyncadd.s32 @p0 $0xFFFFE000;
	s18 =	sshra.s32 @p0 s17, $0x2  }
0xd4: {  	s24 =	simm.s32 @p0 $0x9180;
	s19 =	simm.s32 @p0 $0x40;
	s18 =	sadd.s32 @p0 $0x2B40, s18  }
0xd5: {  	[spmem:s2] =	stream.indirect.scatter.add.f32 @p0 [tilespmem:s24], [sflag:$0xA], $0x80, s18, s19, $0xb8;
	[tilespmem:$0x1F180] =	vst v63  }
0xd6: {  	s18 =	sshra.s32 @!p0 s17, $0x2  }
0xd7: {  	s10 =	simm.s32 @!p0 $0x5180;
	s24 =	simm.s32 @!p0 $0x40;
	s19 =	sadd.s32 @!p0 $0x400, s18  }
0xd8: {  	[tilespmem:s10], [sflag:$0x3] =	stream.indirect.gather @!p0 [hbm4b:s4+s24], $0x80, s19, s24, $0xb8;
	[tilespmem:$0x1F180] =	vst v63  }
0xd9: {  	s10 =	simm.s32 @!p0 $0x9  }
0xda: {  	_ =	swait.ge @!p0 [sflag:s10], $0x2000  }
0xdb: {  	[sflag:s10] =	ssyncset.done @!p0 $0x0  }
0xdc: {  	[sflag:s10] =	ssyncadd.s32 @!p0 $0xFFFFE000;
	s10 =	simm.s32 @!p0 $0x5  }
0xdd: {  	_ =	swait.ge @!p0 [sflag:s10], $0x2000  }
0xde: {  	[sflag:s10] =	ssyncset.done @!p0 $0x0  }
0xdf: {  	s19 =	simm.s32 @!p0 $0x9180;
	[sflag:s10] =	ssyncadd.s32 @!p0 $0xFFFFE000;
	s10 =	sadd.s32 @!p0 $0x2B40, s18  }
0xe0: {  	[spmem:s2] =	stream.indirect.scatter.add.f32 @!p0 [tilespmem:s19], [sflag:$0xA], $0x80, s10, s24, $0xb8;
	[tilespmem:$0x1F180] =	vst v63  }
0xe1: {  	s10 =	sadd.s32 @!p0 $0x440, s18;
	s18 =	simm.s32 @!p0 $0x7180  }
0xe2: {  	[tilespmem:s18], [sflag:$0x4] =	stream.indirect.gather @!p0 [hbm4b:s4+s24], $0x80, s10, s24, $0xb8;
	[tilespmem:$0x1F180] =	vst v63  }
0xe3: {  	_ =	swait.ge [sflag:s12], $0x2000  }
0xe4: {  	[sflag:s12] =	ssyncset.done $0x0  }
.Ltmp3:
0xe5: {  	[sflag:s12] =	ssyncadd.s32 $0xFFFFE000;
	(pc) =	sbr.rel @p0 .LBB2_6-.Ltmp3, $4  }
0xe6: {  	_ =	swait.ge [sflag:s13], $0x2000  }
0xe7: {  	[sflag:s13] =	ssyncset.done $0x0  }
0xe8: {  	s24 =	sadd.s32 $0x2B80, s22;
	[sflag:s13] =	ssyncadd.s32 $0xFFFFE000  }
0xe9: {  	[spmem:s2] =	stream.indirect.scatter.add.f32 [tilespmem:s23], [sflag:$0xB], $0x80, s24, s26, $0xb8;
	[tilespmem:$0x1F180] =	vst v63  }
0xea: {  	s10 =	sadd.s32 $0x480, s22  }
0xeb: {  	[tilespmem:s0], [sflag:$0x5] =	stream.indirect.gather [hbm4b:s4+s26], $0x80, s10, s26, $0xb8;
	[tilespmem:$0x1F180] =	vst v63  }
0xec: {  	_ =	swait.ge [sflag:s14], $0x2000  }
0xed: {  	[sflag:s14] =	ssyncset.done $0x0  }
0xee: {  	[sflag:s14] =	ssyncadd.s32 $0xFFFFE000  }
0xef: {  	_ =	swait.ge [sflag:s15], $0x2000  }
.Ltmp4:
0xf0: {  	[sflag:s15] =	ssyncset.done $0x0;
	(pc) =	sbr.rel .LBB2_4-.Ltmp4, $4  }
0xf1: {  	s19 =	sadd.s32 $0x2BC0, s22;
	[sflag:s15] =	ssyncadd.s32 $0xFFFFE000  }
0xf2: {  	[spmem:s2] =	stream.indirect.scatter.add.f32 [tilespmem:s6], [sflag:$0xC], $0x80, s19, s26, $0xb8;
	[tilespmem:$0x1F180] =	vst v63  }
0xf3: {  	s24 =	sadd.s32 $0x4C0, s22;
	s17 =	sadd.s32 $0x500, s17  }
0xf4: {  	[tilespmem:s23], [sflag:$0x6] =	stream.indirect.gather [hbm4b:s4+s26], $0x80, s24, s26, $0xb8;
	[tilespmem:$0x1F180] =	vst v63  }
.LBB2_7:
0xf5: {  	_ =	sfence.sel $0x180000  }
0xf6: {  	[bflag:$0x0] =	sbarrier.arrive $0xFFFF  }
0xf7: {  	_ =	strace $0x9000004D  }
0xf8: {  	s0 =	stileid.u32;
	[bflag:$0x2] =	sbarrier.arrive $0xFFFF  }
0xf9: {  	p0 =	sne.s32 s0, $0x0;
	s0 =	rddreg [dreg:$0x3]  }
0xfa: {  	s0 =	sadd.s32 @!p0 $0x100000, s0  }
0xfb: {  	[sflag:s0] =	ssyncadd.tile.s32 @!p0 $0x1;
	_ =	shalt  }
.Lfunc_end2:
_tile_overlayer_lowered:
.L_overlay_start_2:
0xfc: {  	(tag) =	ssettag $0x2  }
0xfd: {  	s0 =	rddreg [dreg:$0x0];
	s2 =	stileid.u32  }
0xfe: {  	s1 =	rddreg [dreg:$0x1];
	p0 =	sne.s32 s2, $0x0  }
0xff: {  	s3 =	rddreg [dreg:$0x2];
	[bflag:$0x3] =	sbarrier.arrive $0xFFFF;
	s2 =	simm.s32 @!p0 $0x1C0D  }
0x100: {  	[timem:s3], [sflag:s2] =	dma.local @!p0 [hbm:s0], s1  }
0x101: {  	s0 =	simm.s32 @!p0 $0xD  }
0x102: {  	_ =	swait.ge @!p0 [sflag:s0], s1  }
0x103: {  	s1 =	ssub.s32 @!p0 $0x0, s1;
	[sflag:s0] =	ssyncset.done @!p0 $0x0  }
0x104: {  	[sflag:s0] =	ssyncadd.s32 @!p0 s1  }
0x105: {  	[bflag:$0x3] =	sbarrier.arrive $0xFFFF  }
0x106: {  	_ =	shalt  }

// kernel: kernel.9.cloned.1.call-start
scs
__scs_entry_jumppad:
0x0: {  	(pc) =	sbr.rel $0x88, $3  }
0x1: {  	(tag) =	ssettag $0x0;
	lr =	simm.s32 $0x1  }
0x2: {  	[smem:$0x3F94] =	sst lr;
	_ =	strace $0xD0000000  }
0x3: {  	_ = 	snop  }
0x4: {  	_ = 	snop  }
0x5: {  	_ = 	snop  }
0x6: {  	_ = 	snop  }
0x7: {  	_ = 	snop  }
__scs_overlays_trampoline_lowered:
0x8: {  	[smem:$0x3FA3] =	sst s0  }
0x9: {  	[smem:$0x3FA4] =	sst s1  }
0xa: {  	[smem:$0x3FA5] =	sst s2  }
0xb: {  	[smem:$0x3FA6] =	sst s3  }
0xc: {  	[smem:$0x3FA7] =	sst s4  }
0xd: {  	[smem:$0x3FA8] =	sst s5  }
0xe: {  	[smem:$0x3FA9] =	sst s6  }
0xf: {  	[smem:$0x3FAA] =	sst s7  }
0x10: {  	[smem:$0x3FAB] =	sst s8  }
0x11: {  	[smem:$0x3FAC] =	sst s9;
	s0 =	simm.s32 @!p0 $0x0  }
0x12: {  	s1 =	sld [smem:$0x3F92];
	s0 =	simm.s32 @p0 $0x1  }
0x13: {  	[smem:$0x3FAD] =	sst s0;
	s0 =	simm.s32 @!p1 $0x0  }
0x14: {  	s2 =	sld [smem:$0x3F91];
	s0 =	simm.s32 @p1 $0x1  }
0x15: {  	[smem:$0x3FAE] =	sst s0;
	s0 =	simm.s32 @!p2 $0x0  }
0x16: {  	s3 =	sld [smem:$0x3FDB];
	s0 =	simm.s32 @p2 $0x1  }
0x17: {  	s4 =	simm.s32 $0x1BF5;
	[smem:$0x3FB0] =	sst s0  }
0x18: {  	s0 =	sld [smem:$0x3F93];
	_ =	swait.ge [sflag:s4], $0x0  }
0x19: {  	s7 =	sld [smem:$0x3F94]  }
0x1a: {  	s8 =	sadd.s32 $0xFFFFE003, lr  }
0x1b: {  	s9 =	sadd.s32 $0xFFFFFEF7, lr;
	s5 =	simm.s32 $0xFFFFFFFF;
	p2 =	slt.u32 s8, $0xFFFFF086  }
0x1c: {  	p1 =	slt.u32 s9, $0xF7A;
	s5 =	simm.s32 @!p2 $0x0  }
0x1d: {  	s5 =	simm.s32 @p1 $0x1;
	p0 =	seq.s32 s7, s2  }
0x1e: {  	s7 =	smul.u32 @!p0 $0xF7A, s2;
	p2 =	seq.s32 @!p0 s5, $0x0  }
0x1f: {  	s9 =	smul.u32 $0xF7A, s1;
	s8 =	simm.s32 @!p0 $0x1BF5;
	p2 =	por !p2, p0  }
0x20: {  	[sflag:s8] =	ssyncset.s32 @!p0 $0xFFFFF086;
	s6 =	sadd.s32 @!p0 s3, s7;
	s7 =	simm.s32 @!p0 $0x108  }
0x21: {  	s3 =	sadd.s32 s3, s9;
	s6 =	sadd.s32 @!p0 $0x88, s6;
	s7 =	simm.s32 @p2 $0x1082  }
0x22: {  	[simem:s7], [sflag:s8] =	dma.local @!p0 [hbm:s6], $0xF7A  }
0x23: {  	s9 =	sor.u32 $0xD0000000, s2;
	s6 =	simm.s32 $0x108;
	_ =	swait.ge @!p0 [sflag:s8], $0x0  }
0x24: {  	s3 =	sadd.s32 $0x88, s3;
	s6 =	simm.s32 @!p1 $0x1082;
	[sflag:s4] =	ssyncset.s32 $0xFFFFF086  }
0x25: {  	[simem:s6], [sflag:s4] =	dma.local [hbm:s3], $0xF7A  }
0x26: {  	[smem:$0x3F94] =	sst s1;
	(tag) =	ssettag s2;
	_ =	strace s9  }
0x27: {  	s1 =	sld [smem:$0x3FA4]  }
0x28: {  	s2 =	sld [smem:$0x3FA5]  }
0x29: {  	s4 =	sld [smem:$0x3FA7]  }
0x2a: {  	p0 =	seq.s32 s5, $0x0;
	s5 =	sld [smem:$0x3FA8]  }
0x2b: {  	s6 =	sld [smem:$0x3FA9]  }
0x2c: {  	s7 =	sld [smem:$0x3FAA]  }
0x2d: {  	s3 =	simm.s32 $0x108;
	s8 =	sld [smem:$0x3FAB]  }
0x2e: {  	s3 =	simm.s32 @!p0 $0x1082;
	s9 =	sld [smem:$0x3FAC]  }
0x2f: {  	lr =	sadd.s32 s0, s3;
	s0 =	sld [smem:$0x3FA3]  }
0x30: {  	s3 =	sld [smem:$0x3FA6]  }
0x31: {  	[smem:$0x3FAF] =	sst s10  }
0x32: {  	s10 =	sld [smem:$0x3FAD];
	_ =	sdelay $0x3  }
0x33: {  	p0 =	seq.s32 s10, $0x1;
	s10 =	sld [smem:$0x3FAF];
	_ =	sdelay $0x3  }
0x34: {  	[smem:$0x3FAF] =	sst s10  }
0x35: {  	s10 =	sld [smem:$0x3FAE];
	_ =	sdelay $0x3  }
0x36: {  	p1 =	seq.s32 s10, $0x1;
	s10 =	sld [smem:$0x3FAF];
	_ =	sdelay $0x3  }
0x37: {  	[smem:$0x3FAF] =	sst s10  }
0x38: {  	s10 =	sld [smem:$0x3FB0]  }
0x39: {  	_ = 	snop;
	(pc) =	sbr.ind lr, $3  }
0x3a: {  	_ = 	snop  }
0x3b: {  	_ = 	snop  }
0x3c: {  	p2 =	seq.s32 s10, $0x1;
	s10 =	sld [smem:$0x3FAF]  }
0x3d: {  	_ =	shalt  }
0x3e: {  	_ =	shalt  }
0x3f: {  	_ =	shalt  }
0x40: {  	_ =	shalt  }
0x41: {  	_ =	shalt  }
0x42: {  	_ =	shalt  }
0x43: {  	_ =	shalt  }
0x44: {  	_ =	shalt  }
0x45: {  	_ =	shalt  }
0x46: {  	_ =	shalt  }
0x47: {  	_ =	shalt  }
0x48: {  	_ =	shalt  }
0x49: {  	_ =	shalt  }
0x4a: {  	_ =	shalt  }
0x4b: {  	_ =	shalt  }
0x4c: {  	_ =	shalt  }
0x4d: {  	_ =	shalt  }
0x4e: {  	_ =	shalt  }
0x4f: {  	_ =	shalt  }
0x50: {  	_ =	shalt  }
0x51: {  	_ =	shalt  }
0x52: {  	_ =	shalt  }
0x53: {  	_ =	shalt  }
0x54: {  	_ =	shalt  }
0x55: {  	_ =	shalt  }
0x56: {  	_ =	shalt  }
0x57: {  	_ =	shalt  }
0x58: {  	_ =	shalt  }
0x59: {  	_ =	shalt  }
0x5a: {  	_ =	shalt  }
0x5b: {  	_ =	shalt  }
0x5c: {  	_ =	shalt  }
0x5d: {  	_ =	shalt  }
0x5e: {  	_ =	shalt  }
0x5f: {  	_ =	shalt  }
0x60: {  	_ =	shalt  }
0x61: {  	_ =	shalt  }
0x62: {  	_ =	shalt  }
0x63: {  	_ =	shalt  }
0x64: {  	_ =	shalt  }
0x65: {  	_ =	shalt  }
0x66: {  	_ =	shalt  }
0x67: {  	_ =	shalt  }
0x68: {  	_ =	shalt  }
0x69: {  	_ =	shalt  }
0x6a: {  	_ =	shalt  }
0x6b: {  	_ =	shalt  }
0x6c: {  	_ =	shalt  }
0x6d: {  	_ =	shalt  }
0x6e: {  	_ =	shalt  }
0x6f: {  	_ =	shalt  }
0x70: {  	_ =	shalt  }
0x71: {  	_ =	shalt  }
0x72: {  	_ =	shalt  }
0x73: {  	_ =	shalt  }
0x74: {  	_ =	shalt  }
0x75: {  	_ =	shalt  }
0x76: {  	_ =	shalt  }
0x77: {  	_ =	shalt  }
0x78: {  	_ =	shalt  }
0x79: {  	_ =	shalt  }
0x7a: {  	_ =	shalt  }
0x7b: {  	_ =	shalt  }
0x7c: {  	_ =	shalt  }
0x7d: {  	_ =	shalt  }
0x7e: {  	_ =	shalt  }
0x7f: {  	_ =	shalt  }
0x80: {  	_ =	shalt  }
0x81: {  	_ =	shalt  }
0x82: {  	_ =	shalt  }
0x83: {  	_ =	shalt  }
0x84: {  	_ =	shalt  }
0x85: {  	_ =	shalt  }
0x86: {  	_ =	shalt  }
0x87: {  	_ =	shalt  }
.Lfunc_end0:
.L_simem_size_0:
called_computation_lowered:
.L_overlay_start_0:
0x88: {  	s2 =	sld [smem:$0x3FD9]  }
0x89: {  	s3 =	sld [smem:$0x3FFE];
	_ =	sdelay $0x1  }
0x8a: {  	s1 =	srdreg.scid  }
0x8b: {  	s0 =	sand.u32 $0x1, s1  }
0x8c: {  	s17 =	sshll.u32 s0, $0xA;
	s2 =	sadd.s32 s3, s2  }
0x8d: {  	s2 =	sadd.s32 s2, s17  }
0x8e: {  	[smem:$0x3FBB] =	sst s2  }
0x8f: {  	_ = 	snop  }
0x90: {  	s2 =	sld [smem:$0x3FD0];
	(tm) =	ssettm $0x1  }
0x91: {  	s18 =	sld [smem:$0x3FFB];
	_ =	sdelay $0x3  }
0x92: {  	_ =	strace s18  }
0x93: {  	s3 =	sld [smem:$0x3FFC];
	_ =	sdelay $0x3  }
0x94: {  	_ =	strace s3  }
0x95: {  	s3 =	sld [smem:$0x3FFD];
	_ =	sdelay $0x3  }
0x96: {  	_ =	strace s3  }
0x97: {  	_ =	strace $0x8FFFFFFF  }
0x98: {  	s19 =	sld [smem:$0x3FDB];
	_ =	sdelay $0x1  }
0x99: {  	s4 =	simm.s32 $_scs_section_size  }
0x9a: {  	s5 =	simm.s32 $_size__tile_overlayer_lowered;
	s6 =	simm.s32 $_tile_overlayer_lowered  }
0x9b: {  	s22 =	simm.s32 $0x1BFF;
	s21 =	sshll.u32 s6, $0x1;
	s3 =	sadd.s32 s4, s19  }
0x9c: {  	s7 =	simm.s32 $0x0;
	s20 =	sshll.u32 s5, $0x1;
	s5 =	sadd.s32 s21, s3  }
0x9d: {  	[timem:s7], [sflag:s22] =	dma.local [hbm:s5], s20  }
0x9e: {  	_ =	swait.ge [sflag:s22], s20  }
0x9f: {  	s4 =	ssub.s32 $0x0, s20;
	[sflag:s22] =	ssyncset.done $0x0  }
0xa0: {  	[sflag:s22] =	ssyncadd.s32 s4;
	_ =	sdelay $0x1  }
0xa1: {  	s23 =	simm.s32 $0x1B8B  }
0xa2: {  	_ =	swait.ge [sflag:s23], $0x1  }
0xa3: {  	[sflag:s23] =	ssyncset.done $0x0  }
0xa4: {  	s25 =	simm.s32 $0x1B8E;
	s24 =	sld [smem:$0x3FFE];
	[sflag:s23] =	ssyncadd.s32 $0xFFFFFFFF  }
0xa5: {  	s26 =	simm.s32 $execute0_lowered;
	[smem:$0x3FD2] =	sst s25  }
0xa6: {  	s5 =	sshll.u32 s26, $0x1;
	_ =	strace $0x80000046;
	[dreg:$0x1] =	wrdreg $0xFFFFFFFF  }
0xa7: {  	s28 =	simm.s32 $_size_execute0_lowered;
	s3 =	sadd.s32 s3, s5;
	[dreg:$0x0] =	wrdreg $0x0  }
0xa8: {  	s5 =	sshll.u32 s28, $0x1;
	[dreg:$0x2] =	wrdreg s3  }
0xa9: {  	[dreg:$0x3] =	wrdreg s5  }
0xaa: {  	[dreg:$0x4] =	wrdreg $0xC0  }
0xab: {  	_ =	task [dreg:s7], $0x5FFFF  }
0xac: {  	[dreg:$0x1] =	wrdreg $0xFFFFFFFF  }
0xad: {  	[dreg:$0x0] =	wrdreg $0x60  }
0xae: {  	[dreg:$0x2] =	wrdreg s24  }
0xaf: {  	[dreg:$0x3] =	wrdreg s2  }
0xb0: {  	[dreg:$0x4] =	wrdreg $0x151800  }
0xb1: {  	[dreg:$0x5] =	wrdreg $0x9  }
0xb2: {  	_ =	task.clear_ibuf [dreg:s7], $0x6FFFF;
	_ =	strace $0x90000046  }
0xb3: {  	s29 =	simm.s32 $0x9;
	_ =	strace $0x80000048  }
0xb4: {  	_ =	swait.ge [sflag:s29], $0x1  }
0xb5: {  	[sflag:s29] =	ssyncadd.s32 $0xFFFFFFFF  }
0xb6: {  	_ =	strace $0x90000048  }
0xb7: {  	_ =	sfence  }
0xb8: {  	s30 =	sld [smem:$0x0];
	_ =	sdelay $0x2  }
0xb9: {  	s31 =	sshll.u32 s1, $0xD;
	s1 =	sshrl.u32 s1, $0x2  }
0xba: {  	s3 =	sand.u32 $0x4000, s31;
	s1 =	sadd.s32 s1, s30  }
0xbb: {  	s0 =	sor.u32 s3, s0;
	s1 =	sshll.u32 s1, $0x11  }
0xbc: {  	s0 =	sor.u32 s1, s0  }
0xbd: {  	s0 =	sadd.s32 $0x8F2B, s0  }
0xbe: {  	[sflag:s0] =	ssyncadd.remote.s32 $0x1  }
0xbf: {  	_ =	sfence.sel $0xFFFF  }
0xc0: {  	[dreg:$0x0] =	wrdreg $0xFFFFFFFF;
	(pc) =	sbr.abs _section_cstart, $3  }
0xc1: {  	[dreg:$0x1] =	wrdreg $0xFFFFFFFF  }
0xc2: {  	_ =	task.clear_ibuf [dreg:s7], $0x2FFFF;
	_ =	strace $0x9FFFFFFF  }
0xc3: {  	(tm) =	ssettm $0x7FFFFFFF  }
tec
execute0_lowered:
.L_overlay_start_1:
0x0: {  	(tag) =	ssettag $0x1  }
0x1: {  	s0 =	rddreg [dreg:$0x0]  }
0x2: {  	s1 =	rddreg [dreg:$0x1]  }
0x3: {  	s2 =	rddreg [dreg:$0x2];
	s7 =	simm.s32 $0x0  }
0x4: {  	s3 =	srdreg.scid;
	s11 =	stileid.u32;
	s28 =	simm.s32 $0x5180  }
0x5: {  	s30 =	simm.s32 $0x7180;
	s29 =	simm.s32 $0xF180;
	s31 =	simm.s32 $0x1  }
0x6: {  	s3 =	sand.u32 $0x1, s3;
	s4 =	sshll.u32 s11, $0x1;
	s5 =	sshrl.u32 s11, $0x3  }
0x7: {  	s12 =	sshll.u32 s11, $0x7;
	[smem:$0x7FF] =	sst s7;
	s11 =	smul.u32 $0x28000, s11  }
0x8: {  	s6 =	sor.u32 s3, s4;
	s10 =	smul.u32 $0x14000, s5;
	s5 =	sand.u32 $0x380, s12  }
0x9: {  	_ =	strace $0x80000047;
	s4 =	sadd.s32 $0x9A00, s0;
	s13 =	smul.u32 $0x28, s6  }
0xa: {  	s3 =	ssub.s32 $0x2, s3;
	s12 =	simm.s32 $0xA;
	s9 =	smul.u32 $0x1400, s6  }
0xb: {  	s8 =	sshrl.u32 s3, $0x1;
	s14 =	smul.u32 $0x500, s6;
	s15 =	sshrl.u32 s11, $0x2  }
0xc: {  	s6 =	smul.u32 $0xA000, s6;
	s11 =	simm.s32 $0x5;
	s5 =	sor.u32 s5, s10  }
0xd: {  	s10 =	sadd.s32 $0x31A00, s0;
	s3 =	ssub.s32 s3, s8;
	s8 =	sadd.s32 s15, s2  }
0xe: {  	s15 =	simm.s32 $0x7;
	s7 =	sadd.s32 s13, s0;
	s5 =	sshrl.u32 s5, $0x3  }
0xf: {  	s1 =	sadd.s32 s1, s14;
	s17 =	sadd.s32 $0x2000, s8;
	s18 =	sadd.s32 $0x4000, s8  }
0x10: {  	s19 =	sshrl.u32 s6, $0x3;
	s20 =	sadd.s32 $0x6000, s8;
	[dreg:$0x5] =	wrdreg s1  }
0x11: {  	s21 =	sadd.s32 $0x8000, s8;
	s22 =	sadd.s32 s10, s9;
	[dreg:$0x7] =	wrdreg s17  }
0x12: {  	s26 =	smax.u32 s3, $0x1;
	s3 =	simm.s32 $0x2;
	[dreg:$0x8] =	wrdreg s18  }
0x13: {  	s6 =	simm.s32 $0xD180;
	s13 =	simm.s32 $0x6;
	[dreg:$0x9] =	wrdreg s20  }
0x14: {  	s14 =	simm.s32 $0xB;
	s5 =	sadd.s32 s5, s0;
	[dreg:$0xa] =	wrdreg s21  }
0x15: {  	s0 =	sadd.s32 s9, s0;
	s7 =	sadd.s32 $0x4400, s7;
	[dreg:$0xb] =	wrdreg s22  }
0x16: {  	s1 =	sadd.s32 s10, s19;
	[dreg:$0x11] =	wrdreg s26;
	s20 =	simm.s32 $0xD  }
0x17: {  	s18 =	simm.s32 $0x180;
	[dreg:$0x4] =	wrdreg s7;
	s16 =	sadd.s32 $0x4A00, s5  }
0x18: {  	s19 =	simm.s32 $0x80;
	s23 =	sadd.s32 $0x400, s1;
	[dreg:$0x6] =	wrdreg s16  }
0x19: {  	s26 =	simm.s32 $0x40;
	s24 =	sadd.s32 $0x800, s1;
	[dreg:$0xc] =	wrdreg s23  }
0x1a: {  	s9 =	simm.s32 $0x4;
	s25 =	sadd.s32 $0xC00, s1;
	[dreg:$0xd] =	wrdreg s24  }
.Ltmp0:
0x1b: {  	s1 =	sadd.s32 $0x1000, s1;
	[dreg:$0xe] =	wrdreg s25;
	(pc) =	sbr.rel .LBB2_1-.Ltmp0, $4  }
0x1c: {  	s21 =	simm.s32 $0x0;
	s0 =	sadd.s32 $0x59A00, s0;
	[dreg:$0xf] =	wrdreg s1  }
0x1d: {  	s5 =	simm.s32 $0x3;
	s7 =	simm.s32 $0x8;
	[dreg:$0x10] =	wrdreg s0  }
0x1e: {  	s24 =	simm.s32 $0x2980;
	s25 =	simm.s32 $0x13180;
	s0 =	simm.s32 $0x9180  }
0x1f: {  	v0 =	vimm.f32 $0.0e+00;
	s23 =	simm.s32 $0xB180;
	s1 =	simm.s32 $0x11180;
	s16 =	simm.s32 $0xC  }
.LBB2_6:
0x20: {  	_ =	swait.ge [sflag:s14], $0x2000  }
0x21: {  	[sflag:s14] =	ssyncset.done $0x0  }
0x22: {  	[sflag:s14] =	ssyncadd.s32 $0xFFFFE000  }
0x23: {  	_ =	swait.ge [sflag:s15], $0x2000  }
0x24: {  	[sflag:s15] =	ssyncset.done $0x0  }
0x25: {  	s10 =	sadd.s32 $0x2BC0, s22;
	[sflag:s15] =	ssyncadd.s32 $0xFFFFE000  }
0x26: {  	[spmem:s2] =	stream.indirect.scatter.add.f32 [tilespmem:s6], [sflag:$0xC], $0x80, s10, s26, $0xb8;
	[tilespmem:$0x1F180] =	vst v63  }
0x27: {  	_ =	swait.ge [sflag:s16], $0x2000  }
0x28: {  	[sflag:s16] =	ssyncset.done $0x0  }
0x29: {  	[sflag:s16] =	ssyncadd.s32 $0xFFFFE000  }
0x2a: {  	_ =	swait.ge [sflag:s3], $0x2000  }
0x2b: {  	[sflag:s3] =	ssyncset.done $0x0  }
0x2c: {  	[sflag:s3] =	ssyncadd.s32 $0xFFFFE000  }
0x2d: {  	s22 =	stileid.u32;
	_ =	swait.ge [sflag:s3], $0x2000  }
0x2e: {  	s17 =	sshrl.u32 s8, $0x3;
	s10 =	sshll.u32 s22, $0x6;
	[sflag:s3] =	ssyncset.done $0x0  }
0x2f: {  	s10 =	sor.u32 $0x1C0D, s10;
	s18 =	rddreg [dreg:$0x10];
	[sflag:s3] =	ssyncadd.s32 $0xFFFFE000  }
0x30: {  	[hbm:s18], [sflag:s10] =	dma.local [spmem:s17], $0x1400  }
0x31: {  	_ =	swait.ge [sflag:s20], $0x1400  }
0x32: {  	s21 =	sadd.s32 $0x1, s21;
	s24 =	rddreg [dreg:$0x11]  }
0x33: {  	p0 =	sne.s32 s21, s24  }
.Ltmp1:
0x34: {  	_ = 	snop;
	(pc) =	sbr.rel @!p0 .LBB2_7-.Ltmp1, $3  }
0x35: {  	_ =	sdelay $0x1  }
0x36: {  	s19 =	simm.s32 $0x80;
	[sflag:s20] =	ssyncset.done $0x0  }
0x37: {  	s18 =	simm.s32 $0x180;
	[sflag:s20] =	ssyncadd.s32 $0xFFFFEC00;
	s24 =	simm.s32 $0x2980  }
.LBB2_1:
0x38: {  	s10 =	simm.s32 $0x0;
	s17 =	rddreg [dreg:$0x4]  }
0x39: {  	[tilespmem:s10], [sflag:$0xD] =	stream.linear.gather [hbm4b:s17+s10], $0x140, $0x38;
	[tilespmem:$0x1F180] =	vst v63  }
0x3a: {  	_ =	swait.ge [sflag:s20], $0x140  }
0x3b: {  	[sflag:s20] =	ssyncset.done $0x0  }
0x3c: {  	s22 =	rddreg [dreg:$0x5];
	[sflag:s20] =	ssyncadd.s32 $0xFFFFFEC0  }
0x3d: {  	[tilespmem:s18], [sflag:$0xD] =	stream.linear.gather [hbm4b:s22+s10], $0x2800, $0x38;
	[tilespmem:$0x1F180] =	vst v63  }
0x3e: {  	_ =	swait.ge [sflag:s20], $0x2800  }
0x3f: {  	[sflag:s20] =	ssyncset.done $0x0  }
0x40: {  	s22 =	simm.s32 $0x400;
	s17 =	rddreg [dreg:$0x6];
	[sflag:s20] =	ssyncadd.s32 $0xFFFFD800  }
0x41: {  	[tilespmem:s24], [sflag:$0xD] =	stream.strided.gather [hbm4b:s17+s19], $0x2800, s22, s19, $0x38;
	[tilespmem:$0x1F180] =	vst v63  }
0x42: {  	_ =	swait.ge [sflag:s20], $0x2800  }
0x43: {  	[sflag:s20] =	ssyncset.done $0x0  }
0x44: {  	s17 =	simm.s32 $0x0;
	s22 =	simm.s32 $0x200;
	[sflag:s20] =	ssyncadd.s32 $0xFFFFD800  }
.LBB2_2:
0x45: {  	p0 =	sne.s32 s22, $0x7E00;
	[tilespmem:s17+$0x131F0] =	vst v0  }
0x46: {  	[tilespmem:s17+$0x13180] =	vst v0  }
0x47: {  	[tilespmem:s17+$0x13190] =	vst v0  }
.Ltmp2:
0x48: {  	[tilespmem:s17+$0x131A0] =	vst v0;
	(pc) =	sbr.rel @p0 .LBB2_2-.Ltmp2, $4  }
0x49: {  	[tilespmem:s17+$0x131B0] =	vst v0  }
0x4a: {  	[tilespmem:s17+$0x131C0] =	vst v0  }
0x4b: {  	[tilespmem:s17+$0x131D0] =	vst v0  }
0x4c: {  	[tilespmem:s17+$0x131E0] =	vst v0;
	s17 =	sshra.s32 s22, $0x2;
	s22 =	sadd.s32 $0x200, s22  }
0x4d: {  	[tilespmem:s17+$0x131F0] =	vst v0  }
0x4e: {  	[tilespmem:s17+$0x13180] =	vst v0  }
0x4f: {  	[tilespmem:s17+$0x13190] =	vst v0  }
0x50: {  	[tilespmem:s17+$0x131A0] =	vst v0  }
0x51: {  	[tilespmem:s17+$0x131B0] =	vst v0  }
0x52: {  	[tilespmem:s17+$0x131C0] =	vst v0  }
0x53: {  	[tilespmem:s17+$0x131D0] =	vst v0  }
0x54: {  	[tilespmem:s17+$0x131E0] =	vst v0  }
0x55: {  	[spmem:s8] =	stream.linear.scatter [tilespmem:s25], [sflag:$0xD], $0x2000, $0x38;
	[tilespmem:$0x1F180] =	vst v63  }
0x56: {  	_ =	swait.ge [sflag:s20], $0x2000  }
0x57: {  	[sflag:s20] =	ssyncset.done $0x0  }
0x58: {  	s10 =	rddreg [dreg:$0x7];
	[sflag:s20] =	ssyncadd.s32 $0xFFFFE000  }
0x59: {  	[spmem:s10] =	stream.linear.scatter [tilespmem:s25], [sflag:$0xD], $0x2000, $0x38;
	[tilespmem:$0x1F180] =	vst v63  }
0x5a: {  	_ =	swait.ge [sflag:s20], $0x2000  }
0x5b: {  	[sflag:s20] =	ssyncset.done $0x0  }
0x5c: {  	s17 =	rddreg [dreg:$0x8];
	[sflag:s20] =	ssyncadd.s32 $0xFFFFE000  }
0x5d: {  	[spmem:s17] =	stream.linear.scatter [tilespmem:s25], [sflag:$0xD], $0x2000, $0x38;
	[tilespmem:$0x1F180] =	vst v63  }
0x5e: {  	_ =	swait.ge [sflag:s20], $0x2000  }
0x5f: {  	[sflag:s20] =	ssyncset.done $0x0  }
0x60: {  	s22 =	rddreg [dreg:$0x9];
	[sflag:s20] =	ssyncadd.s32 $0xFFFFE000  }
0x61: {  	[spmem:s22] =	stream.linear.scatter [tilespmem:s25], [sflag:$0xD], $0x2000, $0x38;
	[tilespmem:$0x1F180] =	vst v63  }
0x62: {  	_ =	swait.ge [sflag:s20], $0x2000  }
0x63: {  	[sflag:s20] =	ssyncset.done $0x0  }
0x64: {  	s17 =	rddreg [dreg:$0xa];
	[sflag:s20] =	ssyncadd.s32 $0xFFFFE000  }
0x65: {  	[spmem:s17] =	stream.linear.scatter [tilespmem:s25], [sflag:$0xD], $0x2000, $0x38;
	[tilespmem:$0x1F180] =	vst v63  }
0x66: {  	_ =	swait.ge [sflag:s20], $0x2000  }
0x67: {  	[sflag:s20] =	ssyncset.done $0x0  }
0x68: {  	[sflag:s20] =	ssyncadd.s32 $0xFFFFE000  }
0x69: {  	[tilespmem:s28], [sflag:$0x3] =	stream.indirect.gather [hbm4b:s4+s26], $0x80, s18, s26, $0xb8;
	[tilespmem:$0x1F180] =	vst v63  }
0x6a: {  	s18 =	simm.s32 $0x1C0  }
0x6b: {  	[tilespmem:s30], [sflag:$0x4] =	stream.indirect.gather [hbm4b:s4+s26], $0x80, s18, s26, $0xb8;
	[tilespmem:$0x1F180] =	vst v63  }
0x6c: {  	s22 =	simm.s32 $0x200  }
0x6d: {  	[tilespmem:s0], [sflag:$0x5] =	stream.indirect.gather [hbm4b:s4+s26], $0x80, s22, s26, $0xb8;
	[tilespmem:$0x1F180] =	vst v63  }
0x6e: {  	s17 =	simm.s32 $0x240  }
0x6f: {  	[tilespmem:s23], [sflag:$0x6] =	stream.indirect.gather [hbm4b:s4+s26], $0x80, s17, s26, $0xb8;
	[tilespmem:$0x1F180] =	vst v63  }
0x70: {  	s17 =	simm.s32 $0x0  }
0x71: {  	[tilespmem:s29], [sflag:$0x1] =	stream.indirect.gather [hbm4b:s4+s26], $0x80, s17, s26, $0xb8;
	[tilespmem:$0x1F180] =	vst v63  }
0x72: {  	_ =	swait.ge [sflag:s31], $0x2000  }
0x73: {  	[sflag:s31] =	ssyncset.done $0x0  }
0x74: {  	s18 =	rddreg [dreg:$0xb];
	[sflag:s31] =	ssyncadd.s32 $0xFFFFE000  }
0x75: {  	[hbm4b:s18+s17] =	stream.linear.scatter [tilespmem:s29], [sflag:$0x2], $0x2000, $0x38;
	[tilespmem:$0x1F180] =	vst v63  }
0x76: {  	_ = 	snop  }
0x77: {  	[tilespmem:s1], [sflag:$0x1] =	stream.indirect.gather [hbm4b:s4+s26], $0x80, s26, s26, $0xb8;
	[tilespmem:$0x1F180] =	vst v63  }
0x78: {  	_ =	swait.ge [sflag:s31], $0x2000  }
0x79: {  	[sflag:s31] =	ssyncset.done $0x0  }
0x7a: {  	s22 =	rddreg [dreg:$0xc];
	[sflag:s31] =	ssyncadd.s32 $0xFFFFE000  }
0x7b: {  	[hbm4b:s22+s17] =	stream.linear.scatter [tilespmem:s1], [sflag:$0x2], $0x2000, $0x38;
	[tilespmem:$0x1F180] =	vst v63  }
0x7c: {  	_ =	swait.ge [sflag:s3], $0x2000  }
0x7d: {  	[sflag:s3] =	ssyncset.done $0x0  }
0x7e: {  	[sflag:s3] =	ssyncadd.s32 $0xFFFFE000  }
0x7f: {  	[tilespmem:s29], [sflag:$0x1] =	stream.indirect.gather [hbm4b:s4+s26], $0x80, s19, s26, $0xb8;
	[tilespmem:$0x1F180] =	vst v63  }
0x80: {  	_ =	swait.ge [sflag:s31], $0x2000  }
0x81: {  	[sflag:s31] =	ssyncset.done $0x0  }
0x82: {  	s18 =	rddreg [dreg:$0xd];
	[sflag:s31] =	ssyncadd.s32 $0xFFFFE000  }
0x83: {  	[hbm4b:s18+s17] =	stream.linear.scatter [tilespmem:s29], [sflag:$0x2], $0x2000, $0x38;
	[tilespmem:$0x1F180] =	vst v63  }
0x84: {  	_ =	swait.ge [sflag:s3], $0x2000  }
0x85: {  	[sflag:s3] =	ssyncset.done $0x0  }
0x86: {  	s19 =	simm.s32 $0xC0;
	[sflag:s3] =	ssyncadd.s32 $0xFFFFE000  }
0x87: {  	[tilespmem:s1], [sflag:$0x1] =	stream.indirect.gather [hbm4b:s4+s26], $0x80, s19, s26, $0xb8;
	[tilespmem:$0x1F180] =	vst v63  }
0x88: {  	_ =	swait.ge [sflag:s31], $0x2000  }
0x89: {  	[sflag:s31] =	ssyncset.done $0x0  }
0x8a: {  	s22 =	rddreg [dreg:$0xe];
	[sflag:s31] =	ssyncadd.s32 $0xFFFFE000  }
0x8b: {  	[hbm4b:s22+s17] =	stream.linear.scatter [tilespmem:s1], [sflag:$0x2], $0x2000, $0x38;
	[tilespmem:$0x1F180] =	vst v63  }
0x8c: {  	_ =	swait.ge [sflag:s3], $0x2000  }
0x8d: {  	[sflag:s3] =	ssyncset.done $0x0  }
0x8e: {  	s18 =	simm.s32 $0x100;
	[sflag:s3] =	ssyncadd.s32 $0xFFFFE000  }
0x8f: {  	[tilespmem:s29], [sflag:$0x1] =	stream.indirect.gather [hbm4b:s4+s26], $0x80, s18, s26, $0xb8;
	[tilespmem:$0x1F180] =	vst v63  }
0x90: {  	_ =	swait.ge [sflag:s31], $0x2000  }
0x91: {  	[sflag:s31] =	ssyncset.done $0x0  }
0x92: {  	s19 =	rddreg [dreg:$0xf];
	[sflag:s31] =	ssyncadd.s32 $0xFFFFE000  }
0x93: {  	[hbm4b:s19+s17] =	stream.linear.scatter [tilespmem:s29], [sflag:$0x2], $0x2000, $0x38;
	[tilespmem:$0x1F180] =	vst v63  }
0x94: {  	_ =	swait.ge [sflag:s5], $0x2000  }
0x95: {  	[sflag:s5] =	ssyncset.done $0x0  }
0x96: {  	[sflag:s5] =	ssyncadd.s32 $0xFFFFE000  }
0x97: {  	[spmem:s2] =	stream.indirect.scatter.add.f32 [tilespmem:s28], [sflag:$0x8], $0x80, s24, s26, $0xb8;
	[tilespmem:$0x1F180] =	vst v63  }
0x98: {  	s22 =	simm.s32 $0x280  }
0x99: {  	[tilespmem:s6], [sflag:$0x7] =	stream.indirect.gather [hbm4b:s4+s26], $0x80, s22, s26, $0xb8;
	[tilespmem:$0x1F180] =	vst v63  }
0x9a: {  	_ =	swait.ge [sflag:s7], $0x2000  }
0x9b: {  	[sflag:s7] =	ssyncset.done $0x0  }
0x9c: {  	[sflag:s7] =	ssyncadd.s32 $0xFFFFE000  }
0x9d: {  	_ =	swait.ge [sflag:s9], $0x2000  }
0x9e: {  	[sflag:s9] =	ssyncset.done $0x0  }
0x9f: {  	s24 =	simm.s32 $0x29C0;
	[sflag:s9] =	ssyncadd.s32 $0xFFFFE000  }
0xa0: {  	[spmem:s2] =	stream.indirect.scatter.add.f32 [tilespmem:s30], [sflag:$0x9], $0x80, s24, s26, $0xb8;
	[tilespmem:$0x1F180] =	vst v63  }
0xa1: {  	s18 =	simm.s32 $0x2C0;
	s19 =	simm.s32 $0x9  }
0xa2: {  	[tilespmem:s28], [sflag:$0x3] =	stream.indirect.gather [hbm4b:s4+s26], $0x80, s18, s26, $0xb8;
	[tilespmem:$0x1F180] =	vst v63  }
0xa3: {  	_ =	swait.ge [sflag:s19], $0x2000  }
0xa4: {  	[sflag:s19] =	ssyncset.done $0x0  }
0xa5: {  	[sflag:s19] =	ssyncadd.s32 $0xFFFFE000  }
0xa6: {  	_ =	swait.ge [sflag:s11], $0x2000  }
0xa7: {  	[sflag:s11] =	ssyncset.done $0x0  }
0xa8: {  	s22 =	simm.s32 $0x2A00;
	[sflag:s11] =	ssyncadd.s32 $0xFFFFE000  }
0xa9: {  	[spmem:s2] =	stream.indirect.scatter.add.f32 [tilespmem:s0], [sflag:$0xA], $0x80, s22, s26, $0xb8;
	[tilespmem:$0x1F180] =	vst v63  }
0xaa: {  	s24 =	simm.s32 $0x300  }
0xab: {  	[tilespmem:s30], [sflag:$0x4] =	stream.indirect.gather [hbm4b:s4+s26], $0x80, s24, s26, $0xb8;
	[tilespmem:$0x1F180] =	vst v63  }
0xac: {  	_ =	swait.ge [sflag:s12], $0x2000  }
0xad: {  	[sflag:s12] =	ssyncset.done $0x0  }
0xae: {  	[sflag:s12] =	ssyncadd.s32 $0xFFFFE000  }
0xaf: {  	_ =	swait.ge [sflag:s13], $0x2000  }
0xb0: {  	[sflag:s13] =	ssyncset.done $0x0  }
0xb1: {  	s18 =	simm.s32 $0x2A40;
	[sflag:s13] =	ssyncadd.s32 $0xFFFFE000  }
0xb2: {  	[spmem:s2] =	stream.indirect.scatter.add.f32 [tilespmem:s23], [sflag:$0xB], $0x80, s18, s26, $0xb8;
	[tilespmem:$0x1F180] =	vst v63  }
0xb3: {  	s19 =	simm.s32 $0x340  }
0xb4: {  	[tilespmem:s0], [sflag:$0x5] =	stream.indirect.gather [hbm4b:s4+s26], $0x80, s19, s26, $0xb8;
	[tilespmem:$0x1F180] =	vst v63  }
0xb5: {  	_ =	swait.ge [sflag:s14], $0x2000  }
0xb6: {  	[sflag:s14] =	ssyncset.done $0x0  }
0xb7: {  	[sflag:s14] =	ssyncadd.s32 $0xFFFFE000  }
0xb8: {  	_ =	swait.ge [sflag:s15], $0x2000  }
0xb9: {  	[sflag:s15] =	ssyncset.done $0x0  }
0xba: {  	s22 =	simm.s32 $0x2A80;
	[sflag:s15] =	ssyncadd.s32 $0xFFFFE000  }
0xbb: {  	[spmem:s2] =	stream.indirect.scatter.add.f32 [tilespmem:s6], [sflag:$0xC], $0x80, s22, s26, $0xb8;
	[tilespmem:$0x1F180] =	vst v63  }
0xbc: {  	s24 =	simm.s32 $0x380  }
0xbd: {  	[tilespmem:s23], [sflag:$0x6] =	stream.indirect.gather [hbm4b:s4+s26], $0x80, s24, s26, $0xb8;
	[tilespmem:$0x1F180] =	vst v63  }
.LBB2_4:
0xbe: {  	_ =	swait.ge [sflag:s16], $0x2000  }
0xbf: {  	[sflag:s16] =	ssyncset.done $0x0  }
0xc0: {  	[sflag:s16] =	ssyncadd.s32 $0xFFFFE000  }
0xc1: {  	_ =	swait.ge [sflag:s5], $0x2000  }
0xc2: {  	s22 =	sshra.s32 s17, $0x2;
	[sflag:s5] =	ssyncset.done $0x0  }
0xc3: {  	s18 =	sadd.s32 $0x2AC0, s22;
	[sflag:s5] =	ssyncadd.s32 $0xFFFFE000  }
0xc4: {  	[spmem:s2] =	stream.indirect.scatter.add.f32 [tilespmem:s28], [sflag:$0x8], $0x80, s18, s26, $0xb8;
	[tilespmem:$0x1F180] =	vst v63  }
0xc5: {  	s10 =	sadd.s32 $0x3C0, s22  }
0xc6: {  	[tilespmem:s6], [sflag:$0x7] =	stream.indirect.gather [hbm4b:s4+s26], $0x80, s10, s26, $0xb8;
	[tilespmem:$0x1F180] =	vst v63  }
0xc7: {  	_ =	swait.ge [sflag:s7], $0x2000  }
0xc8: {  	[sflag:s7] =	ssyncset.done $0x0  }
0xc9: {  	[sflag:s7] =	ssyncadd.s32 $0xFFFFE000  }
0xca: {  	_ =	swait.ge [sflag:s9], $0x2000  }
0xcb: {  	p0 =	seq.s32 s17, $0x9600;
	[sflag:s9] =	ssyncset.done $0x0  }
0xcc: {  	s19 =	sadd.s32 $0x2B00, s22;
	s18 =	simm.s32 @p0 $0x9;
	[sflag:s9] =	ssyncadd.s32 $0xFFFFE000  }
0xcd: {  	[spmem:s2] =	stream.indirect.scatter.add.f32 [tilespmem:s30], [sflag:$0x9], $0x80, s19, s26, $0xb8;
	[tilespmem:$0x1F180] =	vst v63  }
0xce: {  	_ =	swait.ge @p0 [sflag:s18], $0x2000  }
0xcf: {  	[sflag:s18] =	ssyncset.done @p0 $0x0  }
0xd0: {  	[sflag:s18] =	ssyncadd.s32 @p0 $0xFFFFE000;
	s18 =	simm.s32 @p0 $0x5  }
0xd1: {  	_ =	swait.ge @p0 [sflag:s18], $0x2000  }
0xd2: {  	[sflag:s18] =	ssyncset.done @p0 $0x0  }
0xd3: {  	[sflag:s18] =	ssyncadd.s32 @p0 $0xFFFFE000;
	s18 =	sshra.s32 @p0 s17, $0x2  }
0xd4: {  	s24 =	simm.s32 @p0 $0x9180;
	s19 =	simm.s32 @p0 $0x40;
	s18 =	sadd.s32 @p0 $0x2B40, s18  }
0xd5: {  	[spmem:s2] =	stream.indirect.scatter.add.f32 @p0 [tilespmem:s24], [sflag:$0xA], $0x80, s18, s19, $0xb8;
	[tilespmem:$0x1F180] =	vst v63  }
0xd6: {  	s18 =	sshra.s32 @!p0 s17, $0x2  }
0xd7: {  	s10 =	simm.s32 @!p0 $0x5180;
	s24 =	simm.s32 @!p0 $0x40;
	s19 =	sadd.s32 @!p0 $0x400, s18  }
0xd8: {  	[tilespmem:s10], [sflag:$0x3] =	stream.indirect.gather @!p0 [hbm4b:s4+s24], $0x80, s19, s24, $0xb8;
	[tilespmem:$0x1F180] =	vst v63  }
0xd9: {  	s10 =	simm.s32 @!p0 $0x9  }
0xda: {  	_ =	swait.ge @!p0 [sflag:s10], $0x2000  }
0xdb: {  	[sflag:s10] =	ssyncset.done @!p0 $0x0  }
0xdc: {  	[sflag:s10] =	ssyncadd.s32 @!p0 $0xFFFFE000;
	s10 =	simm.s32 @!p0 $0x5  }
0xdd: {  	_ =	swait.ge @!p0 [sflag:s10], $0x2000  }
0xde: {  	[sflag:s10] =	ssyncset.done @!p0 $0x0  }
0xdf: {  	s19 =	simm.s32 @!p0 $0x9180;
	[sflag:s10] =	ssyncadd.s32 @!p0 $0xFFFFE000;
	s10 =	sadd.s32 @!p0 $0x2B40, s18  }
0xe0: {  	[spmem:s2] =	stream.indirect.scatter.add.f32 @!p0 [tilespmem:s19], [sflag:$0xA], $0x80, s10, s24, $0xb8;
	[tilespmem:$0x1F180] =	vst v63  }
0xe1: {  	s10 =	sadd.s32 @!p0 $0x440, s18;
	s18 =	simm.s32 @!p0 $0x7180  }
0xe2: {  	[tilespmem:s18], [sflag:$0x4] =	stream.indirect.gather @!p0 [hbm4b:s4+s24], $0x80, s10, s24, $0xb8;
	[tilespmem:$0x1F180] =	vst v63  }
0xe3: {  	_ =	swait.ge [sflag:s12], $0x2000  }
0xe4: {  	[sflag:s12] =	ssyncset.done $0x0  }
.Ltmp3:
0xe5: {  	[sflag:s12] =	ssyncadd.s32 $0xFFFFE000;
	(pc) =	sbr.rel @p0 .LBB2_6-.Ltmp3, $4  }
0xe6: {  	_ =	swait.ge [sflag:s13], $0x2000  }
0xe7: {  	[sflag:s13] =	ssyncset.done $0x0  }
0xe8: {  	s24 =	sadd.s32 $0x2B80, s22;
	[sflag:s13] =	ssyncadd.s32 $0xFFFFE000  }
0xe9: {  	[spmem:s2] =	stream.indirect.scatter.add.f32 [tilespmem:s23], [sflag:$0xB], $0x80, s24, s26, $0xb8;
	[tilespmem:$0x1F180] =	vst v63  }
0xea: {  	s10 =	sadd.s32 $0x480, s22  }
0xeb: {  	[tilespmem:s0], [sflag:$0x5] =	stream.indirect.gather [hbm4b:s4+s26], $0x80, s10, s26, $0xb8;
	[tilespmem:$0x1F180] =	vst v63  }
0xec: {  	_ =	swait.ge [sflag:s14], $0x2000  }
0xed: {  	[sflag:s14] =	ssyncset.done $0x0  }
0xee: {  	[sflag:s14] =	ssyncadd.s32 $0xFFFFE000  }
0xef: {  	_ =	swait.ge [sflag:s15], $0x2000  }
.Ltmp4:
0xf0: {  	[sflag:s15] =	ssyncset.done $0x0;
	(pc) =	sbr.rel .LBB2_4-.Ltmp4, $4  }
0xf1: {  	s19 =	sadd.s32 $0x2BC0, s22;
	[sflag:s15] =	ssyncadd.s32 $0xFFFFE000  }
0xf2: {  	[spmem:s2] =	stream.indirect.scatter.add.f32 [tilespmem:s6], [sflag:$0xC], $0x80, s19, s26, $0xb8;
	[tilespmem:$0x1F180] =	vst v63  }
0xf3: {  	s24 =	sadd.s32 $0x4C0, s22;
	s17 =	sadd.s32 $0x500, s17  }
0xf4: {  	[tilespmem:s23], [sflag:$0x6] =	stream.indirect.gather [hbm4b:s4+s26], $0x80, s24, s26, $0xb8;
	[tilespmem:$0x1F180] =	vst v63  }
.LBB2_7:
0xf5: {  	_ =	sfence.sel $0x180000  }
0xf6: {  	[bflag:$0x0] =	sbarrier.arrive $0xFFFF  }
0xf7: {  	_ =	strace $0x90000047  }
0xf8: {  	s0 =	stileid.u32;
	[bflag:$0x2] =	sbarrier.arrive $0xFFFF  }
0xf9: {  	p0 =	sne.s32 s0, $0x0;
	s0 =	rddreg [dreg:$0x3]  }
0xfa: {  	s0 =	sadd.s32 @!p0 $0x100000, s0  }
0xfb: {  	[sflag:s0] =	ssyncadd.tile.s32 @!p0 $0x1;
	_ =	shalt  }
.Lfunc_end2:
_tile_overlayer_lowered:
.L_overlay_start_2:
0xfc: {  	(tag) =	ssettag $0x2  }
0xfd: {  	s0 =	rddreg [dreg:$0x0];
	s2 =	stileid.u32  }
0xfe: {  	s1 =	rddreg [dreg:$0x1];
	p0 =	sne.s32 s2, $0x0  }
0xff: {  	s3 =	rddreg [dreg:$0x2];
	[bflag:$0x3] =	sbarrier.arrive $0xFFFF;
	s2 =	simm.s32 @!p0 $0x1C0D  }
0x100: {  	[timem:s3], [sflag:s2] =	dma.local @!p0 [hbm:s0], s1  }
0x101: {  	s0 =	simm.s32 @!p0 $0xD  }
0x102: {  	_ =	swait.ge @!p0 [sflag:s0], s1  }
0x103: {  	s1 =	ssub.s32 @!p0 $0x0, s1;
	[sflag:s0] =	ssyncset.done @!p0 $0x0  }
0x104: {  	[sflag:s0] =	ssyncadd.s32 @!p0 s1  }
0x105: {  	[bflag:$0x3] =	sbarrier.arrive $0xFFFF  }
0x106: {  	_ =	shalt  }

</sc_bundles>
